<compile_context>
chip_gen: v7x
topology: tpu7x:2x2x1
jax: 0.10.2.dev20260603
libtpu: 0.0.44.dev20260713+nightly
codegen_flags: <defaults>
</compile_context>

<pallas_src>
import functools

import jax
import jax.numpy as jnp
from jax import lax
from jax.experimental import pallas as pl
from jax.experimental.pallas import tpu as pltpu
from jax.experimental.pallas import tpu_sc as plsc

N = 10000
E = 320000
D = 128
H1 = 256
H2 = 128

NC = 2
NS = 16
NW = NC * NS

EPW = E // NW
EPT = E // NS
N_PAD = 10240
NPT = N_PAD // NS
GC = 80
SCC = 80
CW = 128

_mesh = plsc.VectorSubcoreMesh(core_axis_name="c", subcore_axis_name="s")
_f32 = jnp.float32


@functools.partial(
    pl.kernel,
    out_type=(jax.ShapeDtypeStruct((E, D), _f32),
              jax.ShapeDtypeStruct((E, D), _f32)),
    mesh=_mesh,
    scratch_types=[
        pltpu.VMEM((GC,), jnp.int32),
        pltpu.VMEM((GC,), jnp.int32),
        pltpu.VMEM((GC, D), _f32),
        pltpu.VMEM((GC, D), _f32),
        pltpu.SemaphoreType.DMA,
        pltpu.SemaphoreType.DMA,
    ],
)
def _sc_gather(hidden, sidx, pidx, outs, outp,
               sidx_v, pidx_v, rows_s, rows_p, sem_s, sem_p):
    wid = lax.axis_index("s") * NC + lax.axis_index("c")
    base = wid * EPW

    def body(i, carry):
        off = base + i * GC
        pltpu.sync_copy(sidx.at[pl.ds(off, GC)], sidx_v)
        pltpu.sync_copy(pidx.at[pl.ds(off, GC)], pidx_v)
        cs = pltpu.async_copy(hidden.at[sidx_v], rows_s, sem_s)
        cp = pltpu.async_copy(hidden.at[pidx_v], rows_p, sem_p)
        cs.wait()
        cp.wait()
        pltpu.sync_copy(rows_s, outs.at[pl.ds(off, GC)])
        pltpu.sync_copy(rows_p, outp.at[pl.ds(off, GC)])
        return carry

    lax.fori_loop(0, EPW // GC, body, 0)


@functools.partial(
    pl.kernel,
    out_type=(jax.ShapeDtypeStruct((N_PAD, D), _f32),
              jax.ShapeDtypeStruct((N_PAD, D), _f32)),
    mesh=_mesh,
    scratch_types=[
        pltpu.VMEM_SHARED((N_PAD, D), _f32),
        pltpu.VMEM((SCC,), jnp.int32),
        pltpu.VMEM((SCC, D), _f32),
    ],
)
def _sc_scatter(vp, vc, sidx, pidx, zeros_nd, outp, outc, acc, idx_v, val_v):
    cid = lax.axis_index("c")
    sid = lax.axis_index("s")
    row0 = sid * NPT
    pltpu.sync_copy(zeros_nd.at[pl.ds(row0, NPT)], acc.at[pl.ds(row0, NPT)])
    plsc.subcore_barrier()

    def run(vals_hbm, idx_hbm, out_hbm):
        base = sid * EPT

        def body(i, carry):
            off = base + i * SCC
            pltpu.sync_copy(idx_hbm.at[pl.ds(off, SCC)], idx_v)
            pltpu.sync_copy(vals_hbm.at[pl.ds(off, SCC)], val_v)
            pltpu.sync_copy(val_v, acc.at[idx_v], add=True)
            return carry

        lax.fori_loop(0, EPT // SCC, body, 0)
        plsc.subcore_barrier()
        pltpu.sync_copy(acc.at[pl.ds(row0, NPT)], out_hbm.at[pl.ds(row0, NPT)])

    @pl.when(cid == 0)
    def _():
        run(vp, sidx, outp)

    @pl.when(cid == 1)
    def _():
        run(vc, pidx, outc)


@functools.partial(
    pl.kernel,
    out_type=(jax.ShapeDtypeStruct((N_PAD, CW), _f32),
              jax.ShapeDtypeStruct((N_PAD, CW), _f32)),
    mesh=_mesh,
    scratch_types=[
        pltpu.VMEM_SHARED((N_PAD, CW), _f32),
        pltpu.VMEM((SCC,), jnp.int32),
        pltpu.VMEM((SCC, CW), _f32),
    ],
)
def _sc_counts(sidx, pidx, ones_cw, zeros_cw, outs, outp, acc, idx_v, ones_v):
    cid = lax.axis_index("c")
    sid = lax.axis_index("s")
    row0 = sid * NPT
    pltpu.sync_copy(ones_cw, ones_v)
    pltpu.sync_copy(zeros_cw.at[pl.ds(row0, NPT)], acc.at[pl.ds(row0, NPT)])
    plsc.subcore_barrier()

    def run(idx_hbm, out_hbm):
        base = sid * EPT

        def body(i, carry):
            off = base + i * SCC
            pltpu.sync_copy(idx_hbm.at[pl.ds(off, SCC)], idx_v)
            pltpu.sync_copy(ones_v, acc.at[idx_v], add=True)
            return carry

        lax.fori_loop(0, EPT // SCC, body, 0)
        plsc.subcore_barrier()
        pltpu.sync_copy(acc.at[pl.ds(row0, NPT)], out_hbm.at[pl.ds(row0, NPT)])

    @pl.when(cid == 0)
    def _():
        run(sidx, outs)

    @pl.when(cid == 1)
    def _():
        run(pidx, outp)


def _relu(x):
    return jnp.maximum(x, 0.0)


def _dot(a, b):
    return jnp.dot(a, b, preferred_element_type=_f32)


def _vmlp_body(x, w1, b1, w2, b2, o):
    h = _relu(_dot(x[...], w1[...]) + b1[...])
    o[...] = _relu(_dot(h, w2[...]) + b2[...])


def _vmlp(x, w1, b1, w2, b2):
    BN = 1000
    return pl.pallas_call(
        _vmlp_body,
        grid=(N // BN,),
        in_specs=[
            pl.BlockSpec((BN, D), lambda i: (i, 0)),
            pl.BlockSpec((D, H1), lambda i: (0, 0)),
            pl.BlockSpec((1, H1), lambda i: (0, 0)),
            pl.BlockSpec((H1, H2), lambda i: (0, 0)),
            pl.BlockSpec((1, H2), lambda i: (0, 0)),
        ],
        out_specs=pl.BlockSpec((BN, H2), lambda i: (i, 0)),
        out_shape=jax.ShapeDtypeStruct((N, H2), _f32),
    )(x, w1, b1, w2, b2)


def _edge_body(s, p, w1s, w1p, b1, wp2, bp2, wc2, bc2, op, oc):
    sv = s[...]
    pv = p[...]
    h = _relu(_dot(sv, w1s[...]) + _dot(pv, w1p[...]) + b1[...])
    op[...] = _relu(_dot(h[:, :H1], wp2[...]) + bp2[...])
    oc[...] = _relu(_dot(h[:, H1:], wc2[...]) + bc2[...])


def _edge_mlp(gs, gp, w1s, w1p, b1, wp2, bp2, wc2, bc2):
    BE = 1000
    full = lambda *shape: pl.BlockSpec(shape, lambda i: (0,) * len(shape))
    return pl.pallas_call(
        _edge_body,
        grid=(E // BE,),
        in_specs=[
            pl.BlockSpec((BE, D), lambda i: (i, 0)),
            pl.BlockSpec((BE, D), lambda i: (i, 0)),
            full(D, 2 * H1),
            full(D, 2 * H1),
            full(1, 2 * H1),
            full(H1, H2),
            full(1, H2),
            full(H1, H2),
            full(1, H2),
        ],
        out_specs=[
            pl.BlockSpec((BE, H2), lambda i: (i, 0)),
            pl.BlockSpec((BE, H2), lambda i: (i, 0)),
        ],
        out_shape=[
            jax.ShapeDtypeStruct((E, H2), _f32),
            jax.ShapeDtypeStruct((E, H2), _f32),
        ],
    )(gs, gp, w1s, w1p, b1, wp2, bp2, wc2, bc2)


def _aggr_body(h, sp, sc_, cs, cp, rm, lm, st, et, wa, wb, wc, b1, w2, b2, o):
    hv = h[...]
    rcs = 1.0 / jnp.maximum(cs[...][:, 0:1], 1.0)
    rcp = 1.0 / jnp.maximum(cp[...][:, 0:1], 1.0)
    spv = sp[...] * rcs + rm[...] * st[...]
    scv = sc_[...] * rcp + lm[...] * et[...]
    h1 = _relu(_dot(hv, wa[...]) + _dot(spv, wb[...]) + _dot(scv, wc[...])
               + b1[...])
    o[...] = hv + _relu(_dot(h1, w2[...]) + b2[...])


def _aggr(h, sp, sc_, cs, cp, rm, lm, st, et, wa, wb, wc, b1, w2, b2):
    BN = 1000
    full = lambda *shape: pl.BlockSpec(shape, lambda i: (0,) * len(shape))
    return pl.pallas_call(
        _aggr_body,
        grid=(N // BN,),
        in_specs=[
            pl.BlockSpec((BN, H2), lambda i: (i, 0)),
            pl.BlockSpec((BN, H2), lambda i: (i, 0)),
            pl.BlockSpec((BN, H2), lambda i: (i, 0)),
            pl.BlockSpec((BN, CW), lambda i: (i, 0)),
            pl.BlockSpec((BN, CW), lambda i: (i, 0)),
            pl.BlockSpec((BN, 1), lambda i: (i, 0)),
            pl.BlockSpec((BN, 1), lambda i: (i, 0)),
            full(1, D),
            full(1, D),
            full(H2, H1),
            full(H2, H1),
            full(H2, H1),
            full(1, H1),
            full(H1, H2),
            full(1, H2),
        ],
        out_specs=pl.BlockSpec((BN, H2), lambda i: (i, 0)),
        out_shape=jax.ShapeDtypeStruct((N, H2), _f32),
    )(h, sp, sc_, cs, cp, rm, lm, st, et, wa, wb, wc, b1, w2, b2)


def kernel(batch_token, self_idx_batch, parent_idx_batch, root_mask, leaf_mask,
           start_token, end_token,
           V_W1, V_b1, V_W2, V_b2,
           E_W1, E_b1, E_W2, E_b2,
           p_W1, p_b1, p_W2, p_b2,
           c_W1, c_b1, c_W2, c_b2,
           aggr_W1, aggr_b1, aggr_W2, aggr_b2):
    one = jnp.ones((1, 1), _f32)
    zero = jnp.zeros((1, 1), _f32)
    edge_in = _relu(_relu(one @ E_W1 + E_b1) @ E_W2 + E_b2)
    edge_out = _relu(_relu(zero @ E_W1 + E_b1) @ E_W2 + E_b2)
    w1s = jnp.concatenate([p_W1[D:2 * D], c_W1[0:D]], axis=1)
    w1p = jnp.concatenate([p_W1[0:D], c_W1[D:2 * D]], axis=1)
    b1f = jnp.concatenate([p_b1[None, :] + edge_out @ p_W1[2 * D:],
                           c_b1[None, :] + edge_in @ c_W1[2 * D:]], axis=1)
    wa = aggr_W1[0:D]
    wb = aggr_W1[D:2 * D]
    wc = aggr_W1[2 * D:]

    rm2 = root_mask[:, None]
    lm2 = leaf_mask[:, None]
    st2 = start_token[None, :]
    et2 = end_token[None, :]
    zeros_nd = jnp.zeros((N_PAD, D), _f32)
    ones_cw = jnp.ones((SCC, CW), _f32)
    zeros_cw = jnp.zeros((N_PAD, CW), _f32)

    hidden = _vmlp(batch_token, V_W1, V_b1[None, :], V_W2, V_b2[None, :])
    cnt_s, cnt_p = _sc_counts(self_idx_batch, parent_idx_batch,
                              ones_cw, zeros_cw)
    cnt_s = cnt_s[:N]
    cnt_p = cnt_p[:N]

    for _hop in range(2):
        gs, gp = _sc_gather(hidden, self_idx_batch, parent_idx_batch)
        vp, vc = _edge_mlp(gs, gp, w1s, w1p, b1f,
                           p_W2, p_b2[None, :], c_W2, c_b2[None, :])
        sum_p, sum_c = _sc_scatter(vp, vc, self_idx_batch, parent_idx_batch,
                                   zeros_nd)
        sum_p = sum_p[:N]
        sum_c = sum_c[:N]
        hidden = _aggr(hidden, sum_p, sum_c, cnt_s, cnt_p, rm2, lm2, st2, et2,
                       wa, wb, wc, aggr_b1[None, :], aggr_W2,
                       aggr_b2[None, :])
    return hidden

# --- scband reference (transcript-rebuilt; emitter-appended) ---
"""Pipeline reference for scband-gnn-12000138625191 (READ-ONLY COPY).

The authoritative reference and input builder live on the scoring server;
editing this copy changes nothing except your own understanding.
"""

import jax, jax.numpy as jnp
import numpy as np

N = 10000
E = 320000
D = 128
H1 = 256
H2 = 128
NUM_HOPS = 2


def _mlp(x, W1, b1, W2, b2):
    h = jax.nn.relu(x @ W1 + b1)
    return jax.nn.relu(h @ W2 + b2)


def _scatter_mean(vals, idx, n):
    s = jax.ops.segment_sum(vals, idx, num_segments=n)
    c = jax.ops.segment_sum(jnp.ones((vals.shape[0],), vals.dtype), idx, num_segments=n)
    return s / jnp.maximum(c, 1.0)[:, None]


def setup_inputs(seed: int = 0):
    key = jax.random.key(seed)
    ks = jax.random.split(key, 32)
    inp = {}
    inp['batch_token'] = jax.random.normal(ks[0], (N, D), dtype=jnp.float32)
    inp['self_idx_batch'] = jax.random.randint(ks[1], (E,), 0, N, dtype=jnp.int32)
    inp['parent_idx_batch'] = jax.random.randint(ks[2], (E,), 0, N, dtype=jnp.int32)
    inp['root_mask'] = jax.random.uniform(ks[3], (N,), dtype=jnp.float32)
    inp['leaf_mask'] = jax.random.uniform(ks[4], (N,), dtype=jnp.float32)
    inp['start_token'] = jax.random.normal(ks[5], (D,), dtype=jnp.float32)
    inp['end_token'] = jax.random.normal(ks[6], (D,), dtype=jnp.float32)
    i = 7
    for name, ins in [('V', D), ('E', 1), ('p', 3 * D), ('c', 3 * D), ('aggr', 3 * D)]:
        inp[name + '_W1'] = jax.random.uniform(ks[i], (ins, H1), minval=-0.1, maxval=0.1); i += 1
        inp[name + '_b1'] = jax.random.uniform(ks[i], (H1,), minval=-0.1, maxval=0.1); i += 1
        inp[name + '_W2'] = jax.random.uniform(ks[i], (H1, H2), minval=-0.1, maxval=0.1); i += 1
        inp[name + '_b2'] = jax.random.uniform(ks[i], (H2,), minval=-0.1, maxval=0.1); i += 1
    return inp


def reference(batch_token, self_idx_batch, parent_idx_batch, root_mask, leaf_mask,
              start_token, end_token,
              V_W1, V_b1, V_W2, V_b2,
              E_W1, E_b1, E_W2, E_b2,
              p_W1, p_b1, p_W2, p_b2,
              c_W1, c_b1, c_W2, c_b2,
              aggr_W1, aggr_b1, aggr_W2, aggr_b2):
    Num_node = batch_token.shape[0]
    Num_edge = self_idx_batch.shape[0]
    edge_in = _mlp(jnp.ones((1, 1), jnp.float32), E_W1, E_b1, E_W2, E_b2)
    edge_out = _mlp(jnp.zeros((1, 1), jnp.float32), E_W1, E_b1, E_W2, E_b2)
    edge_in = jnp.broadcast_to(edge_in, (Num_edge, edge_in.shape[1]))
    edge_out = jnp.broadcast_to(edge_out, (Num_edge, edge_out.shape[1]))
    hidden_state = _mlp(batch_token, V_W1, V_b1, V_W2, V_b2)
    for hop in range(NUM_HOPS):
        node_self = hidden_state[self_idx_batch, :]
        node_parent = hidden_state[parent_idx_batch, :]
        input_parent = jnp.concatenate([node_parent, node_self, edge_out], axis=-1)
        input_child = jnp.concatenate([node_self, node_parent, edge_in], axis=-1)
        S_p = _mlp(input_parent, p_W1, p_b1, p_W2, p_b2)
        S_c = _mlp(input_child, c_W1, c_b1, c_W2, c_b2)
        S_p = _scatter_mean(S_p, self_idx_batch, Num_node)
        S_c = _scatter_mean(S_c, parent_idx_batch, Num_node)
        S_p = S_p + root_mask[:, None] * start_token
        S_c = S_c + leaf_mask[:, None] * end_token
        x_aggr = jnp.concatenate([hidden_state, S_p, S_c], axis=-1)
        hidden_state = hidden_state + _mlp(x_aggr, aggr_W1, aggr_b1, aggr_W2, aggr_b2)
    return hidden_state

if __name__ == "__main__":
    import jax
    _d = setup_inputs()
    print(jax.jit(kernel)(*tuple(_d.values())))

</pallas_src>

<mosaic_0001>
#map = affine_map<(d0, d1) -> (0, 0)>
#map1 = affine_map<(d0, d1) -> (0)>
module attributes {stable_mosaic.version = 14 : i64} {
  func.func @_sc_gather(%arg0: i32, %arg1: i32, %arg2: memref<10000x128xf32, #tpu.memory_space<hbm>>, %arg3: memref<320000xi32, #tpu.memory_space<hbm>>, %arg4: memref<320000xi32, #tpu.memory_space<hbm>>, %arg5: memref<320000x128xf32, #tpu.memory_space<hbm>>, %arg6: memref<320000x128xf32, #tpu.memory_space<hbm>>, %arg7: memref<80xi32, #tpu.memory_space<vmem>>, %arg8: memref<80xi32, #tpu.memory_space<vmem>>, %arg9: memref<80x128xf32, #tpu.memory_space<vmem>>, %arg10: memref<80x128xf32, #tpu.memory_space<vmem>>, %arg11: memref<!tpu.dma_semaphore, #tpu.memory_space<semaphore_mem>>, %arg12: memref<!tpu.dma_semaphore, #tpu.memory_space<semaphore_mem>>) attributes {dimension_semantics = [#tpu.dimension_semantics<core_parallel>, #tpu.dimension_semantics<subcore_parallel>], iteration_bounds = array<i64: 2, 16>, scalar_prefetch = 0 : i64, scratch_operands = 6 : i64, tpu.core_type = #tpu.core_type<sc_vector_subcore>, window_params = [{transform_indices = #map}, {transform_indices = #map1}, {transform_indices = #map1}, {transform_indices = #map}, {transform_indices = #map}]} {
    %mul3A = arith.constant 2 : i32
    %mul3A_0 = arith.muli %arg1, %mul3A : i32
    %add3A = arith.addi %mul3A_0, %arg0 : i32
    %mul3A_1 = arith.constant 10000 : i32
    %mul3A_2 = arith.muli %add3A, %mul3A_1 : i32
    %scan3A = arith.constant 0 : i32
    %scan3A_3 = arith.constant 0 : i32
    %scan3A_4 = arith.constant 125 : i32
    %scan3A_5 = arith.addi %scan3A_3, %scan3A_4 : i32
    %scan3A_6 = arith.constant 1 : i32
    scf.for %scan3A_8 = %scan3A_3 to %scan3A_5 step %scan3A_6  : i32 {
      %mul3A_9 = arith.constant 80 : i32
      %mul3A_10 = arith.muli %scan3A_8, %mul3A_9 : i32
      %add3A_11 = arith.addi %mul3A_2, %mul3A_10 : i32
      "tpu.region"() ({
        %run_scoped3A = tpu.sem_alloc : memref<!tpu.dma_semaphore, #tpu.memory_space<semaphore_mem>>
        %dma_start3A_22 = tpu.memref_slice %arg3[%add3A_11] : memref<320000xi32, #tpu.memory_space<hbm>> -> memref<80xi32, #tpu.memory_space<hbm>>
        %dma_start3A_23 = tpu.memref_slice %arg3[%add3A_11] : memref<320000xi32, #tpu.memory_space<hbm>> -> memref<80xi32, #tpu.memory_space<hbm>>
        tpu.enqueue_dma source(%dma_start3A_23 : memref<80xi32, #tpu.memory_space<hbm>>) target(%arg7 : memref<80xi32, #tpu.memory_space<vmem>>) target_semaphore(%run_scoped3A : memref<!tpu.dma_semaphore, #tpu.memory_space<semaphore_mem>>)
        %dma_wait3A_24 = tpu.memref_slice %arg3[%add3A_11] : memref<320000xi32, #tpu.memory_space<hbm>> -> memref<80xi32, #tpu.memory_space<hbm>>
        %dma_wait3A_25 = tpu.memref_slice %arg3[%add3A_11] : memref<320000xi32, #tpu.memory_space<hbm>> -> memref<80xi32, #tpu.memory_space<hbm>>
        tpu.wait_dma2 semaphore(%run_scoped3A : memref<!tpu.dma_semaphore, #tpu.memory_space<semaphore_mem>>) src(%dma_wait3A_25 : memref<80xi32, #tpu.memory_space<hbm>>) dst(%arg7 : memref<80xi32, #tpu.memory_space<vmem>>)
        tpu.yield
      }) : () -> ()
      "tpu.region"() ({
        %run_scoped3A = tpu.sem_alloc : memref<!tpu.dma_semaphore, #tpu.memory_space<semaphore_mem>>
        %dma_start3A_22 = tpu.memref_slice %arg4[%add3A_11] : memref<320000xi32, #tpu.memory_space<hbm>> -> memref<80xi32, #tpu.memory_space<hbm>>
        %dma_start3A_23 = tpu.memref_slice %arg4[%add3A_11] : memref<320000xi32, #tpu.memory_space<hbm>> -> memref<80xi32, #tpu.memory_space<hbm>>
        tpu.enqueue_dma source(%dma_start3A_23 : memref<80xi32, #tpu.memory_space<hbm>>) target(%arg8 : memref<80xi32, #tpu.memory_space<vmem>>) target_semaphore(%run_scoped3A : memref<!tpu.dma_semaphore, #tpu.memory_space<semaphore_mem>>)
        %dma_wait3A_24 = tpu.memref_slice %arg4[%add3A_11] : memref<320000xi32, #tpu.memory_space<hbm>> -> memref<80xi32, #tpu.memory_space<hbm>>
        %dma_wait3A_25 = tpu.memref_slice %arg4[%add3A_11] : memref<320000xi32, #tpu.memory_space<hbm>> -> memref<80xi32, #tpu.memory_space<hbm>>
        tpu.wait_dma2 semaphore(%run_scoped3A : memref<!tpu.dma_semaphore, #tpu.memory_space<semaphore_mem>>) src(%dma_wait3A_25 : memref<80xi32, #tpu.memory_space<hbm>>) dst(%arg8 : memref<80xi32, #tpu.memory_space<vmem>>)
        tpu.yield
      }) : () -> ()
      %dma_start3A = arith.constant 0 : i32
      %dma_start3A_12 = arith.constant 0 : i32
      %dma_start3A_13 = tpu.memref_slice %arg2[%dma_start3A, %dma_start3A_12] : memref<10000x128xf32, #tpu.memory_space<hbm>> -> memref<10000x128xf32, #tpu.memory_space<hbm>>
      tpu.enqueue_indirect_dma source(%dma_start3A_13 : memref<10000x128xf32, #tpu.memory_space<hbm>>) target(%arg9 : memref<80x128xf32, #tpu.memory_space<vmem>>) offsets(%arg7 : memref<80xi32, #tpu.memory_space<vmem>>) semaphore(%arg11 : memref<!tpu.dma_semaphore, #tpu.memory_space<semaphore_mem>>)
      %dma_start3A_14 = arith.constant 0 : i32
      %dma_start3A_15 = arith.constant 0 : i32
      %dma_start3A_16 = tpu.memref_slice %arg2[%dma_start3A_14, %dma_start3A_15] : memref<10000x128xf32, #tpu.memory_space<hbm>> -> memref<10000x128xf32, #tpu.memory_space<hbm>>
      tpu.enqueue_indirect_dma source(%dma_start3A_16 : memref<10000x128xf32, #tpu.memory_space<hbm>>) target(%arg10 : memref<80x128xf32, #tpu.memory_space<vmem>>) offsets(%arg8 : memref<80xi32, #tpu.memory_space<vmem>>) semaphore(%arg12 : memref<!tpu.dma_semaphore, #tpu.memory_space<semaphore_mem>>)
      %dma_wait3A = arith.constant 0 : i32
      %dma_wait3A_17 = arith.constant 0 : i32
      %dma_wait3A_18 = tpu.memref_slice %arg2[%dma_wait3A, %dma_wait3A_17] : memref<10000x128xf32, #tpu.memory_space<hbm>> -> memref<10000x128xf32, #tpu.memory_space<hbm>>
      tpu.wait_indirect_dma semaphore(%arg11 : memref<!tpu.dma_semaphore, #tpu.memory_space<semaphore_mem>>) src(%dma_wait3A_18 : memref<10000x128xf32, #tpu.memory_space<hbm>>) dst(%arg9 : memref<80x128xf32, #tpu.memory_space<vmem>>)
      %dma_wait3A_19 = arith.constant 0 : i32
      %dma_wait3A_20 = arith.constant 0 : i32
      %dma_wait3A_21 = tpu.memref_slice %arg2[%dma_wait3A_19, %dma_wait3A_20] : memref<10000x128xf32, #tpu.memory_space<hbm>> -> memref<10000x128xf32, #tpu.memory_space<hbm>>
      tpu.wait_indirect_dma semaphore(%arg12 : memref<!tpu.dma_semaphore, #tpu.memory_space<semaphore_mem>>) src(%dma_wait3A_21 : memref<10000x128xf32, #tpu.memory_space<hbm>>) dst(%arg10 : memref<80x128xf32, #tpu.memory_space<vmem>>)
      "tpu.region"() ({
        %run_scoped3A = tpu.sem_alloc : memref<!tpu.dma_semaphore, #tpu.memory_space<semaphore_mem>>
        %dma_start3A_22 = arith.constant 0 : i32
        %dma_start3A_23 = tpu.memref_slice %arg5[%add3A_11, %dma_start3A_22] : memref<320000x128xf32, #tpu.memory_space<hbm>> -> memref<80x128xf32, #tpu.memory_space<hbm>>
        %dma_start3A_24 = arith.constant 0 : i32
        %dma_start3A_25 = tpu.memref_slice %arg5[%add3A_11, %dma_start3A_24] : memref<320000x128xf32, #tpu.memory_space<hbm>> -> memref<80x128xf32, #tpu.memory_space<hbm>>
        tpu.enqueue_dma source(%arg9 : memref<80x128xf32, #tpu.memory_space<vmem>>) target(%dma_start3A_25 : memref<80x128xf32, #tpu.memory_space<hbm>>) target_semaphore(%run_scoped3A : memref<!tpu.dma_semaphore, #tpu.memory_space<semaphore_mem>>)
        %dma_wait3A_26 = arith.constant 0 : i32
        %dma_wait3A_27 = tpu.memref_slice %arg5[%add3A_11, %dma_wait3A_26] : memref<320000x128xf32, #tpu.memory_space<hbm>> -> memref<80x128xf32, #tpu.memory_space<hbm>>
        %dma_wait3A_28 = arith.constant 0 : i32
        %dma_wait3A_29 = tpu.memref_slice %arg5[%add3A_11, %dma_wait3A_28] : memref<320000x128xf32, #tpu.memory_space<hbm>> -> memref<80x128xf32, #tpu.memory_space<hbm>>
        tpu.wait_dma2 semaphore(%run_scoped3A : memref<!tpu.dma_semaphore, #tpu.memory_space<semaphore_mem>>) src(%arg9 : memref<80x128xf32, #tpu.memory_space<vmem>>) dst(%dma_wait3A_29 : memref<80x128xf32, #tpu.memory_space<hbm>>)
        tpu.yield
      }) : () -> ()
      "tpu.region"() ({
        %run_scoped3A = tpu.sem_alloc : memref<!tpu.dma_semaphore, #tpu.memory_space<semaphore_mem>>
        %dma_start3A_22 = arith.constant 0 : i32
        %dma_start3A_23 = tpu.memref_slice %arg6[%add3A_11, %dma_start3A_22] : memref<320000x128xf32, #tpu.memory_space<hbm>> -> memref<80x128xf32, #tpu.memory_space<hbm>>
        %dma_start3A_24 = arith.constant 0 : i32
        %dma_start3A_25 = tpu.memref_slice %arg6[%add3A_11, %dma_start3A_24] : memref<320000x128xf32, #tpu.memory_space<hbm>> -> memref<80x128xf32, #tpu.memory_space<hbm>>
        tpu.enqueue_dma source(%arg10 : memref<80x128xf32, #tpu.memory_space<vmem>>) target(%dma_start3A_25 : memref<80x128xf32, #tpu.memory_space<hbm>>) target_semaphore(%run_scoped3A : memref<!tpu.dma_semaphore, #tpu.memory_space<semaphore_mem>>)
        %dma_wait3A_26 = arith.constant 0 : i32
        %dma_wait3A_27 = tpu.memref_slice %arg6[%add3A_11, %dma_wait3A_26] : memref<320000x128xf32, #tpu.memory_space<hbm>> -> memref<80x128xf32, #tpu.memory_space<hbm>>
        %dma_wait3A_28 = arith.constant 0 : i32
        %dma_wait3A_29 = tpu.memref_slice %arg6[%add3A_11, %dma_wait3A_28] : memref<320000x128xf32, #tpu.memory_space<hbm>> -> memref<80x128xf32, #tpu.memory_space<hbm>>
        tpu.wait_dma2 semaphore(%run_scoped3A : memref<!tpu.dma_semaphore, #tpu.memory_space<semaphore_mem>>) src(%arg10 : memref<80x128xf32, #tpu.memory_space<vmem>>) dst(%dma_wait3A_29 : memref<80x128xf32, #tpu.memory_space<hbm>>)
        tpu.yield
      }) : () -> ()
    }
    %scan3A_7 = arith.constant 125 : i32
    return
  }
}

#map = affine_map<(d0, d1) -> (0, 0)>
#map1 = affine_map<(d0, d1) -> (0)>
module attributes {stable_mosaic.version = 14 : i64} {
  func.func @_sc_scatter(%arg0: i32, %arg1: i32, %arg2: memref<320000x128xf32, #tpu.memory_space<hbm>>, %arg3: memref<320000x128xf32, #tpu.memory_space<hbm>>, %arg4: memref<320000xi32, #tpu.memory_space<hbm>>, %arg5: memref<320000xi32, #tpu.memory_space<hbm>>, %arg6: memref<10240x128xf32, #tpu.memory_space<hbm>>, %arg7: memref<10240x128xf32, #tpu.memory_space<hbm>>, %arg8: memref<10240x128xf32, #tpu.memory_space<hbm>>, %arg9: memref<10240x128xf32, #tpu.memory_space<vmem_shared>>, %arg10: memref<80xi32, #tpu.memory_space<vmem>>, %arg11: memref<80x128xf32, #tpu.memory_space<vmem>>) attributes {dimension_semantics = [#tpu.dimension_semantics<core_parallel>, #tpu.dimension_semantics<subcore_parallel>], iteration_bounds = array<i64: 2, 16>, scalar_prefetch = 0 : i64, scratch_operands = 3 : i64, tpu.core_type = #tpu.core_type<sc_vector_subcore>, window_params = [{transform_indices = #map}, {transform_indices = #map}, {transform_indices = #map1}, {transform_indices = #map1}, {transform_indices = #map}, {transform_indices = #map}, {transform_indices = #map}]} {
    %mul3A = arith.constant 640 : i32
    %mul3A_0 = arith.muli %arg1, %mul3A : i32
    "tpu.region"() ({
      %run_scoped3A = tpu.sem_alloc : memref<!tpu.dma_semaphore, #tpu.memory_space<semaphore_mem>>
      %dma_start3A = arith.constant 0 : i32
      %dma_start3A_8 = tpu.memref_slice %arg9[%mul3A_0, %dma_start3A] : memref<10240x128xf32, #tpu.memory_space<vmem_shared>> -> memref<640x128xf32, #tpu.memory_space<vmem_shared>>
      %dma_start3A_9 = arith.constant 0 : i32
      %dma_start3A_10 = tpu.memref_slice %arg6[%mul3A_0, %dma_start3A_9] : memref<10240x128xf32, #tpu.memory_space<hbm>> -> memref<640x128xf32, #tpu.memory_space<hbm>>
      tpu.enqueue_dma source(%dma_start3A_10 : memref<640x128xf32, #tpu.memory_space<hbm>>) target(%dma_start3A_8 : memref<640x128xf32, #tpu.memory_space<vmem_shared>>) target_semaphore(%run_scoped3A : memref<!tpu.dma_semaphore, #tpu.memory_space<semaphore_mem>>)
      %dma_wait3A = arith.constant 0 : i32
      %dma_wait3A_11 = tpu.memref_slice %arg9[%mul3A_0, %dma_wait3A] : memref<10240x128xf32, #tpu.memory_space<vmem_shared>> -> memref<640x128xf32, #tpu.memory_space<vmem_shared>>
      %dma_wait3A_12 = arith.constant 0 : i32
      %dma_wait3A_13 = tpu.memref_slice %arg6[%mul3A_0, %dma_wait3A_12] : memref<10240x128xf32, #tpu.memory_space<hbm>> -> memref<640x128xf32, #tpu.memory_space<hbm>>
      tpu.wait_dma2 semaphore(%run_scoped3A : memref<!tpu.dma_semaphore, #tpu.memory_space<semaphore_mem>>) src(%dma_wait3A_13 : memref<640x128xf32, #tpu.memory_space<hbm>>) dst(%dma_wait3A_11 : memref<640x128xf32, #tpu.memory_space<vmem_shared>>)
      tpu.yield
    }) : () -> ()
    %barrier3A = arith.constant 0 : index
    tpu.barrier barrier_id(%barrier3A)
    %eq3A = arith.constant 0 : i32
    %eq3A_1 = arith.cmpi eq, %arg0, %eq3A : i32
    %convert_element_type3A = arith.extui %eq3A_1 : i1 to i32
    %cond3A = arith.constant 0 : i32
    %cond3A_2 = arith.cmpi ne, %convert_element_type3A, %cond3A : i32
    scf.if %cond3A_2 {
      %mul3A_8 = arith.constant 20000 : i32
      %mul3A_9 = arith.muli %arg1, %mul3A_8 : i32
      %scan3A = arith.constant 0 : i32
      %scan3A_10 = arith.constant 0 : i32
      %scan3A_11 = arith.constant 250 : i32
      %scan3A_12 = arith.addi %scan3A_10, %scan3A_11 : i32
      %scan3A_13 = arith.constant 1 : i32
      scf.for %scan3A_16 = %scan3A_10 to %scan3A_12 step %scan3A_13  : i32 {
        %mul3A_17 = arith.constant 80 : i32
        %mul3A_18 = arith.muli %scan3A_16, %mul3A_17 : i32
        %add3A = arith.addi %mul3A_9, %mul3A_18 : i32
        "tpu.region"() ({
          %run_scoped3A = tpu.sem_alloc : memref<!tpu.dma_semaphore, #tpu.memory_space<semaphore_mem>>
          %dma_start3A = tpu.memref_slice %arg4[%add3A] : memref<320000xi32, #tpu.memory_space<hbm>> -> memref<80xi32, #tpu.memory_space<hbm>>
          %dma_start3A_19 = tpu.memref_slice %arg4[%add3A] : memref<320000xi32, #tpu.memory_space<hbm>> -> memref<80xi32, #tpu.memory_space<hbm>>
          tpu.enqueue_dma source(%dma_start3A_19 : memref<80xi32, #tpu.memory_space<hbm>>) target(%arg10 : memref<80xi32, #tpu.memory_space<vmem>>) target_semaphore(%run_scoped3A : memref<!tpu.dma_semaphore, #tpu.memory_space<semaphore_mem>>)
          %dma_wait3A = tpu.memref_slice %arg4[%add3A] : memref<320000xi32, #tpu.memory_space<hbm>> -> memref<80xi32, #tpu.memory_space<hbm>>
          %dma_wait3A_20 = tpu.memref_slice %arg4[%add3A] : memref<320000xi32, #tpu.memory_space<hbm>> -> memref<80xi32, #tpu.memory_space<hbm>>
          tpu.wait_dma2 semaphore(%run_scoped3A : memref<!tpu.dma_semaphore, #tpu.memory_space<semaphore_mem>>) src(%dma_wait3A_20 : memref<80xi32, #tpu.memory_space<hbm>>) dst(%arg10 : memref<80xi32, #tpu.memory_space<vmem>>)
          tpu.yield
        }) : () -> ()
        "tpu.region"() ({
          %run_scoped3A = tpu.sem_alloc : memref<!tpu.dma_semaphore, #tpu.memory_space<semaphore_mem>>
          %dma_start3A = arith.constant 0 : i32
          %dma_start3A_19 = tpu.memref_slice %arg2[%add3A, %dma_start3A] : memref<320000x128xf32, #tpu.memory_space<hbm>> -> memref<80x128xf32, #tpu.memory_space<hbm>>
          %dma_start3A_20 = arith.constant 0 : i32
          %dma_start3A_21 = tpu.memref_slice %arg2[%add3A, %dma_start3A_20] : memref<320000x128xf32, #tpu.memory_space<hbm>> -> memref<80x128xf32, #tpu.memory_space<hbm>>
          tpu.enqueue_dma source(%dma_start3A_21 : memref<80x128xf32, #tpu.memory_space<hbm>>) target(%arg11 : memref<80x128xf32, #tpu.memory_space<vmem>>) target_semaphore(%run_scoped3A : memref<!tpu.dma_semaphore, #tpu.memory_space<semaphore_mem>>)
          %dma_wait3A = arith.constant 0 : i32
          %dma_wait3A_22 = tpu.memref_slice %arg2[%add3A, %dma_wait3A] : memref<320000x128xf32, #tpu.memory_space<hbm>> -> memref<80x128xf32, #tpu.memory_space<hbm>>
          %dma_wait3A_23 = arith.constant 0 : i32
          %dma_wait3A_24 = tpu.memref_slice %arg2[%add3A, %dma_wait3A_23] : memref<320000x128xf32, #tpu.memory_space<hbm>> -> memref<80x128xf32, #tpu.memory_space<hbm>>
          tpu.wait_dma2 semaphore(%run_scoped3A : memref<!tpu.dma_semaphore, #tpu.memory_space<semaphore_mem>>) src(%dma_wait3A_24 : memref<80x128xf32, #tpu.memory_space<hbm>>) dst(%arg11 : memref<80x128xf32, #tpu.memory_space<vmem>>)
          tpu.yield
        }) : () -> ()
        "tpu.region"() ({
          %run_scoped3A = tpu.sem_alloc : memref<!tpu.dma_semaphore, #tpu.memory_space<semaphore_mem>>
          %dma_start3A = arith.constant 0 : i32
          %dma_start3A_19 = arith.constant 0 : i32
          %dma_start3A_20 = tpu.memref_slice %arg9[%dma_start3A, %dma_start3A_19] : memref<10240x128xf32, #tpu.memory_space<vmem_shared>> -> memref<10240x128xf32, #tpu.memory_space<vmem_shared>>
          tpu.enqueue_indirect_dma source(%arg11 : memref<80x128xf32, #tpu.memory_space<vmem>>) target(%dma_start3A_20 : memref<10240x128xf32, #tpu.memory_space<vmem_shared>>) offsets(%arg10 : memref<80xi32, #tpu.memory_space<vmem>>) semaphore(%run_scoped3A : memref<!tpu.dma_semaphore, #tpu.memory_space<semaphore_mem>>) {add = true}
          %dma_wait3A = arith.constant 0 : i32
          %dma_wait3A_21 = arith.constant 0 : i32
          %dma_wait3A_22 = tpu.memref_slice %arg9[%dma_wait3A, %dma_wait3A_21] : memref<10240x128xf32, #tpu.memory_space<vmem_shared>> -> memref<10240x128xf32, #tpu.memory_space<vmem_shared>>
          tpu.wait_indirect_dma semaphore(%run_scoped3A : memref<!tpu.dma_semaphore, #tpu.memory_space<semaphore_mem>>) src(%arg11 : memref<80x128xf32, #tpu.memory_space<vmem>>) dst(%dma_wait3A_22 : memref<10240x128xf32, #tpu.memory_space<vmem_shared>>)
          tpu.yield
        }) : () -> ()
      }
      %scan3A_14 = arith.constant 250 : i32
      %barrier3A_15 = arith.constant 0 : index
      tpu.barrier barrier_id(%barrier3A_15)
      "tpu.region"() ({
        %run_scoped3A = tpu.sem_alloc : memref<!tpu.dma_semaphore, #tpu.memory_space<semaphore_mem>>
        %dma_start3A = arith.constant 0 : i32
        %dma_start3A_16 = tpu.memref_slice %arg7[%mul3A_0, %dma_start3A] : memref<10240x128xf32, #tpu.memory_space<hbm>> -> memref<640x128xf32, #tpu.memory_space<hbm>>
        %dma_start3A_17 = arith.constant 0 : i32
        %dma_start3A_18 = tpu.memref_slice %arg9[%mul3A_0, %dma_start3A_17] : memref<10240x128xf32, #tpu.memory_space<vmem_shared>> -> memref<640x128xf32, #tpu.memory_space<vmem_shared>>
        tpu.enqueue_dma source(%dma_start3A_18 : memref<640x128xf32, #tpu.memory_space<vmem_shared>>) target(%dma_start3A_16 : memref<640x128xf32, #tpu.memory_space<hbm>>) target_semaphore(%run_scoped3A : memref<!tpu.dma_semaphore, #tpu.memory_space<semaphore_mem>>)
        %dma_wait3A = arith.constant 0 : i32
        %dma_wait3A_19 = tpu.memref_slice %arg7[%mul3A_0, %dma_wait3A] : memref<10240x128xf32, #tpu.memory_space<hbm>> -> memref<640x128xf32, #tpu.memory_space<hbm>>
        %dma_wait3A_20 = arith.constant 0 : i32
        %dma_wait3A_21 = tpu.memref_slice %arg9[%mul3A_0, %dma_wait3A_20] : memref<10240x128xf32, #tpu.memory_space<vmem_shared>> -> memref<640x128xf32, #tpu.memory_space<vmem_shared>>
        tpu.wait_dma2 semaphore(%run_scoped3A : memref<!tpu.dma_semaphore, #tpu.memory_space<semaphore_mem>>) src(%dma_wait3A_21 : memref<640x128xf32, #tpu.memory_space<vmem_shared>>) dst(%dma_wait3A_19 : memref<640x128xf32, #tpu.memory_space<hbm>>)
        tpu.yield
      }) : () -> ()
    } else {
    }
    %eq3A_3 = arith.constant 1 : i32
    %eq3A_4 = arith.cmpi eq, %arg0, %eq3A_3 : i32
    %convert_element_type3A_5 = arith.extui %eq3A_4 : i1 to i32
    %cond3A_6 = arith.constant 0 : i32
    %cond3A_7 = arith.cmpi ne, %convert_element_type3A_5, %cond3A_6 : i32
    scf.if %cond3A_7 {
      %mul3A_8 = arith.constant 20000 : i32
      %mul3A_9 = arith.muli %arg1, %mul3A_8 : i32
      %scan3A = arith.constant 0 : i32
      %scan3A_10 = arith.constant 0 : i32
      %scan3A_11 = arith.constant 250 : i32
      %scan3A_12 = arith.addi %scan3A_10, %scan3A_11 : i32
      %scan3A_13 = arith.constant 1 : i32
      scf.for %scan3A_16 = %scan3A_10 to %scan3A_12 step %scan3A_13  : i32 {
        %mul3A_17 = arith.constant 80 : i32
        %mul3A_18 = arith.muli %scan3A_16, %mul3A_17 : i32
        %add3A = arith.addi %mul3A_9, %mul3A_18 : i32
        "tpu.region"() ({
          %run_scoped3A = tpu.sem_alloc : memref<!tpu.dma_semaphore, #tpu.memory_space<semaphore_mem>>
          %dma_start3A = tpu.memref_slice %arg5[%add3A] : memref<320000xi32, #tpu.memory_space<hbm>> -> memref<80xi32, #tpu.memory_space<hbm>>
          %dma_start3A_19 = tpu.memref_slice %arg5[%add3A] : memref<320000xi32, #tpu.memory_space<hbm>> -> memref<80xi32, #tpu.memory_space<hbm>>
          tpu.enqueue_dma source(%dma_start3A_19 : memref<80xi32, #tpu.memory_space<hbm>>) target(%arg10 : memref<80xi32, #tpu.memory_space<vmem>>) target_semaphore(%run_scoped3A : memref<!tpu.dma_semaphore, #tpu.memory_space<semaphore_mem>>)
          %dma_wait3A = tpu.memref_slice %arg5[%add3A] : memref<320000xi32, #tpu.memory_space<hbm>> -> memref<80xi32, #tpu.memory_space<hbm>>
          %dma_wait3A_20 = tpu.memref_slice %arg5[%add3A] : memref<320000xi32, #tpu.memory_space<hbm>> -> memref<80xi32, #tpu.memory_space<hbm>>
          tpu.wait_dma2 semaphore(%run_scoped3A : memref<!tpu.dma_semaphore, #tpu.memory_space<semaphore_mem>>) src(%dma_wait3A_20 : memref<80xi32, #tpu.memory_space<hbm>>) dst(%arg10 : memref<80xi32, #tpu.memory_space<vmem>>)
          tpu.yield
        }) : () -> ()
        "tpu.region"() ({
          %run_scoped3A = tpu.sem_alloc : memref<!tpu.dma_semaphore, #tpu.memory_space<semaphore_mem>>
          %dma_start3A = arith.constant 0 : i32
          %dma_start3A_19 = tpu.memref_slice %arg3[%add3A, %dma_start3A] : memref<320000x128xf32, #tpu.memory_space<hbm>> -> memref<80x128xf32, #tpu.memory_space<hbm>>
          %dma_start3A_20 = arith.constant 0 : i32
          %dma_start3A_21 = tpu.memref_slice %arg3[%add3A, %dma_start3A_20] : memref<320000x128xf32, #tpu.memory_space<hbm>> -> memref<80x128xf32, #tpu.memory_space<hbm>>
          tpu.enqueue_dma source(%dma_start3A_21 : memref<80x128xf32, #tpu.memory_space<hbm>>) target(%arg11 : memref<80x128xf32, #tpu.memory_space<vmem>>) target_semaphore(%run_scoped3A : memref<!tpu.dma_semaphore, #tpu.memory_space<semaphore_mem>>)
          %dma_wait3A = arith.constant 0 : i32
          %dma_wait3A_22 = tpu.memref_slice %arg3[%add3A, %dma_wait3A] : memref<320000x128xf32, #tpu.memory_space<hbm>> -> memref<80x128xf32, #tpu.memory_space<hbm>>
          %dma_wait3A_23 = arith.constant 0 : i32
          %dma_wait3A_24 = tpu.memref_slice %arg3[%add3A, %dma_wait3A_23] : memref<320000x128xf32, #tpu.memory_space<hbm>> -> memref<80x128xf32, #tpu.memory_space<hbm>>
          tpu.wait_dma2 semaphore(%run_scoped3A : memref<!tpu.dma_semaphore, #tpu.memory_space<semaphore_mem>>) src(%dma_wait3A_24 : memref<80x128xf32, #tpu.memory_space<hbm>>) dst(%arg11 : memref<80x128xf32, #tpu.memory_space<vmem>>)
          tpu.yield
        }) : () -> ()
        "tpu.region"() ({
          %run_scoped3A = tpu.sem_alloc : memref<!tpu.dma_semaphore, #tpu.memory_space<semaphore_mem>>
          %dma_start3A = arith.constant 0 : i32
          %dma_start3A_19 = arith.constant 0 : i32
          %dma_start3A_20 = tpu.memref_slice %arg9[%dma_start3A, %dma_start3A_19] : memref<10240x128xf32, #tpu.memory_space<vmem_shared>> -> memref<10240x128xf32, #tpu.memory_space<vmem_shared>>
          tpu.enqueue_indirect_dma source(%arg11 : memref<80x128xf32, #tpu.memory_space<vmem>>) target(%dma_start3A_20 : memref<10240x128xf32, #tpu.memory_space<vmem_shared>>) offsets(%arg10 : memref<80xi32, #tpu.memory_space<vmem>>) semaphore(%run_scoped3A : memref<!tpu.dma_semaphore, #tpu.memory_space<semaphore_mem>>) {add = true}
          %dma_wait3A = arith.constant 0 : i32
          %dma_wait3A_21 = arith.constant 0 : i32
          %dma_wait3A_22 = tpu.memref_slice %arg9[%dma_wait3A, %dma_wait3A_21] : memref<10240x128xf32, #tpu.memory_space<vmem_shared>> -> memref<10240x128xf32, #tpu.memory_space<vmem_shared>>
          tpu.wait_indirect_dma semaphore(%run_scoped3A : memref<!tpu.dma_semaphore, #tpu.memory_space<semaphore_mem>>) src(%arg11 : memref<80x128xf32, #tpu.memory_space<vmem>>) dst(%dma_wait3A_22 : memref<10240x128xf32, #tpu.memory_space<vmem_shared>>)
          tpu.yield
        }) : () -> ()
      }
      %scan3A_14 = arith.constant 250 : i32
      %barrier3A_15 = arith.constant 0 : index
      tpu.barrier barrier_id(%barrier3A_15)
      "tpu.region"() ({
        %run_scoped3A = tpu.sem_alloc : memref<!tpu.dma_semaphore, #tpu.memory_space<semaphore_mem>>
        %dma_start3A = arith.constant 0 : i32
        %dma_start3A_16 = tpu.memref_slice %arg8[%mul3A_0, %dma_start3A] : memref<10240x128xf32, #tpu.memory_space<hbm>> -> memref<640x128xf32, #tpu.memory_space<hbm>>
        %dma_start3A_17 = arith.constant 0 : i32
        %dma_start3A_18 = tpu.memref_slice %arg9[%mul3A_0, %dma_start3A_17] : memref<10240x128xf32, #tpu.memory_space<vmem_shared>> -> memref<640x128xf32, #tpu.memory_space<vmem_shared>>
        tpu.enqueue_dma source(%dma_start3A_18 : memref<640x128xf32, #tpu.memory_space<vmem_shared>>) target(%dma_start3A_16 : memref<640x128xf32, #tpu.memory_space<hbm>>) target_semaphore(%run_scoped3A : memref<!tpu.dma_semaphore, #tpu.memory_space<semaphore_mem>>)
        %dma_wait3A = arith.constant 0 : i32
        %dma_wait3A_19 = tpu.memref_slice %arg8[%mul3A_0, %dma_wait3A] : memref<10240x128xf32, #tpu.memory_space<hbm>> -> memref<640x128xf32, #tpu.memory_space<hbm>>
        %dma_wait3A_20 = arith.constant 0 : i32
        %dma_wait3A_21 = tpu.memref_slice %arg9[%mul3A_0, %dma_wait3A_20] : memref<10240x128xf32, #tpu.memory_space<vmem_shared>> -> memref<640x128xf32, #tpu.memory_space<vmem_shared>>
        tpu.wait_dma2 semaphore(%run_scoped3A : memref<!tpu.dma_semaphore, #tpu.memory_space<semaphore_mem>>) src(%dma_wait3A_21 : memref<640x128xf32, #tpu.memory_space<vmem_shared>>) dst(%dma_wait3A_19 : memref<640x128xf32, #tpu.memory_space<hbm>>)
        tpu.yield
      }) : () -> ()
    } else {
    }
    return
  }
}

#map = affine_map<(d0, d1) -> (0, 0)>
#map1 = affine_map<(d0, d1) -> (0)>
module attributes {stable_mosaic.version = 14 : i64} {
  func.func @_sc_gather(%arg0: i32, %arg1: i32, %arg2: memref<10000x128xf32, #tpu.memory_space<hbm>>, %arg3: memref<320000xi32, #tpu.memory_space<hbm>>, %arg4: memref<320000xi32, #tpu.memory_space<hbm>>, %arg5: memref<320000x128xf32, #tpu.memory_space<hbm>>, %arg6: memref<320000x128xf32, #tpu.memory_space<hbm>>, %arg7: memref<80xi32, #tpu.memory_space<vmem>>, %arg8: memref<80xi32, #tpu.memory_space<vmem>>, %arg9: memref<80x128xf32, #tpu.memory_space<vmem>>, %arg10: memref<80x128xf32, #tpu.memory_space<vmem>>, %arg11: memref<!tpu.dma_semaphore, #tpu.memory_space<semaphore_mem>>, %arg12: memref<!tpu.dma_semaphore, #tpu.memory_space<semaphore_mem>>) attributes {dimension_semantics = [#tpu.dimension_semantics<core_parallel>, #tpu.dimension_semantics<subcore_parallel>], iteration_bounds = array<i64: 2, 16>, scalar_prefetch = 0 : i64, scratch_operands = 6 : i64, tpu.core_type = #tpu.core_type<sc_vector_subcore>, window_params = [{transform_indices = #map}, {transform_indices = #map1}, {transform_indices = #map1}, {transform_indices = #map}, {transform_indices = #map}]} {
    %mul3A = arith.constant 2 : i32
    %mul3A_0 = arith.muli %arg1, %mul3A : i32
    %add3A = arith.addi %mul3A_0, %arg0 : i32
    %mul3A_1 = arith.constant 10000 : i32
    %mul3A_2 = arith.muli %add3A, %mul3A_1 : i32
    %scan3A = arith.constant 0 : i32
    %scan3A_3 = arith.constant 0 : i32
    %scan3A_4 = arith.constant 125 : i32
    %scan3A_5 = arith.addi %scan3A_3, %scan3A_4 : i32
    %scan3A_6 = arith.constant 1 : i32
    scf.for %scan3A_8 = %scan3A_3 to %scan3A_5 step %scan3A_6  : i32 {
      %mul3A_9 = arith.constant 80 : i32
      %mul3A_10 = arith.muli %scan3A_8, %mul3A_9 : i32
      %add3A_11 = arith.addi %mul3A_2, %mul3A_10 : i32
      "tpu.region"() ({
        %run_scoped3A = tpu.sem_alloc : memref<!tpu.dma_semaphore, #tpu.memory_space<semaphore_mem>>
        %dma_start3A_22 = tpu.memref_slice %arg3[%add3A_11] : memref<320000xi32, #tpu.memory_space<hbm>> -> memref<80xi32, #tpu.memory_space<hbm>>
        %dma_start3A_23 = tpu.memref_slice %arg3[%add3A_11] : memref<320000xi32, #tpu.memory_space<hbm>> -> memref<80xi32, #tpu.memory_space<hbm>>
        tpu.enqueue_dma source(%dma_start3A_23 : memref<80xi32, #tpu.memory_space<hbm>>) target(%arg7 : memref<80xi32, #tpu.memory_space<vmem>>) target_semaphore(%run_scoped3A : memref<!tpu.dma_semaphore, #tpu.memory_space<semaphore_mem>>)
        %dma_wait3A_24 = tpu.memref_slice %arg3[%add3A_11] : memref<320000xi32, #tpu.memory_space<hbm>> -> memref<80xi32, #tpu.memory_space<hbm>>
        %dma_wait3A_25 = tpu.memref_slice %arg3[%add3A_11] : memref<320000xi32, #tpu.memory_space<hbm>> -> memref<80xi32, #tpu.memory_space<hbm>>
        tpu.wait_dma2 semaphore(%run_scoped3A : memref<!tpu.dma_semaphore, #tpu.memory_space<semaphore_mem>>) src(%dma_wait3A_25 : memref<80xi32, #tpu.memory_space<hbm>>) dst(%arg7 : memref<80xi32, #tpu.memory_space<vmem>>)
        tpu.yield
      }) : () -> ()
      "tpu.region"() ({
        %run_scoped3A = tpu.sem_alloc : memref<!tpu.dma_semaphore, #tpu.memory_space<semaphore_mem>>
        %dma_start3A_22 = tpu.memref_slice %arg4[%add3A_11] : memref<320000xi32, #tpu.memory_space<hbm>> -> memref<80xi32, #tpu.memory_space<hbm>>
        %dma_start3A_23 = tpu.memref_slice %arg4[%add3A_11] : memref<320000xi32, #tpu.memory_space<hbm>> -> memref<80xi32, #tpu.memory_space<hbm>>
        tpu.enqueue_dma source(%dma_start3A_23 : memref<80xi32, #tpu.memory_space<hbm>>) target(%arg8 : memref<80xi32, #tpu.memory_space<vmem>>) target_semaphore(%run_scoped3A : memref<!tpu.dma_semaphore, #tpu.memory_space<semaphore_mem>>)
        %dma_wait3A_24 = tpu.memref_slice %arg4[%add3A_11] : memref<320000xi32, #tpu.memory_space<hbm>> -> memref<80xi32, #tpu.memory_space<hbm>>
        %dma_wait3A_25 = tpu.memref_slice %arg4[%add3A_11] : memref<320000xi32, #tpu.memory_space<hbm>> -> memref<80xi32, #tpu.memory_space<hbm>>
        tpu.wait_dma2 semaphore(%run_scoped3A : memref<!tpu.dma_semaphore, #tpu.memory_space<semaphore_mem>>) src(%dma_wait3A_25 : memref<80xi32, #tpu.memory_space<hbm>>) dst(%arg8 : memref<80xi32, #tpu.memory_space<vmem>>)
        tpu.yield
      }) : () -> ()
      %dma_start3A = arith.constant 0 : i32
      %dma_start3A_12 = arith.constant 0 : i32
      %dma_start3A_13 = tpu.memref_slice %arg2[%dma_start3A, %dma_start3A_12] : memref<10000x128xf32, #tpu.memory_space<hbm>> -> memref<10000x128xf32, #tpu.memory_space<hbm>>
      tpu.enqueue_indirect_dma source(%dma_start3A_13 : memref<10000x128xf32, #tpu.memory_space<hbm>>) target(%arg9 : memref<80x128xf32, #tpu.memory_space<vmem>>) offsets(%arg7 : memref<80xi32, #tpu.memory_space<vmem>>) semaphore(%arg11 : memref<!tpu.dma_semaphore, #tpu.memory_space<semaphore_mem>>)
      %dma_start3A_14 = arith.constant 0 : i32
      %dma_start3A_15 = arith.constant 0 : i32
      %dma_start3A_16 = tpu.memref_slice %arg2[%dma_start3A_14, %dma_start3A_15] : memref<10000x128xf32, #tpu.memory_space<hbm>> -> memref<10000x128xf32, #tpu.memory_space<hbm>>
      tpu.enqueue_indirect_dma source(%dma_start3A_16 : memref<10000x128xf32, #tpu.memory_space<hbm>>) target(%arg10 : memref<80x128xf32, #tpu.memory_space<vmem>>) offsets(%arg8 : memref<80xi32, #tpu.memory_space<vmem>>) semaphore(%arg12 : memref<!tpu.dma_semaphore, #tpu.memory_space<semaphore_mem>>)
      %dma_wait3A = arith.constant 0 : i32
      %dma_wait3A_17 = arith.constant 0 : i32
      %dma_wait3A_18 = tpu.memref_slice %arg2[%dma_wait3A, %dma_wait3A_17] : memref<10000x128xf32, #tpu.memory_space<hbm>> -> memref<10000x128xf32, #tpu.memory_space<hbm>>
      tpu.wait_indirect_dma semaphore(%arg11 : memref<!tpu.dma_semaphore, #tpu.memory_space<semaphore_mem>>) src(%dma_wait3A_18 : memref<10000x128xf32, #tpu.memory_space<hbm>>) dst(%arg9 : memref<80x128xf32, #tpu.memory_space<vmem>>)
      %dma_wait3A_19 = arith.constant 0 : i32
      %dma_wait3A_20 = arith.constant 0 : i32
      %dma_wait3A_21 = tpu.memref_slice %arg2[%dma_wait3A_19, %dma_wait3A_20] : memref<10000x128xf32, #tpu.memory_space<hbm>> -> memref<10000x128xf32, #tpu.memory_space<hbm>>
      tpu.wait_indirect_dma semaphore(%arg12 : memref<!tpu.dma_semaphore, #tpu.memory_space<semaphore_mem>>) src(%dma_wait3A_21 : memref<10000x128xf32, #tpu.memory_space<hbm>>) dst(%arg10 : memref<80x128xf32, #tpu.memory_space<vmem>>)
      "tpu.region"() ({
        %run_scoped3A = tpu.sem_alloc : memref<!tpu.dma_semaphore, #tpu.memory_space<semaphore_mem>>
        %dma_start3A_22 = arith.constant 0 : i32
        %dma_start3A_23 = tpu.memref_slice %arg5[%add3A_11, %dma_start3A_22] : memref<320000x128xf32, #tpu.memory_space<hbm>> -> memref<80x128xf32, #tpu.memory_space<hbm>>
        %dma_start3A_24 = arith.constant 0 : i32
        %dma_start3A_25 = tpu.memref_slice %arg5[%add3A_11, %dma_start3A_24] : memref<320000x128xf32, #tpu.memory_space<hbm>> -> memref<80x128xf32, #tpu.memory_space<hbm>>
        tpu.enqueue_dma source(%arg9 : memref<80x128xf32, #tpu.memory_space<vmem>>) target(%dma_start3A_25 : memref<80x128xf32, #tpu.memory_space<hbm>>) target_semaphore(%run_scoped3A : memref<!tpu.dma_semaphore, #tpu.memory_space<semaphore_mem>>)
        %dma_wait3A_26 = arith.constant 0 : i32
        %dma_wait3A_27 = tpu.memref_slice %arg5[%add3A_11, %dma_wait3A_26] : memref<320000x128xf32, #tpu.memory_space<hbm>> -> memref<80x128xf32, #tpu.memory_space<hbm>>
        %dma_wait3A_28 = arith.constant 0 : i32
        %dma_wait3A_29 = tpu.memref_slice %arg5[%add3A_11, %dma_wait3A_28] : memref<320000x128xf32, #tpu.memory_space<hbm>> -> memref<80x128xf32, #tpu.memory_space<hbm>>
        tpu.wait_dma2 semaphore(%run_scoped3A : memref<!tpu.dma_semaphore, #tpu.memory_space<semaphore_mem>>) src(%arg9 : memref<80x128xf32, #tpu.memory_space<vmem>>) dst(%dma_wait3A_29 : memref<80x128xf32, #tpu.memory_space<hbm>>)
        tpu.yield
      }) : () -> ()
      "tpu.region"() ({
        %run_scoped3A = tpu.sem_alloc : memref<!tpu.dma_semaphore, #tpu.memory_space<semaphore_mem>>
        %dma_start3A_22 = arith.constant 0 : i32
        %dma_start3A_23 = tpu.memref_slice %arg6[%add3A_11, %dma_start3A_22] : memref<320000x128xf32, #tpu.memory_space<hbm>> -> memref<80x128xf32, #tpu.memory_space<hbm>>
        %dma_start3A_24 = arith.constant 0 : i32
        %dma_start3A_25 = tpu.memref_slice %arg6[%add3A_11, %dma_start3A_24] : memref<320000x128xf32, #tpu.memory_space<hbm>> -> memref<80x128xf32, #tpu.memory_space<hbm>>
        tpu.enqueue_dma source(%arg10 : memref<80x128xf32, #tpu.memory_space<vmem>>) target(%dma_start3A_25 : memref<80x128xf32, #tpu.memory_space<hbm>>) target_semaphore(%run_scoped3A : memref<!tpu.dma_semaphore, #tpu.memory_space<semaphore_mem>>)
        %dma_wait3A_26 = arith.constant 0 : i32
        %dma_wait3A_27 = tpu.memref_slice %arg6[%add3A_11, %dma_wait3A_26] : memref<320000x128xf32, #tpu.memory_space<hbm>> -> memref<80x128xf32, #tpu.memory_space<hbm>>
        %dma_wait3A_28 = arith.constant 0 : i32
        %dma_wait3A_29 = tpu.memref_slice %arg6[%add3A_11, %dma_wait3A_28] : memref<320000x128xf32, #tpu.memory_space<hbm>> -> memref<80x128xf32, #tpu.memory_space<hbm>>
        tpu.wait_dma2 semaphore(%run_scoped3A : memref<!tpu.dma_semaphore, #tpu.memory_space<semaphore_mem>>) src(%arg10 : memref<80x128xf32, #tpu.memory_space<vmem>>) dst(%dma_wait3A_29 : memref<80x128xf32, #tpu.memory_space<hbm>>)
        tpu.yield
      }) : () -> ()
    }
    %scan3A_7 = arith.constant 125 : i32
    return
  }
}

#map = affine_map<(d0, d1) -> (0)>
#map1 = affine_map<(d0, d1) -> (0, 0)>
module attributes {stable_mosaic.version = 14 : i64} {
  func.func @_sc_counts(%arg0: i32, %arg1: i32, %arg2: memref<320000xi32, #tpu.memory_space<hbm>>, %arg3: memref<320000xi32, #tpu.memory_space<hbm>>, %arg4: memref<80x128xf32, #tpu.memory_space<hbm>>, %arg5: memref<10240x128xf32, #tpu.memory_space<hbm>>, %arg6: memref<10240x128xf32, #tpu.memory_space<hbm>>, %arg7: memref<10240x128xf32, #tpu.memory_space<hbm>>, %arg8: memref<10240x128xf32, #tpu.memory_space<vmem_shared>>, %arg9: memref<80xi32, #tpu.memory_space<vmem>>, %arg10: memref<80x128xf32, #tpu.memory_space<vmem>>) attributes {dimension_semantics = [#tpu.dimension_semantics<core_parallel>, #tpu.dimension_semantics<subcore_parallel>], iteration_bounds = array<i64: 2, 16>, scalar_prefetch = 0 : i64, scratch_operands = 3 : i64, tpu.core_type = #tpu.core_type<sc_vector_subcore>, window_params = [{transform_indices = #map}, {transform_indices = #map}, {transform_indices = #map1}, {transform_indices = #map1}, {transform_indices = #map1}, {transform_indices = #map1}]} {
    %mul3A = arith.constant 640 : i32
    %mul3A_0 = arith.muli %arg1, %mul3A : i32
    "tpu.region"() ({
      %run_scoped3A = tpu.sem_alloc : memref<!tpu.dma_semaphore, #tpu.memory_space<semaphore_mem>>
      tpu.enqueue_dma source(%arg4 : memref<80x128xf32, #tpu.memory_space<hbm>>) target(%arg10 : memref<80x128xf32, #tpu.memory_space<vmem>>) target_semaphore(%run_scoped3A : memref<!tpu.dma_semaphore, #tpu.memory_space<semaphore_mem>>)
      tpu.wait_dma2 semaphore(%run_scoped3A : memref<!tpu.dma_semaphore, #tpu.memory_space<semaphore_mem>>) src(%arg4 : memref<80x128xf32, #tpu.memory_space<hbm>>) dst(%arg10 : memref<80x128xf32, #tpu.memory_space<vmem>>)
      tpu.yield
    }) : () -> ()
    "tpu.region"() ({
      %run_scoped3A = tpu.sem_alloc : memref<!tpu.dma_semaphore, #tpu.memory_space<semaphore_mem>>
      %dma_start3A = arith.constant 0 : i32
      %dma_start3A_8 = tpu.memref_slice %arg8[%mul3A_0, %dma_start3A] : memref<10240x128xf32, #tpu.memory_space<vmem_shared>> -> memref<640x128xf32, #tpu.memory_space<vmem_shared>>
      %dma_start3A_9 = arith.constant 0 : i32
      %dma_start3A_10 = tpu.memref_slice %arg5[%mul3A_0, %dma_start3A_9] : memref<10240x128xf32, #tpu.memory_space<hbm>> -> memref<640x128xf32, #tpu.memory_space<hbm>>
      tpu.enqueue_dma source(%dma_start3A_10 : memref<640x128xf32, #tpu.memory_space<hbm>>) target(%dma_start3A_8 : memref<640x128xf32, #tpu.memory_space<vmem_shared>>) target_semaphore(%run_scoped3A : memref<!tpu.dma_semaphore, #tpu.memory_space<semaphore_mem>>)
      %dma_wait3A = arith.constant 0 : i32
      %dma_wait3A_11 = tpu.memref_slice %arg8[%mul3A_0, %dma_wait3A] : memref<10240x128xf32, #tpu.memory_space<vmem_shared>> -> memref<640x128xf32, #tpu.memory_space<vmem_shared>>
      %dma_wait3A_12 = arith.constant 0 : i32
      %dma_wait3A_13 = tpu.memref_slice %arg5[%mul3A_0, %dma_wait3A_12] : memref<10240x128xf32, #tpu.memory_space<hbm>> -> memref<640x128xf32, #tpu.memory_space<hbm>>
      tpu.wait_dma2 semaphore(%run_scoped3A : memref<!tpu.dma_semaphore, #tpu.memory_space<semaphore_mem>>) src(%dma_wait3A_13 : memref<640x128xf32, #tpu.memory_space<hbm>>) dst(%dma_wait3A_11 : memref<640x128xf32, #tpu.memory_space<vmem_shared>>)
      tpu.yield
    }) : () -> ()
    %barrier3A = arith.constant 0 : index
    tpu.barrier barrier_id(%barrier3A)
    %eq3A = arith.constant 0 : i32
    %eq3A_1 = arith.cmpi eq, %arg0, %eq3A : i32
    %convert_element_type3A = arith.extui %eq3A_1 : i1 to i32
    %cond3A = arith.constant 0 : i32
    %cond3A_2 = arith.cmpi ne, %convert_element_type3A, %cond3A : i32
    scf.if %cond3A_2 {
      %mul3A_8 = arith.constant 20000 : i32
      %mul3A_9 = arith.muli %arg1, %mul3A_8 : i32
      %scan3A = arith.constant 0 : i32
      %scan3A_10 = arith.constant 0 : i32
      %scan3A_11 = arith.constant 250 : i32
      %scan3A_12 = arith.addi %scan3A_10, %scan3A_11 : i32
      %scan3A_13 = arith.constant 1 : i32
      scf.for %scan3A_16 = %scan3A_10 to %scan3A_12 step %scan3A_13  : i32 {
        %mul3A_17 = arith.constant 80 : i32
        %mul3A_18 = arith.muli %scan3A_16, %mul3A_17 : i32
        %add3A = arith.addi %mul3A_9, %mul3A_18 : i32
        "tpu.region"() ({
          %run_scoped3A = tpu.sem_alloc : memref<!tpu.dma_semaphore, #tpu.memory_space<semaphore_mem>>
          %dma_start3A = tpu.memref_slice %arg2[%add3A] : memref<320000xi32, #tpu.memory_space<hbm>> -> memref<80xi32, #tpu.memory_space<hbm>>
          %dma_start3A_19 = tpu.memref_slice %arg2[%add3A] : memref<320000xi32, #tpu.memory_space<hbm>> -> memref<80xi32, #tpu.memory_space<hbm>>
          tpu.enqueue_dma source(%dma_start3A_19 : memref<80xi32, #tpu.memory_space<hbm>>) target(%arg9 : memref<80xi32, #tpu.memory_space<vmem>>) target_semaphore(%run_scoped3A : memref<!tpu.dma_semaphore, #tpu.memory_space<semaphore_mem>>)
          %dma_wait3A = tpu.memref_slice %arg2[%add3A] : memref<320000xi32, #tpu.memory_space<hbm>> -> memref<80xi32, #tpu.memory_space<hbm>>
          %dma_wait3A_20 = tpu.memref_slice %arg2[%add3A] : memref<320000xi32, #tpu.memory_space<hbm>> -> memref<80xi32, #tpu.memory_space<hbm>>
          tpu.wait_dma2 semaphore(%run_scoped3A : memref<!tpu.dma_semaphore, #tpu.memory_space<semaphore_mem>>) src(%dma_wait3A_20 : memref<80xi32, #tpu.memory_space<hbm>>) dst(%arg9 : memref<80xi32, #tpu.memory_space<vmem>>)
          tpu.yield
        }) : () -> ()
        "tpu.region"() ({
          %run_scoped3A = tpu.sem_alloc : memref<!tpu.dma_semaphore, #tpu.memory_space<semaphore_mem>>
          %dma_start3A = arith.constant 0 : i32
          %dma_start3A_19 = arith.constant 0 : i32
          %dma_start3A_20 = tpu.memref_slice %arg8[%dma_start3A, %dma_start3A_19] : memref<10240x128xf32, #tpu.memory_space<vmem_shared>> -> memref<10240x128xf32, #tpu.memory_space<vmem_shared>>
          tpu.enqueue_indirect_dma source(%arg10 : memref<80x128xf32, #tpu.memory_space<vmem>>) target(%dma_start3A_20 : memref<10240x128xf32, #tpu.memory_space<vmem_shared>>) offsets(%arg9 : memref<80xi32, #tpu.memory_space<vmem>>) semaphore(%run_scoped3A : memref<!tpu.dma_semaphore, #tpu.memory_space<semaphore_mem>>) {add = true}
          %dma_wait3A = arith.constant 0 : i32
          %dma_wait3A_21 = arith.constant 0 : i32
          %dma_wait3A_22 = tpu.memref_slice %arg8[%dma_wait3A, %dma_wait3A_21] : memref<10240x128xf32, #tpu.memory_space<vmem_shared>> -> memref<10240x128xf32, #tpu.memory_space<vmem_shared>>
          tpu.wait_indirect_dma semaphore(%run_scoped3A : memref<!tpu.dma_semaphore, #tpu.memory_space<semaphore_mem>>) src(%arg10 : memref<80x128xf32, #tpu.memory_space<vmem>>) dst(%dma_wait3A_22 : memref<10240x128xf32, #tpu.memory_space<vmem_shared>>)
          tpu.yield
        }) : () -> ()
      }
      %scan3A_14 = arith.constant 250 : i32
      %barrier3A_15 = arith.constant 0 : index
      tpu.barrier barrier_id(%barrier3A_15)
      "tpu.region"() ({
        %run_scoped3A = tpu.sem_alloc : memref<!tpu.dma_semaphore, #tpu.memory_space<semaphore_mem>>
        %dma_start3A = arith.constant 0 : i32
        %dma_start3A_16 = tpu.memref_slice %arg6[%mul3A_0, %dma_start3A] : memref<10240x128xf32, #tpu.memory_space<hbm>> -> memref<640x128xf32, #tpu.memory_space<hbm>>
        %dma_start3A_17 = arith.constant 0 : i32
        %dma_start3A_18 = tpu.memref_slice %arg8[%mul3A_0, %dma_start3A_17] : memref<10240x128xf32, #tpu.memory_space<vmem_shared>> -> memref<640x128xf32, #tpu.memory_space<vmem_shared>>
        tpu.enqueue_dma source(%dma_start3A_18 : memref<640x128xf32, #tpu.memory_space<vmem_shared>>) target(%dma_start3A_16 : memref<640x128xf32, #tpu.memory_space<hbm>>) target_semaphore(%run_scoped3A : memref<!tpu.dma_semaphore, #tpu.memory_space<semaphore_mem>>)
        %dma_wait3A = arith.constant 0 : i32
        %dma_wait3A_19 = tpu.memref_slice %arg6[%mul3A_0, %dma_wait3A] : memref<10240x128xf32, #tpu.memory_space<hbm>> -> memref<640x128xf32, #tpu.memory_space<hbm>>
        %dma_wait3A_20 = arith.constant 0 : i32
        %dma_wait3A_21 = tpu.memref_slice %arg8[%mul3A_0, %dma_wait3A_20] : memref<10240x128xf32, #tpu.memory_space<vmem_shared>> -> memref<640x128xf32, #tpu.memory_space<vmem_shared>>
        tpu.wait_dma2 semaphore(%run_scoped3A : memref<!tpu.dma_semaphore, #tpu.memory_space<semaphore_mem>>) src(%dma_wait3A_21 : memref<640x128xf32, #tpu.memory_space<vmem_shared>>) dst(%dma_wait3A_19 : memref<640x128xf32, #tpu.memory_space<hbm>>)
        tpu.yield
      }) : () -> ()
    } else {
    }
    %eq3A_3 = arith.constant 1 : i32
    %eq3A_4 = arith.cmpi eq, %arg0, %eq3A_3 : i32
    %convert_element_type3A_5 = arith.extui %eq3A_4 : i1 to i32
    %cond3A_6 = arith.constant 0 : i32
    %cond3A_7 = arith.cmpi ne, %convert_element_type3A_5, %cond3A_6 : i32
    scf.if %cond3A_7 {
      %mul3A_8 = arith.constant 20000 : i32
      %mul3A_9 = arith.muli %arg1, %mul3A_8 : i32
      %scan3A = arith.constant 0 : i32
      %scan3A_10 = arith.constant 0 : i32
      %scan3A_11 = arith.constant 250 : i32
      %scan3A_12 = arith.addi %scan3A_10, %scan3A_11 : i32
      %scan3A_13 = arith.constant 1 : i32
      scf.for %scan3A_16 = %scan3A_10 to %scan3A_12 step %scan3A_13  : i32 {
        %mul3A_17 = arith.constant 80 : i32
        %mul3A_18 = arith.muli %scan3A_16, %mul3A_17 : i32
        %add3A = arith.addi %mul3A_9, %mul3A_18 : i32
        "tpu.region"() ({
          %run_scoped3A = tpu.sem_alloc : memref<!tpu.dma_semaphore, #tpu.memory_space<semaphore_mem>>
          %dma_start3A = tpu.memref_slice %arg3[%add3A] : memref<320000xi32, #tpu.memory_space<hbm>> -> memref<80xi32, #tpu.memory_space<hbm>>
          %dma_start3A_19 = tpu.memref_slice %arg3[%add3A] : memref<320000xi32, #tpu.memory_space<hbm>> -> memref<80xi32, #tpu.memory_space<hbm>>
          tpu.enqueue_dma source(%dma_start3A_19 : memref<80xi32, #tpu.memory_space<hbm>>) target(%arg9 : memref<80xi32, #tpu.memory_space<vmem>>) target_semaphore(%run_scoped3A : memref<!tpu.dma_semaphore, #tpu.memory_space<semaphore_mem>>)
          %dma_wait3A = tpu.memref_slice %arg3[%add3A] : memref<320000xi32, #tpu.memory_space<hbm>> -> memref<80xi32, #tpu.memory_space<hbm>>
          %dma_wait3A_20 = tpu.memref_slice %arg3[%add3A] : memref<320000xi32, #tpu.memory_space<hbm>> -> memref<80xi32, #tpu.memory_space<hbm>>
          tpu.wait_dma2 semaphore(%run_scoped3A : memref<!tpu.dma_semaphore, #tpu.memory_space<semaphore_mem>>) src(%dma_wait3A_20 : memref<80xi32, #tpu.memory_space<hbm>>) dst(%arg9 : memref<80xi32, #tpu.memory_space<vmem>>)
          tpu.yield
        }) : () -> ()
        "tpu.region"() ({
          %run_scoped3A = tpu.sem_alloc : memref<!tpu.dma_semaphore, #tpu.memory_space<semaphore_mem>>
          %dma_start3A = arith.constant 0 : i32
          %dma_start3A_19 = arith.constant 0 : i32
          %dma_start3A_20 = tpu.memref_slice %arg8[%dma_start3A, %dma_start3A_19] : memref<10240x128xf32, #tpu.memory_space<vmem_shared>> -> memref<10240x128xf32, #tpu.memory_space<vmem_shared>>
          tpu.enqueue_indirect_dma source(%arg10 : memref<80x128xf32, #tpu.memory_space<vmem>>) target(%dma_start3A_20 : memref<10240x128xf32, #tpu.memory_space<vmem_shared>>) offsets(%arg9 : memref<80xi32, #tpu.memory_space<vmem>>) semaphore(%run_scoped3A : memref<!tpu.dma_semaphore, #tpu.memory_space<semaphore_mem>>) {add = true}
          %dma_wait3A = arith.constant 0 : i32
          %dma_wait3A_21 = arith.constant 0 : i32
          %dma_wait3A_22 = tpu.memref_slice %arg8[%dma_wait3A, %dma_wait3A_21] : memref<10240x128xf32, #tpu.memory_space<vmem_shared>> -> memref<10240x128xf32, #tpu.memory_space<vmem_shared>>
          tpu.wait_indirect_dma semaphore(%run_scoped3A : memref<!tpu.dma_semaphore, #tpu.memory_space<semaphore_mem>>) src(%arg10 : memref<80x128xf32, #tpu.memory_space<vmem>>) dst(%dma_wait3A_22 : memref<10240x128xf32, #tpu.memory_space<vmem_shared>>)
          tpu.yield
        }) : () -> ()
      }
      %scan3A_14 = arith.constant 250 : i32
      %barrier3A_15 = arith.constant 0 : index
      tpu.barrier barrier_id(%barrier3A_15)
      "tpu.region"() ({
        %run_scoped3A = tpu.sem_alloc : memref<!tpu.dma_semaphore, #tpu.memory_space<semaphore_mem>>
        %dma_start3A = arith.constant 0 : i32
        %dma_start3A_16 = tpu.memref_slice %arg7[%mul3A_0, %dma_start3A] : memref<10240x128xf32, #tpu.memory_space<hbm>> -> memref<640x128xf32, #tpu.memory_space<hbm>>
        %dma_start3A_17 = arith.constant 0 : i32
        %dma_start3A_18 = tpu.memref_slice %arg8[%mul3A_0, %dma_start3A_17] : memref<10240x128xf32, #tpu.memory_space<vmem_shared>> -> memref<640x128xf32, #tpu.memory_space<vmem_shared>>
        tpu.enqueue_dma source(%dma_start3A_18 : memref<640x128xf32, #tpu.memory_space<vmem_shared>>) target(%dma_start3A_16 : memref<640x128xf32, #tpu.memory_space<hbm>>) target_semaphore(%run_scoped3A : memref<!tpu.dma_semaphore, #tpu.memory_space<semaphore_mem>>)
        %dma_wait3A = arith.constant 0 : i32
        %dma_wait3A_19 = tpu.memref_slice %arg7[%mul3A_0, %dma_wait3A] : memref<10240x128xf32, #tpu.memory_space<hbm>> -> memref<640x128xf32, #tpu.memory_space<hbm>>
        %dma_wait3A_20 = arith.constant 0 : i32
        %dma_wait3A_21 = tpu.memref_slice %arg8[%mul3A_0, %dma_wait3A_20] : memref<10240x128xf32, #tpu.memory_space<vmem_shared>> -> memref<640x128xf32, #tpu.memory_space<vmem_shared>>
        tpu.wait_dma2 semaphore(%run_scoped3A : memref<!tpu.dma_semaphore, #tpu.memory_space<semaphore_mem>>) src(%dma_wait3A_21 : memref<640x128xf32, #tpu.memory_space<vmem_shared>>) dst(%dma_wait3A_19 : memref<640x128xf32, #tpu.memory_space<hbm>>)
        tpu.yield
      }) : () -> ()
    } else {
    }
    return
  }
}

#map = affine_map<(d0, d1) -> (0, 0)>
#map1 = affine_map<(d0, d1) -> (0)>
module attributes {stable_mosaic.version = 14 : i64} {
  func.func @_sc_scatter(%arg0: i32, %arg1: i32, %arg2: memref<320000x128xf32, #tpu.memory_space<hbm>>, %arg3: memref<320000x128xf32, #tpu.memory_space<hbm>>, %arg4: memref<320000xi32, #tpu.memory_space<hbm>>, %arg5: memref<320000xi32, #tpu.memory_space<hbm>>, %arg6: memref<10240x128xf32, #tpu.memory_space<hbm>>, %arg7: memref<10240x128xf32, #tpu.memory_space<hbm>>, %arg8: memref<10240x128xf32, #tpu.memory_space<hbm>>, %arg9: memref<10240x128xf32, #tpu.memory_space<vmem_shared>>, %arg10: memref<80xi32, #tpu.memory_space<vmem>>, %arg11: memref<80x128xf32, #tpu.memory_space<vmem>>) attributes {dimension_semantics = [#tpu.dimension_semantics<core_parallel>, #tpu.dimension_semantics<subcore_parallel>], iteration_bounds = array<i64: 2, 16>, scalar_prefetch = 0 : i64, scratch_operands = 3 : i64, tpu.core_type = #tpu.core_type<sc_vector_subcore>, window_params = [{transform_indices = #map}, {transform_indices = #map}, {transform_indices = #map1}, {transform_indices = #map1}, {transform_indices = #map}, {transform_indices = #map}, {transform_indices = #map}]} {
    %mul3A = arith.constant 640 : i32
    %mul3A_0 = arith.muli %arg1, %mul3A : i32
    "tpu.region"() ({
      %run_scoped3A = tpu.sem_alloc : memref<!tpu.dma_semaphore, #tpu.memory_space<semaphore_mem>>
      %dma_start3A = arith.constant 0 : i32
      %dma_start3A_8 = tpu.memref_slice %arg9[%mul3A_0, %dma_start3A] : memref<10240x128xf32, #tpu.memory_space<vmem_shared>> -> memref<640x128xf32, #tpu.memory_space<vmem_shared>>
      %dma_start3A_9 = arith.constant 0 : i32
      %dma_start3A_10 = tpu.memref_slice %arg6[%mul3A_0, %dma_start3A_9] : memref<10240x128xf32, #tpu.memory_space<hbm>> -> memref<640x128xf32, #tpu.memory_space<hbm>>
      tpu.enqueue_dma source(%dma_start3A_10 : memref<640x128xf32, #tpu.memory_space<hbm>>) target(%dma_start3A_8 : memref<640x128xf32, #tpu.memory_space<vmem_shared>>) target_semaphore(%run_scoped3A : memref<!tpu.dma_semaphore, #tpu.memory_space<semaphore_mem>>)
      %dma_wait3A = arith.constant 0 : i32
      %dma_wait3A_11 = tpu.memref_slice %arg9[%mul3A_0, %dma_wait3A] : memref<10240x128xf32, #tpu.memory_space<vmem_shared>> -> memref<640x128xf32, #tpu.memory_space<vmem_shared>>
      %dma_wait3A_12 = arith.constant 0 : i32
      %dma_wait3A_13 = tpu.memref_slice %arg6[%mul3A_0, %dma_wait3A_12] : memref<10240x128xf32, #tpu.memory_space<hbm>> -> memref<640x128xf32, #tpu.memory_space<hbm>>
      tpu.wait_dma2 semaphore(%run_scoped3A : memref<!tpu.dma_semaphore, #tpu.memory_space<semaphore_mem>>) src(%dma_wait3A_13 : memref<640x128xf32, #tpu.memory_space<hbm>>) dst(%dma_wait3A_11 : memref<640x128xf32, #tpu.memory_space<vmem_shared>>)
      tpu.yield
    }) : () -> ()
    %barrier3A = arith.constant 0 : index
    tpu.barrier barrier_id(%barrier3A)
    %eq3A = arith.constant 0 : i32
    %eq3A_1 = arith.cmpi eq, %arg0, %eq3A : i32
    %convert_element_type3A = arith.extui %eq3A_1 : i1 to i32
    %cond3A = arith.constant 0 : i32
    %cond3A_2 = arith.cmpi ne, %convert_element_type3A, %cond3A : i32
    scf.if %cond3A_2 {
      %mul3A_8 = arith.constant 20000 : i32
      %mul3A_9 = arith.muli %arg1, %mul3A_8 : i32
      %scan3A = arith.constant 0 : i32
      %scan3A_10 = arith.constant 0 : i32
      %scan3A_11 = arith.constant 250 : i32
      %scan3A_12 = arith.addi %scan3A_10, %scan3A_11 : i32
      %scan3A_13 = arith.constant 1 : i32
      scf.for %scan3A_16 = %scan3A_10 to %scan3A_12 step %scan3A_13  : i32 {
        %mul3A_17 = arith.constant 80 : i32
        %mul3A_18 = arith.muli %scan3A_16, %mul3A_17 : i32
        %add3A = arith.addi %mul3A_9, %mul3A_18 : i32
        "tpu.region"() ({
          %run_scoped3A = tpu.sem_alloc : memref<!tpu.dma_semaphore, #tpu.memory_space<semaphore_mem>>
          %dma_start3A = tpu.memref_slice %arg4[%add3A] : memref<320000xi32, #tpu.memory_space<hbm>> -> memref<80xi32, #tpu.memory_space<hbm>>
          %dma_start3A_19 = tpu.memref_slice %arg4[%add3A] : memref<320000xi32, #tpu.memory_space<hbm>> -> memref<80xi32, #tpu.memory_space<hbm>>
          tpu.enqueue_dma source(%dma_start3A_19 : memref<80xi32, #tpu.memory_space<hbm>>) target(%arg10 : memref<80xi32, #tpu.memory_space<vmem>>) target_semaphore(%run_scoped3A : memref<!tpu.dma_semaphore, #tpu.memory_space<semaphore_mem>>)
          %dma_wait3A = tpu.memref_slice %arg4[%add3A] : memref<320000xi32, #tpu.memory_space<hbm>> -> memref<80xi32, #tpu.memory_space<hbm>>
          %dma_wait3A_20 = tpu.memref_slice %arg4[%add3A] : memref<320000xi32, #tpu.memory_space<hbm>> -> memref<80xi32, #tpu.memory_space<hbm>>
          tpu.wait_dma2 semaphore(%run_scoped3A : memref<!tpu.dma_semaphore, #tpu.memory_space<semaphore_mem>>) src(%dma_wait3A_20 : memref<80xi32, #tpu.memory_space<hbm>>) dst(%arg10 : memref<80xi32, #tpu.memory_space<vmem>>)
          tpu.yield
        }) : () -> ()
        "tpu.region"() ({
          %run_scoped3A = tpu.sem_alloc : memref<!tpu.dma_semaphore, #tpu.memory_space<semaphore_mem>>
          %dma_start3A = arith.constant 0 : i32
          %dma_start3A_19 = tpu.memref_slice %arg2[%add3A, %dma_start3A] : memref<320000x128xf32, #tpu.memory_space<hbm>> -> memref<80x128xf32, #tpu.memory_space<hbm>>
          %dma_start3A_20 = arith.constant 0 : i32
          %dma_start3A_21 = tpu.memref_slice %arg2[%add3A, %dma_start3A_20] : memref<320000x128xf32, #tpu.memory_space<hbm>> -> memref<80x128xf32, #tpu.memory_space<hbm>>
          tpu.enqueue_dma source(%dma_start3A_21 : memref<80x128xf32, #tpu.memory_space<hbm>>) target(%arg11 : memref<80x128xf32, #tpu.memory_space<vmem>>) target_semaphore(%run_scoped3A : memref<!tpu.dma_semaphore, #tpu.memory_space<semaphore_mem>>)
          %dma_wait3A = arith.constant 0 : i32
          %dma_wait3A_22 = tpu.memref_slice %arg2[%add3A, %dma_wait3A] : memref<320000x128xf32, #tpu.memory_space<hbm>> -> memref<80x128xf32, #tpu.memory_space<hbm>>
          %dma_wait3A_23 = arith.constant 0 : i32
          %dma_wait3A_24 = tpu.memref_slice %arg2[%add3A, %dma_wait3A_23] : memref<320000x128xf32, #tpu.memory_space<hbm>> -> memref<80x128xf32, #tpu.memory_space<hbm>>
          tpu.wait_dma2 semaphore(%run_scoped3A : memref<!tpu.dma_semaphore, #tpu.memory_space<semaphore_mem>>) src(%dma_wait3A_24 : memref<80x128xf32, #tpu.memory_space<hbm>>) dst(%arg11 : memref<80x128xf32, #tpu.memory_space<vmem>>)
          tpu.yield
        }) : () -> ()
        "tpu.region"() ({
          %run_scoped3A = tpu.sem_alloc : memref<!tpu.dma_semaphore, #tpu.memory_space<semaphore_mem>>
          %dma_start3A = arith.constant 0 : i32
          %dma_start3A_19 = arith.constant 0 : i32
          %dma_start3A_20 = tpu.memref_slice %arg9[%dma_start3A, %dma_start3A_19] : memref<10240x128xf32, #tpu.memory_space<vmem_shared>> -> memref<10240x128xf32, #tpu.memory_space<vmem_shared>>
          tpu.enqueue_indirect_dma source(%arg11 : memref<80x128xf32, #tpu.memory_space<vmem>>) target(%dma_start3A_20 : memref<10240x128xf32, #tpu.memory_space<vmem_shared>>) offsets(%arg10 : memref<80xi32, #tpu.memory_space<vmem>>) semaphore(%run_scoped3A : memref<!tpu.dma_semaphore, #tpu.memory_space<semaphore_mem>>) {add = true}
          %dma_wait3A = arith.constant 0 : i32
          %dma_wait3A_21 = arith.constant 0 : i32
          %dma_wait3A_22 = tpu.memref_slice %arg9[%dma_wait3A, %dma_wait3A_21] : memref<10240x128xf32, #tpu.memory_space<vmem_shared>> -> memref<10240x128xf32, #tpu.memory_space<vmem_shared>>
          tpu.wait_indirect_dma semaphore(%run_scoped3A : memref<!tpu.dma_semaphore, #tpu.memory_space<semaphore_mem>>) src(%arg11 : memref<80x128xf32, #tpu.memory_space<vmem>>) dst(%dma_wait3A_22 : memref<10240x128xf32, #tpu.memory_space<vmem_shared>>)
          tpu.yield
        }) : () -> ()
      }
      %scan3A_14 = arith.constant 250 : i32
      %barrier3A_15 = arith.constant 0 : index
      tpu.barrier barrier_id(%barrier3A_15)
      "tpu.region"() ({
        %run_scoped3A = tpu.sem_alloc : memref<!tpu.dma_semaphore, #tpu.memory_space<semaphore_mem>>
        %dma_start3A = arith.constant 0 : i32
        %dma_start3A_16 = tpu.memref_slice %arg7[%mul3A_0, %dma_start3A] : memref<10240x128xf32, #tpu.memory_space<hbm>> -> memref<640x128xf32, #tpu.memory_space<hbm>>
        %dma_start3A_17 = arith.constant 0 : i32
        %dma_start3A_18 = tpu.memref_slice %arg9[%mul3A_0, %dma_start3A_17] : memref<10240x128xf32, #tpu.memory_space<vmem_shared>> -> memref<640x128xf32, #tpu.memory_space<vmem_shared>>
        tpu.enqueue_dma source(%dma_start3A_18 : memref<640x128xf32, #tpu.memory_space<vmem_shared>>) target(%dma_start3A_16 : memref<640x128xf32, #tpu.memory_space<hbm>>) target_semaphore(%run_scoped3A : memref<!tpu.dma_semaphore, #tpu.memory_space<semaphore_mem>>)
        %dma_wait3A = arith.constant 0 : i32
        %dma_wait3A_19 = tpu.memref_slice %arg7[%mul3A_0, %dma_wait3A] : memref<10240x128xf32, #tpu.memory_space<hbm>> -> memref<640x128xf32, #tpu.memory_space<hbm>>
        %dma_wait3A_20 = arith.constant 0 : i32
        %dma_wait3A_21 = tpu.memref_slice %arg9[%mul3A_0, %dma_wait3A_20] : memref<10240x128xf32, #tpu.memory_space<vmem_shared>> -> memref<640x128xf32, #tpu.memory_space<vmem_shared>>
        tpu.wait_dma2 semaphore(%run_scoped3A : memref<!tpu.dma_semaphore, #tpu.memory_space<semaphore_mem>>) src(%dma_wait3A_21 : memref<640x128xf32, #tpu.memory_space<vmem_shared>>) dst(%dma_wait3A_19 : memref<640x128xf32, #tpu.memory_space<hbm>>)
        tpu.yield
      }) : () -> ()
    } else {
    }
    %eq3A_3 = arith.constant 1 : i32
    %eq3A_4 = arith.cmpi eq, %arg0, %eq3A_3 : i32
    %convert_element_type3A_5 = arith.extui %eq3A_4 : i1 to i32
    %cond3A_6 = arith.constant 0 : i32
    %cond3A_7 = arith.cmpi ne, %convert_element_type3A_5, %cond3A_6 : i32
    scf.if %cond3A_7 {
      %mul3A_8 = arith.constant 20000 : i32
      %mul3A_9 = arith.muli %arg1, %mul3A_8 : i32
      %scan3A = arith.constant 0 : i32
      %scan3A_10 = arith.constant 0 : i32
      %scan3A_11 = arith.constant 250 : i32
      %scan3A_12 = arith.addi %scan3A_10, %scan3A_11 : i32
      %scan3A_13 = arith.constant 1 : i32
      scf.for %scan3A_16 = %scan3A_10 to %scan3A_12 step %scan3A_13  : i32 {
        %mul3A_17 = arith.constant 80 : i32
        %mul3A_18 = arith.muli %scan3A_16, %mul3A_17 : i32
        %add3A = arith.addi %mul3A_9, %mul3A_18 : i32
        "tpu.region"() ({
          %run_scoped3A = tpu.sem_alloc : memref<!tpu.dma_semaphore, #tpu.memory_space<semaphore_mem>>
          %dma_start3A = tpu.memref_slice %arg5[%add3A] : memref<320000xi32, #tpu.memory_space<hbm>> -> memref<80xi32, #tpu.memory_space<hbm>>
          %dma_start3A_19 = tpu.memref_slice %arg5[%add3A] : memref<320000xi32, #tpu.memory_space<hbm>> -> memref<80xi32, #tpu.memory_space<hbm>>
          tpu.enqueue_dma source(%dma_start3A_19 : memref<80xi32, #tpu.memory_space<hbm>>) target(%arg10 : memref<80xi32, #tpu.memory_space<vmem>>) target_semaphore(%run_scoped3A : memref<!tpu.dma_semaphore, #tpu.memory_space<semaphore_mem>>)
          %dma_wait3A = tpu.memref_slice %arg5[%add3A] : memref<320000xi32, #tpu.memory_space<hbm>> -> memref<80xi32, #tpu.memory_space<hbm>>
          %dma_wait3A_20 = tpu.memref_slice %arg5[%add3A] : memref<320000xi32, #tpu.memory_space<hbm>> -> memref<80xi32, #tpu.memory_space<hbm>>
          tpu.wait_dma2 semaphore(%run_scoped3A : memref<!tpu.dma_semaphore, #tpu.memory_space<semaphore_mem>>) src(%dma_wait3A_20 : memref<80xi32, #tpu.memory_space<hbm>>) dst(%arg10 : memref<80xi32, #tpu.memory_space<vmem>>)
          tpu.yield
        }) : () -> ()
        "tpu.region"() ({
          %run_scoped3A = tpu.sem_alloc : memref<!tpu.dma_semaphore, #tpu.memory_space<semaphore_mem>>
          %dma_start3A = arith.constant 0 : i32
          %dma_start3A_19 = tpu.memref_slice %arg3[%add3A, %dma_start3A] : memref<320000x128xf32, #tpu.memory_space<hbm>> -> memref<80x128xf32, #tpu.memory_space<hbm>>
          %dma_start3A_20 = arith.constant 0 : i32
          %dma_start3A_21 = tpu.memref_slice %arg3[%add3A, %dma_start3A_20] : memref<320000x128xf32, #tpu.memory_space<hbm>> -> memref<80x128xf32, #tpu.memory_space<hbm>>
          tpu.enqueue_dma source(%dma_start3A_21 : memref<80x128xf32, #tpu.memory_space<hbm>>) target(%arg11 : memref<80x128xf32, #tpu.memory_space<vmem>>) target_semaphore(%run_scoped3A : memref<!tpu.dma_semaphore, #tpu.memory_space<semaphore_mem>>)
          %dma_wait3A = arith.constant 0 : i32
          %dma_wait3A_22 = tpu.memref_slice %arg3[%add3A, %dma_wait3A] : memref<320000x128xf32, #tpu.memory_space<hbm>> -> memref<80x128xf32, #tpu.memory_space<hbm>>
          %dma_wait3A_23 = arith.constant 0 : i32
          %dma_wait3A_24 = tpu.memref_slice %arg3[%add3A, %dma_wait3A_23] : memref<320000x128xf32, #tpu.memory_space<hbm>> -> memref<80x128xf32, #tpu.memory_space<hbm>>
          tpu.wait_dma2 semaphore(%run_scoped3A : memref<!tpu.dma_semaphore, #tpu.memory_space<semaphore_mem>>) src(%dma_wait3A_24 : memref<80x128xf32, #tpu.memory_space<hbm>>) dst(%arg11 : memref<80x128xf32, #tpu.memory_space<vmem>>)
          tpu.yield
        }) : () -> ()
        "tpu.region"() ({
          %run_scoped3A = tpu.sem_alloc : memref<!tpu.dma_semaphore, #tpu.memory_space<semaphore_mem>>
          %dma_start3A = arith.constant 0 : i32
          %dma_start3A_19 = arith.constant 0 : i32
          %dma_start3A_20 = tpu.memref_slice %arg9[%dma_start3A, %dma_start3A_19] : memref<10240x128xf32, #tpu.memory_space<vmem_shared>> -> memref<10240x128xf32, #tpu.memory_space<vmem_shared>>
          tpu.enqueue_indirect_dma source(%arg11 : memref<80x128xf32, #tpu.memory_space<vmem>>) target(%dma_start3A_20 : memref<10240x128xf32, #tpu.memory_space<vmem_shared>>) offsets(%arg10 : memref<80xi32, #tpu.memory_space<vmem>>) semaphore(%run_scoped3A : memref<!tpu.dma_semaphore, #tpu.memory_space<semaphore_mem>>) {add = true}
          %dma_wait3A = arith.constant 0 : i32
          %dma_wait3A_21 = arith.constant 0 : i32
          %dma_wait3A_22 = tpu.memref_slice %arg9[%dma_wait3A, %dma_wait3A_21] : memref<10240x128xf32, #tpu.memory_space<vmem_shared>> -> memref<10240x128xf32, #tpu.memory_space<vmem_shared>>
          tpu.wait_indirect_dma semaphore(%run_scoped3A : memref<!tpu.dma_semaphore, #tpu.memory_space<semaphore_mem>>) src(%arg11 : memref<80x128xf32, #tpu.memory_space<vmem>>) dst(%dma_wait3A_22 : memref<10240x128xf32, #tpu.memory_space<vmem_shared>>)
          tpu.yield
        }) : () -> ()
      }
      %scan3A_14 = arith.constant 250 : i32
      %barrier3A_15 = arith.constant 0 : index
      tpu.barrier barrier_id(%barrier3A_15)
      "tpu.region"() ({
        %run_scoped3A = tpu.sem_alloc : memref<!tpu.dma_semaphore, #tpu.memory_space<semaphore_mem>>
        %dma_start3A = arith.constant 0 : i32
        %dma_start3A_16 = tpu.memref_slice %arg8[%mul3A_0, %dma_start3A] : memref<10240x128xf32, #tpu.memory_space<hbm>> -> memref<640x128xf32, #tpu.memory_space<hbm>>
        %dma_start3A_17 = arith.constant 0 : i32
        %dma_start3A_18 = tpu.memref_slice %arg9[%mul3A_0, %dma_start3A_17] : memref<10240x128xf32, #tpu.memory_space<vmem_shared>> -> memref<640x128xf32, #tpu.memory_space<vmem_shared>>
        tpu.enqueue_dma source(%dma_start3A_18 : memref<640x128xf32, #tpu.memory_space<vmem_shared>>) target(%dma_start3A_16 : memref<640x128xf32, #tpu.memory_space<hbm>>) target_semaphore(%run_scoped3A : memref<!tpu.dma_semaphore, #tpu.memory_space<semaphore_mem>>)
        %dma_wait3A = arith.constant 0 : i32
        %dma_wait3A_19 = tpu.memref_slice %arg8[%mul3A_0, %dma_wait3A] : memref<10240x128xf32, #tpu.memory_space<hbm>> -> memref<640x128xf32, #tpu.memory_space<hbm>>
        %dma_wait3A_20 = arith.constant 0 : i32
        %dma_wait3A_21 = tpu.memref_slice %arg9[%mul3A_0, %dma_wait3A_20] : memref<10240x128xf32, #tpu.memory_space<vmem_shared>> -> memref<640x128xf32, #tpu.memory_space<vmem_shared>>
        tpu.wait_dma2 semaphore(%run_scoped3A : memref<!tpu.dma_semaphore, #tpu.memory_space<semaphore_mem>>) src(%dma_wait3A_21 : memref<640x128xf32, #tpu.memory_space<vmem_shared>>) dst(%dma_wait3A_19 : memref<640x128xf32, #tpu.memory_space<hbm>>)
        tpu.yield
      }) : () -> ()
    } else {
    }
    return
  }
}

module attributes {stable_mosaic.version = 14 : i64} {
  func.func @_vmlp_body(%arg0: i32, %arg1: memref<1000x128xf32, #tpu.memory_space<vmem>>, %arg2: memref<128x256xf32, #tpu.memory_space<vmem>>, %arg3: memref<1x256xf32, #tpu.memory_space<vmem>>, %arg4: memref<256x128xf32, #tpu.memory_space<vmem>>, %arg5: memref<1x128xf32, #tpu.memory_space<vmem>>, %arg6: memref<1000x128xf32, #tpu.memory_space<vmem>>) attributes {dimension_semantics = [#tpu.dimension_semantics<arbitrary>], iteration_bounds = array<i64: 10>, scalar_prefetch = 0 : i64, scratch_operands = 0 : i64, tpu.core_type = #tpu.core_type<tc>, window_params = [{transform_indices = @transform_0, window_bounds = array<i64: 1000, 128>}, {pipeline_mode = #tpu.pipeline_mode<synchronous>, transform_indices = @transform_1, window_bounds = array<i64: 128, 256>}, {pipeline_mode = #tpu.pipeline_mode<synchronous>, transform_indices = @transform_2, window_bounds = array<i64: 1, 256>}, {pipeline_mode = #tpu.pipeline_mode<synchronous>, transform_indices = @transform_3, window_bounds = array<i64: 256, 128>}, {pipeline_mode = #tpu.pipeline_mode<synchronous>, transform_indices = @transform_4, window_bounds = array<i64: 1, 128>}, {transform_indices = @transform_5, window_bounds = array<i64: 1000, 128>}]} {
    %get3A = arith.constant 0 : index
    %get3A_0 = arith.constant 0 : index
    %get3A_1 = vector.load %arg1[%get3A, %get3A_0] : memref<1000x128xf32, #tpu.memory_space<vmem>>, vector<1000x128xf32>
    %get3A_2 = arith.constant 0 : index
    %get3A_3 = arith.constant 0 : index
    %get3A_4 = vector.load %arg2[%get3A_2, %get3A_3] : memref<128x256xf32, #tpu.memory_space<vmem>>, vector<128x256xf32>
    %dot_general3A = arith.constant dense<0.000000e+00> : vector<1000x256xf32>
    %dot_general3A_5 = tpu.matmul %get3A_1, %get3A_4, %dot_general3A {dimension_numbers = #tpu.dot_dimension_numbers<[1], [0], [0], [1], [0, 0, 1, 1], [], []>, transpose_lhs_hint = false} : vector<1000x128xf32>, vector<128x256xf32>, vector<1000x256xf32> -> vector<1000x256xf32>
    %get3A_6 = arith.constant 0 : index
    %get3A_7 = arith.constant 0 : index
    %get3A_8 = vector.load %arg3[%get3A_6, %get3A_7] : memref<1x256xf32, #tpu.memory_space<vmem>>, vector<1x256xf32>
    %add3A = vector.broadcast %get3A_8 : vector<1x256xf32> to vector<1000x256xf32>
    %add3A_9 = arith.addf %dot_general3A_5, %add3A : vector<1000x256xf32>
    %max3A = arith.constant 0.000000e+00 : f32
    %max3A_10 = vector.broadcast %max3A : f32 to vector<1000x256xf32>
    %max3A_11 = arith.maximumf %add3A_9, %max3A_10 : vector<1000x256xf32>
    %get3A_12 = arith.constant 0 : index
    %get3A_13 = arith.constant 0 : index
    %get3A_14 = vector.load %arg4[%get3A_12, %get3A_13] : memref<256x128xf32, #tpu.memory_space<vmem>>, vector<256x128xf32>
    %dot_general3A_15 = arith.constant dense<0.000000e+00> : vector<1000x128xf32>
    %dot_general3A_16 = tpu.matmul %max3A_11, %get3A_14, %dot_general3A_15 {dimension_numbers = #tpu.dot_dimension_numbers<[1], [0], [0], [1], [0, 0, 1, 1], [], []>, transpose_lhs_hint = false} : vector<1000x256xf32>, vector<256x128xf32>, vector<1000x128xf32> -> vector<1000x128xf32>
    %get3A_17 = arith.constant 0 : index
    %get3A_18 = arith.constant 0 : index
    %get3A_19 = vector.load %arg5[%get3A_17, %get3A_18] : memref<1x128xf32, #tpu.memory_space<vmem>>, vector<1x128xf32>
    %add3A_20 = vector.broadcast %get3A_19 : vector<1x128xf32> to vector<1000x128xf32>
    %add3A_21 = arith.addf %dot_general3A_16, %add3A_20 : vector<1000x128xf32>
    %max3A_22 = arith.constant 0.000000e+00 : f32
    %max3A_23 = vector.broadcast %max3A_22 : f32 to vector<1000x128xf32>
    %max3A_24 = arith.maximumf %add3A_21, %max3A_23 : vector<1000x128xf32>
    %swap3A = arith.constant 0 : index
    %swap3A_25 = arith.constant 0 : index
    %swap3A_26 = vector.load %arg6[%swap3A, %swap3A_25] : memref<1000x128xf32, #tpu.memory_space<vmem>>, vector<1000x128xf32>
    tpu.vector_store %arg6[%swap3A, %swap3A_25], %max3A_24 {strides = array<i32>} : memref<1000x128xf32, #tpu.memory_space<vmem>>, vector<1000x128xf32>,
    return
  }
  func.func @transform_0(%arg0: i32) -> (i32, i32) {
    %c0_i32 = arith.constant 0 : i32
    %c0_i32_0 = arith.constant 0 : i32
    return %arg0, %c0_i32 : i32, i32
  }
  func.func @transform_1(%arg0: i32) -> (i32, i32) {
    %c0_i32 = arith.constant 0 : i32
    %c0_i32_0 = arith.constant 0 : i32
    %c0_i32_1 = arith.constant 0 : i32
    return %c0_i32, %c0_i32_0 : i32, i32
  }
  func.func @transform_2(%arg0: i32) -> (i32, i32) {
    %c0_i32 = arith.constant 0 : i32
    %c0_i32_0 = arith.constant 0 : i32
    %c0_i32_1 = arith.constant 0 : i32
    return %c0_i32, %c0_i32_0 : i32, i32
  }
  func.func @transform_3(%arg0: i32) -> (i32, i32) {
    %c0_i32 = arith.constant 0 : i32
    %c0_i32_0 = arith.constant 0 : i32
    %c0_i32_1 = arith.constant 0 : i32
    return %c0_i32, %c0_i32_0 : i32, i32
  }
  func.func @transform_4(%arg0: i32) -> (i32, i32) {
    %c0_i32 = arith.constant 0 : i32
    %c0_i32_0 = arith.constant 0 : i32
    %c0_i32_1 = arith.constant 0 : i32
    return %c0_i32, %c0_i32_0 : i32, i32
  }
  func.func @transform_5(%arg0: i32) -> (i32, i32) {
    %c0_i32 = arith.constant 0 : i32
    %c0_i32_0 = arith.constant 0 : i32
    return %arg0, %c0_i32 : i32, i32
  }
}

module attributes {stable_mosaic.version = 14 : i64} {
  func.func @_edge_body(%arg0: i32, %arg1: memref<1000x128xf32, #tpu.memory_space<vmem>>, %arg2: memref<1000x128xf32, #tpu.memory_space<vmem>>, %arg3: memref<128x512xf32, #tpu.memory_space<vmem>>, %arg4: memref<128x512xf32, #tpu.memory_space<vmem>>, %arg5: memref<1x512xf32, #tpu.memory_space<vmem>>, %arg6: memref<256x128xf32, #tpu.memory_space<vmem>>, %arg7: memref<1x128xf32, #tpu.memory_space<vmem>>, %arg8: memref<256x128xf32, #tpu.memory_space<vmem>>, %arg9: memref<1x128xf32, #tpu.memory_space<vmem>>, %arg10: memref<1000x128xf32, #tpu.memory_space<vmem>>, %arg11: memref<1000x128xf32, #tpu.memory_space<vmem>>) attributes {dimension_semantics = [#tpu.dimension_semantics<arbitrary>], iteration_bounds = array<i64: 320>, scalar_prefetch = 0 : i64, scratch_operands = 0 : i64, tpu.core_type = #tpu.core_type<tc>, window_params = [{transform_indices = @transform_0, window_bounds = array<i64: 1000, 128>}, {transform_indices = @transform_1, window_bounds = array<i64: 1000, 128>}, {pipeline_mode = #tpu.pipeline_mode<synchronous>, transform_indices = @transform_2, window_bounds = array<i64: 128, 512>}, {pipeline_mode = #tpu.pipeline_mode<synchronous>, transform_indices = @transform_3, window_bounds = array<i64: 128, 512>}, {pipeline_mode = #tpu.pipeline_mode<synchronous>, transform_indices = @transform_4, window_bounds = array<i64: 1, 512>}, {pipeline_mode = #tpu.pipeline_mode<synchronous>, transform_indices = @transform_5, window_bounds = array<i64: 256, 128>}, {pipeline_mode = #tpu.pipeline_mode<synchronous>, transform_indices = @transform_6, window_bounds = array<i64: 1, 128>}, {pipeline_mode = #tpu.pipeline_mode<synchronous>, transform_indices = @transform_7, window_bounds = array<i64: 256, 128>}, {pipeline_mode = #tpu.pipeline_mode<synchronous>, transform_indices = @transform_8, window_bounds = array<i64: 1, 128>}, {transform_indices = @transform_9, window_bounds = array<i64: 1000, 128>}, {transform_indices = @transform_10, window_bounds = array<i64: 1000, 128>}]} {
    %get3A = arith.constant 0 : index
    %get3A_0 = arith.constant 0 : index
    %get3A_1 = vector.load %arg1[%get3A, %get3A_0] : memref<1000x128xf32, #tpu.memory_space<vmem>>, vector<1000x128xf32>
    %get3A_2 = arith.constant 0 : index
    %get3A_3 = arith.constant 0 : index
    %get3A_4 = vector.load %arg2[%get3A_2, %get3A_3] : memref<1000x128xf32, #tpu.memory_space<vmem>>, vector<1000x128xf32>
    %get3A_5 = arith.constant 0 : index
    %get3A_6 = arith.constant 0 : index
    %get3A_7 = vector.load %arg3[%get3A_5, %get3A_6] : memref<128x512xf32, #tpu.memory_space<vmem>>, vector<128x512xf32>
    %dot_general3A = arith.constant dense<0.000000e+00> : vector<1000x512xf32>
    %dot_general3A_8 = tpu.matmul %get3A_1, %get3A_7, %dot_general3A {dimension_numbers = #tpu.dot_dimension_numbers<[1], [0], [0], [1], [0, 0, 1, 1], [], []>, transpose_lhs_hint = false} : vector<1000x128xf32>, vector<128x512xf32>, vector<1000x512xf32> -> vector<1000x512xf32>
    %get3A_9 = arith.constant 0 : index
    %get3A_10 = arith.constant 0 : index
    %get3A_11 = vector.load %arg4[%get3A_9, %get3A_10] : memref<128x512xf32, #tpu.memory_space<vmem>>, vector<128x512xf32>
    %dot_general3A_12 = arith.constant dense<0.000000e+00> : vector<1000x512xf32>
    %dot_general3A_13 = tpu.matmul %get3A_4, %get3A_11, %dot_general3A_12 {dimension_numbers = #tpu.dot_dimension_numbers<[1], [0], [0], [1], [0, 0, 1, 1], [], []>, transpose_lhs_hint = false} : vector<1000x128xf32>, vector<128x512xf32>, vector<1000x512xf32> -> vector<1000x512xf32>
    %add3A = arith.addf %dot_general3A_8, %dot_general3A_13 : vector<1000x512xf32>
    %get3A_14 = arith.constant 0 : index
    %get3A_15 = arith.constant 0 : index
    %get3A_16 = vector.load %arg5[%get3A_14, %get3A_15] : memref<1x512xf32, #tpu.memory_space<vmem>>, vector<1x512xf32>
    %add3A_17 = vector.broadcast %get3A_16 : vector<1x512xf32> to vector<1000x512xf32>
    %add3A_18 = arith.addf %add3A, %add3A_17 : vector<1000x512xf32>
    %max3A = arith.constant 0.000000e+00 : f32
    %max3A_19 = vector.broadcast %max3A : f32 to vector<1000x512xf32>
    %max3A_20 = arith.maximumf %add3A_18, %max3A_19 : vector<1000x512xf32>
    %slice3A = vector.extract_strided_slice %max3A_20 {offsets = [0, 0], sizes = [1000, 256], strides = [1, 1]} : vector<1000x512xf32> to vector<1000x256xf32>
    %get3A_21 = arith.constant 0 : index
    %get3A_22 = arith.constant 0 : index
    %get3A_23 = vector.load %arg6[%get3A_21, %get3A_22] : memref<256x128xf32, #tpu.memory_space<vmem>>, vector<256x128xf32>
    %dot_general3A_24 = arith.constant dense<0.000000e+00> : vector<1000x128xf32>
    %dot_general3A_25 = tpu.matmul %slice3A, %get3A_23, %dot_general3A_24 {dimension_numbers = #tpu.dot_dimension_numbers<[1], [0], [0], [1], [0, 0, 1, 1], [], []>, transpose_lhs_hint = false} : vector<1000x256xf32>, vector<256x128xf32>, vector<1000x128xf32> -> vector<1000x128xf32>
    %get3A_26 = arith.constant 0 : index
    %get3A_27 = arith.constant 0 : index
    %get3A_28 = vector.load %arg7[%get3A_26, %get3A_27] : memref<1x128xf32, #tpu.memory_space<vmem>>, vector<1x128xf32>
    %add3A_29 = vector.broadcast %get3A_28 : vector<1x128xf32> to vector<1000x128xf32>
    %add3A_30 = arith.addf %dot_general3A_25, %add3A_29 : vector<1000x128xf32>
    %max3A_31 = arith.constant 0.000000e+00 : f32
    %max3A_32 = vector.broadcast %max3A_31 : f32 to vector<1000x128xf32>
    %max3A_33 = arith.maximumf %add3A_30, %max3A_32 : vector<1000x128xf32>
    %swap3A = arith.constant 0 : index
    %swap3A_34 = arith.constant 0 : index
    %swap3A_35 = vector.load %arg10[%swap3A, %swap3A_34] : memref<1000x128xf32, #tpu.memory_space<vmem>>, vector<1000x128xf32>
    tpu.vector_store %arg10[%swap3A, %swap3A_34], %max3A_33 {strides = array<i32>} : memref<1000x128xf32, #tpu.memory_space<vmem>>, vector<1000x128xf32>,
    %slice3A_36 = vector.extract_strided_slice %max3A_20 {offsets = [0, 256], sizes = [1000, 256], strides = [1, 1]} : vector<1000x512xf32> to vector<1000x256xf32>
    %get3A_37 = arith.constant 0 : index
    %get3A_38 = arith.constant 0 : index
    %get3A_39 = vector.load %arg8[%get3A_37, %get3A_38] : memref<256x128xf32, #tpu.memory_space<vmem>>, vector<256x128xf32>
    %dot_general3A_40 = arith.constant dense<0.000000e+00> : vector<1000x128xf32>
    %dot_general3A_41 = tpu.matmul %slice3A_36, %get3A_39, %dot_general3A_40 {dimension_numbers = #tpu.dot_dimension_numbers<[1], [0], [0], [1], [0, 0, 1, 1], [], []>, transpose_lhs_hint = false} : vector<1000x256xf32>, vector<256x128xf32>, vector<1000x128xf32> -> vector<1000x128xf32>
    %get3A_42 = arith.constant 0 : index
    %get3A_43 = arith.constant 0 : index
    %get3A_44 = vector.load %arg9[%get3A_42, %get3A_43] : memref<1x128xf32, #tpu.memory_space<vmem>>, vector<1x128xf32>
    %add3A_45 = vector.broadcast %get3A_44 : vector<1x128xf32> to vector<1000x128xf32>
    %add3A_46 = arith.addf %dot_general3A_41, %add3A_45 : vector<1000x128xf32>
    %max3A_47 = arith.constant 0.000000e+00 : f32
    %max3A_48 = vector.broadcast %max3A_47 : f32 to vector<1000x128xf32>
    %max3A_49 = arith.maximumf %add3A_46, %max3A_48 : vector<1000x128xf32>
    %swap3A_50 = arith.constant 0 : index
    %swap3A_51 = arith.constant 0 : index
    %swap3A_52 = vector.load %arg11[%swap3A_50, %swap3A_51] : memref<1000x128xf32, #tpu.memory_space<vmem>>, vector<1000x128xf32>
    tpu.vector_store %arg11[%swap3A_50, %swap3A_51], %max3A_49 {strides = array<i32>} : memref<1000x128xf32, #tpu.memory_space<vmem>>, vector<1000x128xf32>,
    return
  }
  func.func @transform_0(%arg0: i32) -> (i32, i32) {
    %c0_i32 = arith.constant 0 : i32
    %c0_i32_0 = arith.constant 0 : i32
    return %arg0, %c0_i32 : i32, i32
  }
  func.func @transform_1(%arg0: i32) -> (i32, i32) {
    %c0_i32 = arith.constant 0 : i32
    %c0_i32_0 = arith.constant 0 : i32
    return %arg0, %c0_i32 : i32, i32
  }
  func.func @transform_2(%arg0: i32) -> (i32, i32) {
    %c0_i32 = arith.constant 0 : i32
    %c0_i32_0 = arith.constant 0 : i32
    %c0_i32_1 = arith.constant 0 : i32
    return %c0_i32, %c0_i32_0 : i32, i32
  }
  func.func @transform_3(%arg0: i32) -> (i32, i32) {
    %c0_i32 = arith.constant 0 : i32
    %c0_i32_0 = arith.constant 0 : i32
    %c0_i32_1 = arith.constant 0 : i32
    return %c0_i32, %c0_i32_0 : i32, i32
  }
  func.func @transform_4(%arg0: i32) -> (i32, i32) {
    %c0_i32 = arith.constant 0 : i32
    %c0_i32_0 = arith.constant 0 : i32
    %c0_i32_1 = arith.constant 0 : i32
    return %c0_i32, %c0_i32_0 : i32, i32
  }
  func.func @transform_5(%arg0: i32) -> (i32, i32) {
    %c0_i32 = arith.constant 0 : i32
    %c0_i32_0 = arith.constant 0 : i32
    %c0_i32_1 = arith.constant 0 : i32
    return %c0_i32, %c0_i32_0 : i32, i32
  }
  func.func @transform_6(%arg0: i32) -> (i32, i32) {
    %c0_i32 = arith.constant 0 : i32
    %c0_i32_0 = arith.constant 0 : i32
    %c0_i32_1 = arith.constant 0 : i32
    return %c0_i32, %c0_i32_0 : i32, i32
  }
  func.func @transform_7(%arg0: i32) -> (i32, i32) {
    %c0_i32 = arith.constant 0 : i32
    %c0_i32_0 = arith.constant 0 : i32
    %c0_i32_1 = arith.constant 0 : i32
    return %c0_i32, %c0_i32_0 : i32, i32
  }
  func.func @transform_8(%arg0: i32) -> (i32, i32) {
    %c0_i32 = arith.constant 0 : i32
    %c0_i32_0 = arith.constant 0 : i32
    %c0_i32_1 = arith.constant 0 : i32
    return %c0_i32, %c0_i32_0 : i32, i32
  }
  func.func @transform_9(%arg0: i32) -> (i32, i32) {
    %c0_i32 = arith.constant 0 : i32
    %c0_i32_0 = arith.constant 0 : i32
    return %arg0, %c0_i32 : i32, i32
  }
  func.func @transform_10(%arg0: i32) -> (i32, i32) {
    %c0_i32 = arith.constant 0 : i32
    %c0_i32_0 = arith.constant 0 : i32
    return %arg0, %c0_i32 : i32, i32
  }
}

module attributes {stable_mosaic.version = 14 : i64} {
  func.func @_aggr_body(%arg0: i32, %arg1: memref<1000x128xf32, #tpu.memory_space<vmem>>, %arg2: memref<1000x128xf32, #tpu.memory_space<vmem>>, %arg3: memref<1000x128xf32, #tpu.memory_space<vmem>>, %arg4: memref<1000x128xf32, #tpu.memory_space<vmem>>, %arg5: memref<1000x128xf32, #tpu.memory_space<vmem>>, %arg6: memref<1000x1xf32, #tpu.memory_space<vmem>>, %arg7: memref<1000x1xf32, #tpu.memory_space<vmem>>, %arg8: memref<1x128xf32, #tpu.memory_space<vmem>>, %arg9: memref<1x128xf32, #tpu.memory_space<vmem>>, %arg10: memref<128x256xf32, #tpu.memory_space<vmem>>, %arg11: memref<128x256xf32, #tpu.memory_space<vmem>>, %arg12: memref<128x256xf32, #tpu.memory_space<vmem>>, %arg13: memref<1x256xf32, #tpu.memory_space<vmem>>, %arg14: memref<256x128xf32, #tpu.memory_space<vmem>>, %arg15: memref<1x128xf32, #tpu.memory_space<vmem>>, %arg16: memref<1000x128xf32, #tpu.memory_space<vmem>>) attributes {dimension_semantics = [#tpu.dimension_semantics<arbitrary>], iteration_bounds = array<i64: 10>, scalar_prefetch = 0 : i64, scratch_operands = 0 : i64, tpu.core_type = #tpu.core_type<tc>, window_params = [{transform_indices = @transform_0, window_bounds = array<i64: 1000, 128>}, {transform_indices = @transform_1, window_bounds = array<i64: 1000, 128>}, {transform_indices = @transform_2, window_bounds = array<i64: 1000, 128>}, {transform_indices = @transform_3, window_bounds = array<i64: 1000, 128>}, {transform_indices = @transform_4, window_bounds = array<i64: 1000, 128>}, {transform_indices = @transform_5, window_bounds = array<i64: 1000, 1>}, {transform_indices = @transform_6, window_bounds = array<i64: 1000, 1>}, {pipeline_mode = #tpu.pipeline_mode<synchronous>, transform_indices = @transform_7, window_bounds = array<i64: 1, 128>}, {pipeline_mode = #tpu.pipeline_mode<synchronous>, transform_indices = @transform_8, window_bounds = array<i64: 1, 128>}, {pipeline_mode = #tpu.pipeline_mode<synchronous>, transform_indices = @transform_9, window_bounds = array<i64: 128, 256>}, {pipeline_mode = #tpu.pipeline_mode<synchronous>, transform_indices = @transform_10, window_bounds = array<i64: 128, 256>}, {pipeline_mode = #tpu.pipeline_mode<synchronous>, transform_indices = @transform_11, window_bounds = array<i64: 128, 256>}, {pipeline_mode = #tpu.pipeline_mode<synchronous>, transform_indices = @transform_12, window_bounds = array<i64: 1, 256>}, {pipeline_mode = #tpu.pipeline_mode<synchronous>, transform_indices = @transform_13, window_bounds = array<i64: 256, 128>}, {pipeline_mode = #tpu.pipeline_mode<synchronous>, transform_indices = @transform_14, window_bounds = array<i64: 1, 128>}, {transform_indices = @transform_15, window_bounds = array<i64: 1000, 128>}]} {
    %get3A = arith.constant 0 : index
    %get3A_0 = arith.constant 0 : index
    %get3A_1 = vector.load %arg1[%get3A, %get3A_0] : memref<1000x128xf32, #tpu.memory_space<vmem>>, vector<1000x128xf32>
    %get3A_2 = arith.constant 0 : index
    %get3A_3 = arith.constant 0 : index
    %get3A_4 = vector.load %arg4[%get3A_2, %get3A_3] : memref<1000x128xf32, #tpu.memory_space<vmem>>, vector<1000x128xf32>
    %slice3A = vector.extract_strided_slice %get3A_4 {offsets = [0, 0], sizes = [1000, 1], strides = [1, 1]} : vector<1000x128xf32> to vector<1000x1xf32>
    %max3A = arith.constant 1.000000e+00 : f32
    %max3A_5 = vector.broadcast %max3A : f32 to vector<1000x1xf32>
    %max3A_6 = arith.maximumf %slice3A, %max3A_5 : vector<1000x1xf32>
    %div3A = arith.constant 1.000000e+00 : f32
    %div3A_7 = vector.broadcast %div3A : f32 to vector<1000x1xf32>
    %div3A_8 = arith.divf %div3A_7, %max3A_6 : vector<1000x1xf32>
    %get3A_9 = arith.constant 0 : index
    %get3A_10 = arith.constant 0 : index
    %get3A_11 = vector.load %arg5[%get3A_9, %get3A_10] : memref<1000x128xf32, #tpu.memory_space<vmem>>, vector<1000x128xf32>
    %slice3A_12 = vector.extract_strided_slice %get3A_11 {offsets = [0, 0], sizes = [1000, 1], strides = [1, 1]} : vector<1000x128xf32> to vector<1000x1xf32>
    %max3A_13 = arith.constant 1.000000e+00 : f32
    %max3A_14 = vector.broadcast %max3A_13 : f32 to vector<1000x1xf32>
    %max3A_15 = arith.maximumf %slice3A_12, %max3A_14 : vector<1000x1xf32>
    %div3A_16 = arith.constant 1.000000e+00 : f32
    %div3A_17 = vector.broadcast %div3A_16 : f32 to vector<1000x1xf32>
    %div3A_18 = arith.divf %div3A_17, %max3A_15 : vector<1000x1xf32>
    %get3A_19 = arith.constant 0 : index
    %get3A_20 = arith.constant 0 : index
    %get3A_21 = vector.load %arg2[%get3A_19, %get3A_20] : memref<1000x128xf32, #tpu.memory_space<vmem>>, vector<1000x128xf32>
    %mul3A = vector.broadcast %div3A_8 : vector<1000x1xf32> to vector<1000x128xf32>
    %mul3A_22 = arith.mulf %get3A_21, %mul3A : vector<1000x128xf32>
    %get3A_23 = arith.constant 0 : index
    %get3A_24 = arith.constant 0 : index
    %get3A_25 = vector.load %arg6[%get3A_23, %get3A_24] : memref<1000x1xf32, #tpu.memory_space<vmem>>, vector<1000x1xf32>
    %get3A_26 = arith.constant 0 : index
    %get3A_27 = arith.constant 0 : index
    %get3A_28 = vector.load %arg8[%get3A_26, %get3A_27] : memref<1x128xf32, #tpu.memory_space<vmem>>, vector<1x128xf32>
    %mul3A_29 = vector.broadcast %get3A_25 : vector<1000x1xf32> to vector<1000x128xf32>
    %mul3A_30 = vector.broadcast %get3A_28 : vector<1x128xf32> to vector<1000x128xf32>
    %mul3A_31 = arith.mulf %mul3A_29, %mul3A_30 : vector<1000x128xf32>
    %add3A = arith.addf %mul3A_22, %mul3A_31 : vector<1000x128xf32>
    %get3A_32 = arith.constant 0 : index
    %get3A_33 = arith.constant 0 : index
    %get3A_34 = vector.load %arg3[%get3A_32, %get3A_33] : memref<1000x128xf32, #tpu.memory_space<vmem>>, vector<1000x128xf32>
    %mul3A_35 = vector.broadcast %div3A_18 : vector<1000x1xf32> to vector<1000x128xf32>
    %mul3A_36 = arith.mulf %get3A_34, %mul3A_35 : vector<1000x128xf32>
    %get3A_37 = arith.constant 0 : index
    %get3A_38 = arith.constant 0 : index
    %get3A_39 = vector.load %arg7[%get3A_37, %get3A_38] : memref<1000x1xf32, #tpu.memory_space<vmem>>, vector<1000x1xf32>
    %get3A_40 = arith.constant 0 : index
    %get3A_41 = arith.constant 0 : index
    %get3A_42 = vector.load %arg9[%get3A_40, %get3A_41] : memref<1x128xf32, #tpu.memory_space<vmem>>, vector<1x128xf32>
    %mul3A_43 = vector.broadcast %get3A_39 : vector<1000x1xf32> to vector<1000x128xf32>
    %mul3A_44 = vector.broadcast %get3A_42 : vector<1x128xf32> to vector<1000x128xf32>
    %mul3A_45 = arith.mulf %mul3A_43, %mul3A_44 : vector<1000x128xf32>
    %add3A_46 = arith.addf %mul3A_36, %mul3A_45 : vector<1000x128xf32>
    %get3A_47 = arith.constant 0 : index
    %get3A_48 = arith.constant 0 : index
    %get3A_49 = vector.load %arg10[%get3A_47, %get3A_48] : memref<128x256xf32, #tpu.memory_space<vmem>>, vector<128x256xf32>
    %dot_general3A = arith.constant dense<0.000000e+00> : vector<1000x256xf32>
    %dot_general3A_50 = tpu.matmul %get3A_1, %get3A_49, %dot_general3A {dimension_numbers = #tpu.dot_dimension_numbers<[1], [0], [0], [1], [0, 0, 1, 1], [], []>, transpose_lhs_hint = false} : vector<1000x128xf32>, vector<128x256xf32>, vector<1000x256xf32> -> vector<1000x256xf32>
    %get3A_51 = arith.constant 0 : index
    %get3A_52 = arith.constant 0 : index
    %get3A_53 = vector.load %arg11[%get3A_51, %get3A_52] : memref<128x256xf32, #tpu.memory_space<vmem>>, vector<128x256xf32>
    %dot_general3A_54 = arith.constant dense<0.000000e+00> : vector<1000x256xf32>
    %dot_general3A_55 = tpu.matmul %add3A, %get3A_53, %dot_general3A_54 {dimension_numbers = #tpu.dot_dimension_numbers<[1], [0], [0], [1], [0, 0, 1, 1], [], []>, transpose_lhs_hint = false} : vector<1000x128xf32>, vector<128x256xf32>, vector<1000x256xf32> -> vector<1000x256xf32>
    %add3A_56 = arith.addf %dot_general3A_50, %dot_general3A_55 : vector<1000x256xf32>
    %get3A_57 = arith.constant 0 : index
    %get3A_58 = arith.constant 0 : index
    %get3A_59 = vector.load %arg12[%get3A_57, %get3A_58] : memref<128x256xf32, #tpu.memory_space<vmem>>, vector<128x256xf32>
    %dot_general3A_60 = arith.constant dense<0.000000e+00> : vector<1000x256xf32>
    %dot_general3A_61 = tpu.matmul %add3A_46, %get3A_59, %dot_general3A_60 {dimension_numbers = #tpu.dot_dimension_numbers<[1], [0], [0], [1], [0, 0, 1, 1], [], []>, transpose_lhs_hint = false} : vector<1000x128xf32>, vector<128x256xf32>, vector<1000x256xf32> -> vector<1000x256xf32>
    %add3A_62 = arith.addf %add3A_56, %dot_general3A_61 : vector<1000x256xf32>
    %get3A_63 = arith.constant 0 : index
    %get3A_64 = arith.constant 0 : index
    %get3A_65 = vector.load %arg13[%get3A_63, %get3A_64] : memref<1x256xf32, #tpu.memory_space<vmem>>, vector<1x256xf32>
    %add3A_66 = vector.broadcast %get3A_65 : vector<1x256xf32> to vector<1000x256xf32>
    %add3A_67 = arith.addf %add3A_62, %add3A_66 : vector<1000x256xf32>
    %max3A_68 = arith.constant 0.000000e+00 : f32
    %max3A_69 = vector.broadcast %max3A_68 : f32 to vector<1000x256xf32>
    %max3A_70 = arith.maximumf %add3A_67, %max3A_69 : vector<1000x256xf32>
    %get3A_71 = arith.constant 0 : index
    %get3A_72 = arith.constant 0 : index
    %get3A_73 = vector.load %arg14[%get3A_71, %get3A_72] : memref<256x128xf32, #tpu.memory_space<vmem>>, vector<256x128xf32>
    %dot_general3A_74 = arith.constant dense<0.000000e+00> : vector<1000x128xf32>
    %dot_general3A_75 = tpu.matmul %max3A_70, %get3A_73, %dot_general3A_74 {dimension_numbers = #tpu.dot_dimension_numbers<[1], [0], [0], [1], [0, 0, 1, 1], [], []>, transpose_lhs_hint = false} : vector<1000x256xf32>, vector<256x128xf32>, vector<1000x128xf32> -> vector<1000x128xf32>
    %get3A_76 = arith.constant 0 : index
    %get3A_77 = arith.constant 0 : index
    %get3A_78 = vector.load %arg15[%get3A_76, %get3A_77] : memref<1x128xf32, #tpu.memory_space<vmem>>, vector<1x128xf32>
    %add3A_79 = vector.broadcast %get3A_78 : vector<1x128xf32> to vector<1000x128xf32>
    %add3A_80 = arith.addf %dot_general3A_75, %add3A_79 : vector<1000x128xf32>
    %max3A_81 = arith.constant 0.000000e+00 : f32
    %max3A_82 = vector.broadcast %max3A_81 : f32 to vector<1000x128xf32>
    %max3A_83 = arith.maximumf %add3A_80, %max3A_82 : vector<1000x128xf32>
    %add3A_84 = arith.addf %get3A_1, %max3A_83 : vector<1000x128xf32>
    %swap3A = arith.constant 0 : index
    %swap3A_85 = arith.constant 0 : index
    %swap3A_86 = vector.load %arg16[%swap3A, %swap3A_85] : memref<1000x128xf32, #tpu.memory_space<vmem>>, vector<1000x128xf32>
    tpu.vector_store %arg16[%swap3A, %swap3A_85], %add3A_84 {strides = array<i32>} : memref<1000x128xf32, #tpu.memory_space<vmem>>, vector<1000x128xf32>,
    return
  }
  func.func @transform_0(%arg0: i32) -> (i32, i32) {
    %c0_i32 = arith.constant 0 : i32
    %c0_i32_0 = arith.constant 0 : i32
    return %arg0, %c0_i32 : i32, i32
  }
  func.func @transform_1(%arg0: i32) -> (i32, i32) {
    %c0_i32 = arith.constant 0 : i32
    %c0_i32_0 = arith.constant 0 : i32
    return %arg0, %c0_i32 : i32, i32
  }
  func.func @transform_2(%arg0: i32) -> (i32, i32) {
    %c0_i32 = arith.constant 0 : i32
    %c0_i32_0 = arith.constant 0 : i32
    return %arg0, %c0_i32 : i32, i32
  }
  func.func @transform_3(%arg0: i32) -> (i32, i32) {
    %c0_i32 = arith.constant 0 : i32
    %c0_i32_0 = arith.constant 0 : i32
    return %arg0, %c0_i32 : i32, i32
  }
  func.func @transform_4(%arg0: i32) -> (i32, i32) {
    %c0_i32 = arith.constant 0 : i32
    %c0_i32_0 = arith.constant 0 : i32
    return %arg0, %c0_i32 : i32, i32
  }
  func.func @transform_5(%arg0: i32) -> (i32, i32) {
    %c0_i32 = arith.constant 0 : i32
    %c0_i32_0 = arith.constant 0 : i32
    return %arg0, %c0_i32 : i32, i32
  }
  func.func @transform_6(%arg0: i32) -> (i32, i32) {
    %c0_i32 = arith.constant 0 : i32
    %c0_i32_0 = arith.constant 0 : i32
    return %arg0, %c0_i32 : i32, i32
  }
  func.func @transform_7(%arg0: i32) -> (i32, i32) {
    %c0_i32 = arith.constant 0 : i32
    %c0_i32_0 = arith.constant 0 : i32
    %c0_i32_1 = arith.constant 0 : i32
    return %c0_i32, %c0_i32_0 : i32, i32
  }
  func.func @transform_8(%arg0: i32) -> (i32, i32) {
    %c0_i32 = arith.constant 0 : i32
    %c0_i32_0 = arith.constant 0 : i32
    %c0_i32_1 = arith.constant 0 : i32
    return %c0_i32, %c0_i32_0 : i32, i32
  }
  func.func @transform_9(%arg0: i32) -> (i32, i32) {
    %c0_i32 = arith.constant 0 : i32
    %c0_i32_0 = arith.constant 0 : i32
    %c0_i32_1 = arith.constant 0 : i32
    return %c0_i32, %c0_i32_0 : i32, i32
  }
  func.func @transform_10(%arg0: i32) -> (i32, i32) {
    %c0_i32 = arith.constant 0 : i32
    %c0_i32_0 = arith.constant 0 : i32
    %c0_i32_1 = arith.constant 0 : i32
    return %c0_i32, %c0_i32_0 : i32, i32
  }
  func.func @transform_11(%arg0: i32) -> (i32, i32) {
    %c0_i32 = arith.constant 0 : i32
    %c0_i32_0 = arith.constant 0 : i32
    %c0_i32_1 = arith.constant 0 : i32
    return %c0_i32, %c0_i32_0 : i32, i32
  }
  func.func @transform_12(%arg0: i32) -> (i32, i32) {
    %c0_i32 = arith.constant 0 : i32
    %c0_i32_0 = arith.constant 0 : i32
    %c0_i32_1 = arith.constant 0 : i32
    return %c0_i32, %c0_i32_0 : i32, i32
  }
  func.func @transform_13(%arg0: i32) -> (i32, i32) {
    %c0_i32 = arith.constant 0 : i32
    %c0_i32_0 = arith.constant 0 : i32
    %c0_i32_1 = arith.constant 0 : i32
    return %c0_i32, %c0_i32_0 : i32, i32
  }
  func.func @transform_14(%arg0: i32) -> (i32, i32) {
    %c0_i32 = arith.constant 0 : i32
    %c0_i32_0 = arith.constant 0 : i32
    %c0_i32_1 = arith.constant 0 : i32
    return %c0_i32, %c0_i32_0 : i32, i32
  }
  func.func @transform_15(%arg0: i32) -> (i32, i32) {
    %c0_i32 = arith.constant 0 : i32
    %c0_i32_0 = arith.constant 0 : i32
    return %arg0, %c0_i32 : i32, i32
  }
}

module attributes {stable_mosaic.version = 14 : i64} {
  func.func @_aggr_body(%arg0: i32, %arg1: memref<1000x128xf32, #tpu.memory_space<vmem>>, %arg2: memref<1000x128xf32, #tpu.memory_space<vmem>>, %arg3: memref<1000x128xf32, #tpu.memory_space<vmem>>, %arg4: memref<1000x128xf32, #tpu.memory_space<vmem>>, %arg5: memref<1000x128xf32, #tpu.memory_space<vmem>>, %arg6: memref<1000x1xf32, #tpu.memory_space<vmem>>, %arg7: memref<1000x1xf32, #tpu.memory_space<vmem>>, %arg8: memref<1x128xf32, #tpu.memory_space<vmem>>, %arg9: memref<1x128xf32, #tpu.memory_space<vmem>>, %arg10: memref<128x256xf32, #tpu.memory_space<vmem>>, %arg11: memref<128x256xf32, #tpu.memory_space<vmem>>, %arg12: memref<128x256xf32, #tpu.memory_space<vmem>>, %arg13: memref<1x256xf32, #tpu.memory_space<vmem>>, %arg14: memref<256x128xf32, #tpu.memory_space<vmem>>, %arg15: memref<1x128xf32, #tpu.memory_space<vmem>>, %arg16: memref<1000x128xf32, #tpu.memory_space<vmem>>) attributes {dimension_semantics = [#tpu.dimension_semantics<arbitrary>], iteration_bounds = array<i64: 10>, scalar_prefetch = 0 : i64, scratch_operands = 0 : i64, tpu.core_type = #tpu.core_type<tc>, window_params = [{transform_indices = @transform_0, window_bounds = array<i64: 1000, 128>}, {transform_indices = @transform_1, window_bounds = array<i64: 1000, 128>}, {transform_indices = @transform_2, window_bounds = array<i64: 1000, 128>}, {transform_indices = @transform_3, window_bounds = array<i64: 1000, 128>}, {transform_indices = @transform_4, window_bounds = array<i64: 1000, 128>}, {transform_indices = @transform_5, window_bounds = array<i64: 1000, 1>}, {transform_indices = @transform_6, window_bounds = array<i64: 1000, 1>}, {pipeline_mode = #tpu.pipeline_mode<synchronous>, transform_indices = @transform_7, window_bounds = array<i64: 1, 128>}, {pipeline_mode = #tpu.pipeline_mode<synchronous>, transform_indices = @transform_8, window_bounds = array<i64: 1, 128>}, {pipeline_mode = #tpu.pipeline_mode<synchronous>, transform_indices = @transform_9, window_bounds = array<i64: 128, 256>}, {pipeline_mode = #tpu.pipeline_mode<synchronous>, transform_indices = @transform_10, window_bounds = array<i64: 128, 256>}, {pipeline_mode = #tpu.pipeline_mode<synchronous>, transform_indices = @transform_11, window_bounds = array<i64: 128, 256>}, {pipeline_mode = #tpu.pipeline_mode<synchronous>, transform_indices = @transform_12, window_bounds = array<i64: 1, 256>}, {pipeline_mode = #tpu.pipeline_mode<synchronous>, transform_indices = @transform_13, window_bounds = array<i64: 256, 128>}, {pipeline_mode = #tpu.pipeline_mode<synchronous>, transform_indices = @transform_14, window_bounds = array<i64: 1, 128>}, {transform_indices = @transform_15, window_bounds = array<i64: 1000, 128>}]} {
    %get3A = arith.constant 0 : index
    %get3A_0 = arith.constant 0 : index
    %get3A_1 = vector.load %arg1[%get3A, %get3A_0] : memref<1000x128xf32, #tpu.memory_space<vmem>>, vector<1000x128xf32>
    %get3A_2 = arith.constant 0 : index
    %get3A_3 = arith.constant 0 : index
    %get3A_4 = vector.load %arg4[%get3A_2, %get3A_3] : memref<1000x128xf32, #tpu.memory_space<vmem>>, vector<1000x128xf32>
    %slice3A = vector.extract_strided_slice %get3A_4 {offsets = [0, 0], sizes = [1000, 1], strides = [1, 1]} : vector<1000x128xf32> to vector<1000x1xf32>
    %max3A = arith.constant 1.000000e+00 : f32
    %max3A_5 = vector.broadcast %max3A : f32 to vector<1000x1xf32>
    %max3A_6 = arith.maximumf %slice3A, %max3A_5 : vector<1000x1xf32>
    %div3A = arith.constant 1.000000e+00 : f32
    %div3A_7 = vector.broadcast %div3A : f32 to vector<1000x1xf32>
    %div3A_8 = arith.divf %div3A_7, %max3A_6 : vector<1000x1xf32>
    %get3A_9 = arith.constant 0 : index
    %get3A_10 = arith.constant 0 : index
    %get3A_11 = vector.load %arg5[%get3A_9, %get3A_10] : memref<1000x128xf32, #tpu.memory_space<vmem>>, vector<1000x128xf32>
    %slice3A_12 = vector.extract_strided_slice %get3A_11 {offsets = [0, 0], sizes = [1000, 1], strides = [1, 1]} : vector<1000x128xf32> to vector<1000x1xf32>
    %max3A_13 = arith.constant 1.000000e+00 : f32
    %max3A_14 = vector.broadcast %max3A_13 : f32 to vector<1000x1xf32>
    %max3A_15 = arith.maximumf %slice3A_12, %max3A_14 : vector<1000x1xf32>
    %div3A_16 = arith.constant 1.000000e+00 : f32
    %div3A_17 = vector.broadcast %div3A_16 : f32 to vector<1000x1xf32>
    %div3A_18 = arith.divf %div3A_17, %max3A_15 : vector<1000x1xf32>
    %get3A_19 = arith.constant 0 : index
    %get3A_20 = arith.constant 0 : index
    %get3A_21 = vector.load %arg2[%get3A_19, %get3A_20] : memref<1000x128xf32, #tpu.memory_space<vmem>>, vector<1000x128xf32>
    %mul3A = vector.broadcast %div3A_8 : vector<1000x1xf32> to vector<1000x128xf32>
    %mul3A_22 = arith.mulf %get3A_21, %mul3A : vector<1000x128xf32>
    %get3A_23 = arith.constant 0 : index
    %get3A_24 = arith.constant 0 : index
    %get3A_25 = vector.load %arg6[%get3A_23, %get3A_24] : memref<1000x1xf32, #tpu.memory_space<vmem>>, vector<1000x1xf32>
    %get3A_26 = arith.constant 0 : index
    %get3A_27 = arith.constant 0 : index
    %get3A_28 = vector.load %arg8[%get3A_26, %get3A_27] : memref<1x128xf32, #tpu.memory_space<vmem>>, vector<1x128xf32>
    %mul3A_29 = vector.broadcast %get3A_25 : vector<1000x1xf32> to vector<1000x128xf32>
    %mul3A_30 = vector.broadcast %get3A_28 : vector<1x128xf32> to vector<1000x128xf32>
    %mul3A_31 = arith.mulf %mul3A_29, %mul3A_30 : vector<1000x128xf32>
    %add3A = arith.addf %mul3A_22, %mul3A_31 : vector<1000x128xf32>
    %get3A_32 = arith.constant 0 : index
    %get3A_33 = arith.constant 0 : index
    %get3A_34 = vector.load %arg3[%get3A_32, %get3A_33] : memref<1000x128xf32, #tpu.memory_space<vmem>>, vector<1000x128xf32>
    %mul3A_35 = vector.broadcast %div3A_18 : vector<1000x1xf32> to vector<1000x128xf32>
    %mul3A_36 = arith.mulf %get3A_34, %mul3A_35 : vector<1000x128xf32>
    %get3A_37 = arith.constant 0 : index
    %get3A_38 = arith.constant 0 : index
    %get3A_39 = vector.load %arg7[%get3A_37, %get3A_38] : memref<1000x1xf32, #tpu.memory_space<vmem>>, vector<1000x1xf32>
    %get3A_40 = arith.constant 0 : index
    %get3A_41 = arith.constant 0 : index
    %get3A_42 = vector.load %arg9[%get3A_40, %get3A_41] : memref<1x128xf32, #tpu.memory_space<vmem>>, vector<1x128xf32>
    %mul3A_43 = vector.broadcast %get3A_39 : vector<1000x1xf32> to vector<1000x128xf32>
    %mul3A_44 = vector.broadcast %get3A_42 : vector<1x128xf32> to vector<1000x128xf32>
    %mul3A_45 = arith.mulf %mul3A_43, %mul3A_44 : vector<1000x128xf32>
    %add3A_46 = arith.addf %mul3A_36, %mul3A_45 : vector<1000x128xf32>
    %get3A_47 = arith.constant 0 : index
    %get3A_48 = arith.constant 0 : index
    %get3A_49 = vector.load %arg10[%get3A_47, %get3A_48] : memref<128x256xf32, #tpu.memory_space<vmem>>, vector<128x256xf32>
    %dot_general3A = arith.constant dense<0.000000e+00> : vector<1000x256xf32>
    %dot_general3A_50 = tpu.matmul %get3A_1, %get3A_49, %dot_general3A {dimension_numbers = #tpu.dot_dimension_numbers<[1], [0], [0], [1], [0, 0, 1, 1], [], []>, transpose_lhs_hint = false} : vector<1000x128xf32>, vector<128x256xf32>, vector<1000x256xf32> -> vector<1000x256xf32>
    %get3A_51 = arith.constant 0 : index
    %get3A_52 = arith.constant 0 : index
    %get3A_53 = vector.load %arg11[%get3A_51, %get3A_52] : memref<128x256xf32, #tpu.memory_space<vmem>>, vector<128x256xf32>
    %dot_general3A_54 = arith.constant dense<0.000000e+00> : vector<1000x256xf32>
    %dot_general3A_55 = tpu.matmul %add3A, %get3A_53, %dot_general3A_54 {dimension_numbers = #tpu.dot_dimension_numbers<[1], [0], [0], [1], [0, 0, 1, 1], [], []>, transpose_lhs_hint = false} : vector<1000x128xf32>, vector<128x256xf32>, vector<1000x256xf32> -> vector<1000x256xf32>
    %add3A_56 = arith.addf %dot_general3A_50, %dot_general3A_55 : vector<1000x256xf32>
    %get3A_57 = arith.constant 0 : index
    %get3A_58 = arith.constant 0 : index
    %get3A_59 = vector.load %arg12[%get3A_57, %get3A_58] : memref<128x256xf32, #tpu.memory_space<vmem>>, vector<128x256xf32>
    %dot_general3A_60 = arith.constant dense<0.000000e+00> : vector<1000x256xf32>
    %dot_general3A_61 = tpu.matmul %add3A_46, %get3A_59, %dot_general3A_60 {dimension_numbers = #tpu.dot_dimension_numbers<[1], [0], [0], [1], [0, 0, 1, 1], [], []>, transpose_lhs_hint = false} : vector<1000x128xf32>, vector<128x256xf32>, vector<1000x256xf32> -> vector<1000x256xf32>
    %add3A_62 = arith.addf %add3A_56, %dot_general3A_61 : vector<1000x256xf32>
    %get3A_63 = arith.constant 0 : index
    %get3A_64 = arith.constant 0 : index
    %get3A_65 = vector.load %arg13[%get3A_63, %get3A_64] : memref<1x256xf32, #tpu.memory_space<vmem>>, vector<1x256xf32>
    %add3A_66 = vector.broadcast %get3A_65 : vector<1x256xf32> to vector<1000x256xf32>
    %add3A_67 = arith.addf %add3A_62, %add3A_66 : vector<1000x256xf32>
    %max3A_68 = arith.constant 0.000000e+00 : f32
    %max3A_69 = vector.broadcast %max3A_68 : f32 to vector<1000x256xf32>
    %max3A_70 = arith.maximumf %add3A_67, %max3A_69 : vector<1000x256xf32>
    %get3A_71 = arith.constant 0 : index
    %get3A_72 = arith.constant 0 : index
    %get3A_73 = vector.load %arg14[%get3A_71, %get3A_72] : memref<256x128xf32, #tpu.memory_space<vmem>>, vector<256x128xf32>
    %dot_general3A_74 = arith.constant dense<0.000000e+00> : vector<1000x128xf32>
    %dot_general3A_75 = tpu.matmul %max3A_70, %get3A_73, %dot_general3A_74 {dimension_numbers = #tpu.dot_dimension_numbers<[1], [0], [0], [1], [0, 0, 1, 1], [], []>, transpose_lhs_hint = false} : vector<1000x256xf32>, vector<256x128xf32>, vector<1000x128xf32> -> vector<1000x128xf32>
    %get3A_76 = arith.constant 0 : index
    %get3A_77 = arith.constant 0 : index
    %get3A_78 = vector.load %arg15[%get3A_76, %get3A_77] : memref<1x128xf32, #tpu.memory_space<vmem>>, vector<1x128xf32>
    %add3A_79 = vector.broadcast %get3A_78 : vector<1x128xf32> to vector<1000x128xf32>
    %add3A_80 = arith.addf %dot_general3A_75, %add3A_79 : vector<1000x128xf32>
    %max3A_81 = arith.constant 0.000000e+00 : f32
    %max3A_82 = vector.broadcast %max3A_81 : f32 to vector<1000x128xf32>
    %max3A_83 = arith.maximumf %add3A_80, %max3A_82 : vector<1000x128xf32>
    %add3A_84 = arith.addf %get3A_1, %max3A_83 : vector<1000x128xf32>
    %swap3A = arith.constant 0 : index
    %swap3A_85 = arith.constant 0 : index
    %swap3A_86 = vector.load %arg16[%swap3A, %swap3A_85] : memref<1000x128xf32, #tpu.memory_space<vmem>>, vector<1000x128xf32>
    tpu.vector_store %arg16[%swap3A, %swap3A_85], %add3A_84 {strides = array<i32>} : memref<1000x128xf32, #tpu.memory_space<vmem>>, vector<1000x128xf32>,
    return
  }
  func.func @transform_0(%arg0: i32) -> (i32, i32) {
    %c0_i32 = arith.constant 0 : i32
    %c0_i32_0 = arith.constant 0 : i32
    return %arg0, %c0_i32 : i32, i32
  }
  func.func @transform_1(%arg0: i32) -> (i32, i32) {
    %c0_i32 = arith.constant 0 : i32
    %c0_i32_0 = arith.constant 0 : i32
    return %arg0, %c0_i32 : i32, i32
  }
  func.func @transform_2(%arg0: i32) -> (i32, i32) {
    %c0_i32 = arith.constant 0 : i32
    %c0_i32_0 = arith.constant 0 : i32
    return %arg0, %c0_i32 : i32, i32
  }
  func.func @transform_3(%arg0: i32) -> (i32, i32) {
    %c0_i32 = arith.constant 0 : i32
    %c0_i32_0 = arith.constant 0 : i32
    return %arg0, %c0_i32 : i32, i32
  }
  func.func @transform_4(%arg0: i32) -> (i32, i32) {
    %c0_i32 = arith.constant 0 : i32
    %c0_i32_0 = arith.constant 0 : i32
    return %arg0, %c0_i32 : i32, i32
  }
  func.func @transform_5(%arg0: i32) -> (i32, i32) {
    %c0_i32 = arith.constant 0 : i32
    %c0_i32_0 = arith.constant 0 : i32
    return %arg0, %c0_i32 : i32, i32
  }
  func.func @transform_6(%arg0: i32) -> (i32, i32) {
    %c0_i32 = arith.constant 0 : i32
    %c0_i32_0 = arith.constant 0 : i32
    return %arg0, %c0_i32 : i32, i32
  }
  func.func @transform_7(%arg0: i32) -> (i32, i32) {
    %c0_i32 = arith.constant 0 : i32
    %c0_i32_0 = arith.constant 0 : i32
    %c0_i32_1 = arith.constant 0 : i32
    return %c0_i32, %c0_i32_0 : i32, i32
  }
  func.func @transform_8(%arg0: i32) -> (i32, i32) {
    %c0_i32 = arith.constant 0 : i32
    %c0_i32_0 = arith.constant 0 : i32
    %c0_i32_1 = arith.constant 0 : i32
    return %c0_i32, %c0_i32_0 : i32, i32
  }
  func.func @transform_9(%arg0: i32) -> (i32, i32) {
    %c0_i32 = arith.constant 0 : i32
    %c0_i32_0 = arith.constant 0 : i32
    %c0_i32_1 = arith.constant 0 : i32
    return %c0_i32, %c0_i32_0 : i32, i32
  }
  func.func @transform_10(%arg0: i32) -> (i32, i32) {
    %c0_i32 = arith.constant 0 : i32
    %c0_i32_0 = arith.constant 0 : i32
    %c0_i32_1 = arith.constant 0 : i32
    return %c0_i32, %c0_i32_0 : i32, i32
  }
  func.func @transform_11(%arg0: i32) -> (i32, i32) {
    %c0_i32 = arith.constant 0 : i32
    %c0_i32_0 = arith.constant 0 : i32
    %c0_i32_1 = arith.constant 0 : i32
    return %c0_i32, %c0_i32_0 : i32, i32
  }
  func.func @transform_12(%arg0: i32) -> (i32, i32) {
    %c0_i32 = arith.constant 0 : i32
    %c0_i32_0 = arith.constant 0 : i32
    %c0_i32_1 = arith.constant 0 : i32
    return %c0_i32, %c0_i32_0 : i32, i32
  }
  func.func @transform_13(%arg0: i32) -> (i32, i32) {
    %c0_i32 = arith.constant 0 : i32
    %c0_i32_0 = arith.constant 0 : i32
    %c0_i32_1 = arith.constant 0 : i32
    return %c0_i32, %c0_i32_0 : i32, i32
  }
  func.func @transform_14(%arg0: i32) -> (i32, i32) {
    %c0_i32 = arith.constant 0 : i32
    %c0_i32_0 = arith.constant 0 : i32
    %c0_i32_1 = arith.constant 0 : i32
    return %c0_i32, %c0_i32_0 : i32, i32
  }
  func.func @transform_15(%arg0: i32) -> (i32, i32) {
    %c0_i32 = arith.constant 0 : i32
    %c0_i32_0 = arith.constant 0 : i32
    return %arg0, %c0_i32 : i32, i32
  }
}

</mosaic_0001>

<sc_bundles>
// kernel: kernel.12.cloned.1.call-start
scs
__scs_entry_jumppad:
0x0: {  	(pc) =	sbr.rel $0x88, $3  }
0x1: {  	(tag) =	ssettag $0x0;
	lr =	simm.s32 $0x1  }
0x2: {  	[smem:$0x3F86] =	sst lr;
	_ =	strace $0xD0000000  }
0x3: {  	_ = 	snop  }
0x4: {  	_ = 	snop  }
0x5: {  	_ = 	snop  }
0x6: {  	_ = 	snop  }
0x7: {  	_ = 	snop  }
__scs_overlays_trampoline_lowered:
0x8: {  	[smem:$0x3F95] =	sst s0  }
0x9: {  	[smem:$0x3F96] =	sst s1  }
0xa: {  	[smem:$0x3F97] =	sst s2  }
0xb: {  	[smem:$0x3F98] =	sst s3  }
0xc: {  	[smem:$0x3F99] =	sst s4  }
0xd: {  	[smem:$0x3F9A] =	sst s5  }
0xe: {  	[smem:$0x3F9B] =	sst s6  }
0xf: {  	[smem:$0x3F9C] =	sst s7  }
0x10: {  	[smem:$0x3F9D] =	sst s8  }
0x11: {  	[smem:$0x3F9E] =	sst s9;
	s0 =	simm.s32 @!p0 $0x0  }
0x12: {  	s1 =	sld [smem:$0x3F84];
	s0 =	simm.s32 @p0 $0x1  }
0x13: {  	[smem:$0x3F9F] =	sst s0;
	s0 =	simm.s32 @!p1 $0x0  }
0x14: {  	s2 =	sld [smem:$0x3F83];
	s0 =	simm.s32 @p1 $0x1  }
0x15: {  	[smem:$0x3FA0] =	sst s0;
	s0 =	simm.s32 @!p2 $0x0  }
0x16: {  	s3 =	sld [smem:$0x3FDB];
	s0 =	simm.s32 @p2 $0x1  }
0x17: {  	s4 =	simm.s32 $0x1BF5;
	[smem:$0x3FA2] =	sst s0  }
0x18: {  	s0 =	sld [smem:$0x3F85];
	_ =	swait.ge [sflag:s4], $0x0  }
0x19: {  	s7 =	sld [smem:$0x3F86]  }
0x1a: {  	s8 =	sadd.s32 $0xFFFFE003, lr  }
0x1b: {  	s9 =	sadd.s32 $0xFFFFFEF7, lr;
	s5 =	simm.s32 $0xFFFFFFFF;
	p2 =	slt.u32 s8, $0xFFFFF086  }
0x1c: {  	p1 =	slt.u32 s9, $0xF7A;
	s5 =	simm.s32 @!p2 $0x0  }
0x1d: {  	s5 =	simm.s32 @p1 $0x1;
	p0 =	seq.s32 s7, s2  }
0x1e: {  	s7 =	smul.u32 @!p0 $0xF7A, s2;
	p2 =	seq.s32 @!p0 s5, $0x0  }
0x1f: {  	s9 =	smul.u32 $0xF7A, s1;
	s8 =	simm.s32 @!p0 $0x1BF5;
	p2 =	por !p2, p0  }
0x20: {  	[sflag:s8] =	ssyncset.s32 @!p0 $0xFFFFF086;
	s6 =	sadd.s32 @!p0 s3, s7;
	s7 =	simm.s32 @!p0 $0x108  }
0x21: {  	s3 =	sadd.s32 s3, s9;
	s6 =	sadd.s32 @!p0 $0x88, s6;
	s7 =	simm.s32 @p2 $0x1082  }
0x22: {  	[simem:s7], [sflag:s8] =	dma.local @!p0 [hbm:s6], $0xF7A  }
0x23: {  	s9 =	sor.u32 $0xD0000000, s2;
	s6 =	simm.s32 $0x108;
	_ =	swait.ge @!p0 [sflag:s8], $0x0  }
0x24: {  	s3 =	sadd.s32 $0x88, s3;
	s6 =	simm.s32 @!p1 $0x1082;
	[sflag:s4] =	ssyncset.s32 $0xFFFFF086  }
0x25: {  	[simem:s6], [sflag:s4] =	dma.local [hbm:s3], $0xF7A  }
0x26: {  	[smem:$0x3F86] =	sst s1;
	(tag) =	ssettag s2;
	_ =	strace s9  }
0x27: {  	s1 =	sld [smem:$0x3F96]  }
0x28: {  	s2 =	sld [smem:$0x3F97]  }
0x29: {  	s4 =	sld [smem:$0x3F99]  }
0x2a: {  	p0 =	seq.s32 s5, $0x0;
	s5 =	sld [smem:$0x3F9A]  }
0x2b: {  	s6 =	sld [smem:$0x3F9B]  }
0x2c: {  	s7 =	sld [smem:$0x3F9C]  }
0x2d: {  	s3 =	simm.s32 $0x108;
	s8 =	sld [smem:$0x3F9D]  }
0x2e: {  	s3 =	simm.s32 @!p0 $0x1082;
	s9 =	sld [smem:$0x3F9E]  }
0x2f: {  	lr =	sadd.s32 s0, s3;
	s0 =	sld [smem:$0x3F95]  }
0x30: {  	s3 =	sld [smem:$0x3F98]  }
0x31: {  	[smem:$0x3FA1] =	sst s10  }
0x32: {  	s10 =	sld [smem:$0x3F9F];
	_ =	sdelay $0x3  }
0x33: {  	p0 =	seq.s32 s10, $0x1;
	s10 =	sld [smem:$0x3FA1];
	_ =	sdelay $0x3  }
0x34: {  	[smem:$0x3FA1] =	sst s10  }
0x35: {  	s10 =	sld [smem:$0x3FA0];
	_ =	sdelay $0x3  }
0x36: {  	p1 =	seq.s32 s10, $0x1;
	s10 =	sld [smem:$0x3FA1];
	_ =	sdelay $0x3  }
0x37: {  	[smem:$0x3FA1] =	sst s10  }
0x38: {  	s10 =	sld [smem:$0x3FA2]  }
0x39: {  	_ = 	snop;
	(pc) =	sbr.ind lr, $3  }
0x3a: {  	_ = 	snop  }
0x3b: {  	_ = 	snop  }
0x3c: {  	p2 =	seq.s32 s10, $0x1;
	s10 =	sld [smem:$0x3FA1]  }
0x3d: {  	_ =	shalt  }
0x3e: {  	_ =	shalt  }
0x3f: {  	_ =	shalt  }
0x40: {  	_ =	shalt  }
0x41: {  	_ =	shalt  }
0x42: {  	_ =	shalt  }
0x43: {  	_ =	shalt  }
0x44: {  	_ =	shalt  }
0x45: {  	_ =	shalt  }
0x46: {  	_ =	shalt  }
0x47: {  	_ =	shalt  }
0x48: {  	_ =	shalt  }
0x49: {  	_ =	shalt  }
0x4a: {  	_ =	shalt  }
0x4b: {  	_ =	shalt  }
0x4c: {  	_ =	shalt  }
0x4d: {  	_ =	shalt  }
0x4e: {  	_ =	shalt  }
0x4f: {  	_ =	shalt  }
0x50: {  	_ =	shalt  }
0x51: {  	_ =	shalt  }
0x52: {  	_ =	shalt  }
0x53: {  	_ =	shalt  }
0x54: {  	_ =	shalt  }
0x55: {  	_ =	shalt  }
0x56: {  	_ =	shalt  }
0x57: {  	_ =	shalt  }
0x58: {  	_ =	shalt  }
0x59: {  	_ =	shalt  }
0x5a: {  	_ =	shalt  }
0x5b: {  	_ =	shalt  }
0x5c: {  	_ =	shalt  }
0x5d: {  	_ =	shalt  }
0x5e: {  	_ =	shalt  }
0x5f: {  	_ =	shalt  }
0x60: {  	_ =	shalt  }
0x61: {  	_ =	shalt  }
0x62: {  	_ =	shalt  }
0x63: {  	_ =	shalt  }
0x64: {  	_ =	shalt  }
0x65: {  	_ =	shalt  }
0x66: {  	_ =	shalt  }
0x67: {  	_ =	shalt  }
0x68: {  	_ =	shalt  }
0x69: {  	_ =	shalt  }
0x6a: {  	_ =	shalt  }
0x6b: {  	_ =	shalt  }
0x6c: {  	_ =	shalt  }
0x6d: {  	_ =	shalt  }
0x6e: {  	_ =	shalt  }
0x6f: {  	_ =	shalt  }
0x70: {  	_ =	shalt  }
0x71: {  	_ =	shalt  }
0x72: {  	_ =	shalt  }
0x73: {  	_ =	shalt  }
0x74: {  	_ =	shalt  }
0x75: {  	_ =	shalt  }
0x76: {  	_ =	shalt  }
0x77: {  	_ =	shalt  }
0x78: {  	_ =	shalt  }
0x79: {  	_ =	shalt  }
0x7a: {  	_ =	shalt  }
0x7b: {  	_ =	shalt  }
0x7c: {  	_ =	shalt  }
0x7d: {  	_ =	shalt  }
0x7e: {  	_ =	shalt  }
0x7f: {  	_ =	shalt  }
0x80: {  	_ =	shalt  }
0x81: {  	_ =	shalt  }
0x82: {  	_ =	shalt  }
0x83: {  	_ =	shalt  }
0x84: {  	_ =	shalt  }
0x85: {  	_ =	shalt  }
0x86: {  	_ =	shalt  }
0x87: {  	_ =	shalt  }
.Lfunc_end0:
.L_simem_size_0:
called_computation_lowered:
.L_overlay_start_0:
0x88: {  	s2 =	sld [smem:$0x3FD9]  }
0x89: {  	s3 =	sld [smem:$0x3FFE];
	_ =	sdelay $0x1  }
0x8a: {  	s1 =	srdreg.scid  }
0x8b: {  	s0 =	sand.u32 $0x1, s1  }
0x8c: {  	s17 =	sshll.u32 s0, $0xA;
	s2 =	sadd.s32 s3, s2  }
0x8d: {  	s2 =	sadd.s32 s2, s17  }
0x8e: {  	[smem:$0x3FAD] =	sst s2  }
0x8f: {  	_ = 	snop  }
0x90: {  	s18 =	sld [smem:$0x3FC8]  }
0x91: {  	s4 =	sld [smem:$0x3FC7];
	(tm) =	ssettm $0x1  }
0x92: {  	s19 =	sld [smem:$0x3FFB];
	_ =	sdelay $0x3  }
0x93: {  	_ =	strace s19  }
0x94: {  	s2 =	sld [smem:$0x3FFC];
	_ =	sdelay $0x3  }
0x95: {  	_ =	strace s2  }
0x96: {  	s2 =	sld [smem:$0x3FFD];
	_ =	sdelay $0x3  }
0x97: {  	_ =	strace s2  }
0x98: {  	_ =	strace $0x8FFFFFFF  }
0x99: {  	s20 =	sld [smem:$0x3FDB];
	_ =	sdelay $0x1  }
0x9a: {  	s5 =	simm.s32 $_scs_section_size  }
0x9b: {  	s6 =	simm.s32 $_size__tile_overlayer_lowered;
	s7 =	simm.s32 $_tile_overlayer_lowered  }
0x9c: {  	s8 =	simm.s32 $0x1BFF;
	s21 =	sshll.u32 s7, $0x1;
	s5 =	sadd.s32 s5, s20  }
0x9d: {  	s22 =	simm.s32 $0x0;
	s6 =	sshll.u32 s6, $0x1;
	s7 =	sadd.s32 s21, s5  }
0x9e: {  	[timem:s22], [sflag:s8] =	dma.local [hbm:s7], s6  }
0x9f: {  	_ =	swait.ge [sflag:s8], s6  }
0xa0: {  	s6 =	ssub.s32 $0x0, s6;
	[sflag:s8] =	ssyncset.done $0x0  }
0xa1: {  	[sflag:s8] =	ssyncadd.s32 s6;
	_ =	sdelay $0x1  }
0xa2: {  	s23 =	simm.s32 $0x1B8B  }
0xa3: {  	_ =	swait.ge [sflag:s23], $0x1  }
0xa4: {  	[sflag:s23] =	ssyncset.done $0x0  }
0xa5: {  	[sflag:s23] =	ssyncadd.s32 $0xFFFFFFFF  }
0xa6: {  	s6 =	sld [smem:$0x0]  }
0xa7: {  	s7 =	sand.u32 $0xFFFFFFFE, s1  }
0xa8: {  	p0 =	sne.s32 s1, s7  }
0xa9: {  	s7 =	sshll.u32 @p0 s7, $0xE  }
0xaa: {  	s7 =	sadd.s32 @p0 $0x11B8D, s7;
	s8 =	sshll.u32 @p0 s6, $0x11  }
0xab: {  	s7 =	sor.u32 @p0 s8, s7  }
0xac: {  	[sflag:s7] =	ssyncadd.remote.s32 @p0 $0x1;
	_ =	sdelay $0x1  }
0xad: {  	s7 =	simm.s32 @p0 $0x1B8D  }
0xae: {  	_ =	swait.eq @p0 [sflag:s7], $0x1  }
0xaf: {  	[sflag:s7] =	ssyncadd.s32 @p0 $0xFFFFFFFF  }
0xb0: {  	s8 =	sshll.u32 @!p0 s1, $0xE  }
0xb1: {  	s8 =	sor.u32 @!p0 $0x4000, s8;
	s7 =	simm.s32 @!p0 $0x1B8D  }
0xb2: {  	s6 =	sshll.u32 @!p0 s6, $0x11;
	s8 =	sadd.s32 @!p0 $0x11B8D, s8;
	_ =	swait.eq @!p0 [sflag:s7], $0x1  }
0xb3: {  	s6 =	sor.u32 @!p0 s6, s8;
	[sflag:s7] =	ssyncadd.s32 @!p0 $0xFFFFFFFF  }
0xb4: {  	s25 =	simm.s32 $0x1B8E;
	s24 =	sld [smem:$0x3FFE];
	[sflag:s6] =	ssyncadd.remote.s32 @!p0 $0x1  }
0xb5: {  	s26 =	simm.s32 $execute0_lowered;
	[smem:$0x3FD2] =	sst s25  }
0xb6: {  	s7 =	sshll.u32 s26, $0x1;
	_ =	strace $0x80000049;
	[dreg:$0x1] =	wrdreg $0xFFFFFFFF  }
0xb7: {  	s28 =	simm.s32 $_size_execute0_lowered;
	s5 =	sadd.s32 s5, s7;
	[dreg:$0x0] =	wrdreg $0x0  }
0xb8: {  	s7 =	sshll.u32 s28, $0x1;
	[dreg:$0x2] =	wrdreg s5  }
0xb9: {  	[dreg:$0x3] =	wrdreg s7  }
0xba: {  	[dreg:$0x4] =	wrdreg $0xC0  }
0xbb: {  	_ =	task [dreg:s22], $0x5FFFF  }
0xbc: {  	[dreg:$0x1] =	wrdreg $0xFFFFFFFF  }
0xbd: {  	[dreg:$0x0] =	wrdreg $0x60  }
0xbe: {  	[dreg:$0x2] =	wrdreg s18  }
0xbf: {  	[dreg:$0x3] =	wrdreg s4  }
0xc0: {  	[dreg:$0x4] =	wrdreg s24  }
0xc1: {  	[dreg:$0x5] =	wrdreg $0x0  }
0xc2: {  	[dreg:$0x6] =	wrdreg $0x9  }
0xc3: {  	_ =	task.clear_ibuf [dreg:s22], $0x7FFFF;
	_ =	strace $0x90000049  }
0xc4: {  	s29 =	simm.s32 $0x9;
	_ =	strace $0x8000004B  }
0xc5: {  	_ =	swait.ge [sflag:s29], $0x1  }
0xc6: {  	[sflag:s29] =	ssyncadd.s32 $0xFFFFFFFF  }
0xc7: {  	_ =	strace $0x9000004B  }
0xc8: {  	_ =	sfence  }
0xc9: {  	s30 =	sld [smem:$0x0];
	_ =	sdelay $0x2  }
0xca: {  	s31 =	sshll.u32 s1, $0xD;
	s1 =	sshrl.u32 s1, $0x2  }
0xcb: {  	s4 =	sand.u32 $0x4000, s31;
	s1 =	sadd.s32 s1, s30  }
0xcc: {  	s0 =	sor.u32 s4, s0;
	s1 =	sshll.u32 s1, $0x11  }
0xcd: {  	s0 =	sor.u32 s1, s0  }
0xce: {  	s0 =	sadd.s32 $0x8F2B, s0  }
0xcf: {  	[sflag:s0] =	ssyncadd.remote.s32 $0x1  }
0xd0: {  	_ =	sfence.sel $0xFFFF  }
0xd1: {  	[dreg:$0x0] =	wrdreg $0xFFFFFFFF;
	(pc) =	sbr.abs _section_cstart, $3  }
0xd2: {  	[dreg:$0x1] =	wrdreg $0xFFFFFFFF  }
0xd3: {  	_ =	task.clear_ibuf [dreg:s22], $0x2FFFF;
	_ =	strace $0x9FFFFFFF  }
0xd4: {  	(tm) =	ssettm $0x7FFFFFFF  }
0xd5: {  	_ =	shalt  }
tec
execute0_lowered:
.L_overlay_start_1:
0x0: {  	(tag) =	ssettag $0x1  }
0x1: {  	s10 =	rddreg [dreg:$0x0]  }
0x2: {  	s11 =	rddreg [dreg:$0x1]  }
0x3: {  	s7 =	rddreg [dreg:$0x2]  }
0x4: {  	s2 =	rddreg [dreg:$0x3]  }
0x5: {  	s0 =	rddreg [dreg:$0x4];
	s3 =	simm.s32 $0x0;
	s1 =	stileid.u32  }
0x6: {  	s6 =	srdreg.scid;
	s17 =	simm.s32 $0x50;
	s18 =	simm.s32 $0x0  }
0x7: {  	[smem:$0x7FF] =	sst s3;
	s4 =	smul.u32 $0x2800, s1;
	s5 =	sadd.s32 $0x9D0200, s7  }
0x8: {  	s9 =	sand.u32 $0x1, s6;
	s12 =	smul.u32 $0x50000, s1;
	s6 =	sadd.s32 $0x9F8800, s7  }
0x9: {  	s15 =	smul.u32 $0x9C4, s1;
	s31 =	sshll.u32 s1, $0x6;
	_ =	strace $0x8000004A  }
0xa: {  	s13 =	ssub.s32 $0x2, s9;
	p0 =	seq.s32 s9, $0x1;
	s8 =	sadd.s32 s4, s7  }
.Ltmp0:
0xb: {  	s7 =	sadd.s32 $0xA20800, s7;
	s14 =	sshrl.u32 s13, $0x1;
	(pc) =	sbr.rel .LBB2_1-.Ltmp0, $4  }
0xc: {  	s12 =	sshrl.u32 s12, $0x2;
	s10 =	sadd.s32 s15, s10;
	s11 =	sadd.s32 s15, s11  }
0xd: {  	s13 =	ssub.s32 s13, s14;
	s16 =	sadd.s32 s12, s2;
	s8 =	sadd.s32 $0x9D0800, s8  }
0xe: {  	s12 =	simm.s32 $0x14080;
	s14 =	sor.u32 $0x1C01, s31;
	s9 =	smax.u32 s13, $0x1  }
0xf: {  	s13 =	simm.s32 $0x1;
	s15 =	sshrl.u32 s16, $0x3;
	s16 =	simm.s32 $0x14000  }
.LBB2_7:
0x10: {  	s19 =	sadd.s32 s19, s11;
	[sflag:s13] =	ssyncadd.s32 $0xFFFFD800  }
0x11: {  	[tilespmem:s16], [sflag:$0x1] =	stream.linear.gather [hbm4b:s19+s3], $0x50, $0x38;
	[tilespmem:$0x16880] =	vst v63  }
0x12: {  	_ =	swait.ge [sflag:s13], $0x50  }
0x13: {  	[sflag:s13] =	ssyncset.done $0x0  }
0x14: {  	[sflag:s13] =	ssyncadd.s32 $0xFFFFFFB0  }
0x15: {  	[spmem:s2] =	stream.indirect.scatter.add.f32 [tilespmem:s12], [sflag:$0x1], $0x80, s16, s17, $0xb8;
	[tilespmem:$0x16880] =	vst v63  }
0x16: {  	_ =	swait.ge [sflag:s13], $0x2800  }
0x17: {  	[sflag:s13] =	ssyncset.done $0x0  }
0x18: {  	s19 =	smov.u32 s7;
	[sflag:s13] =	ssyncadd.s32 $0xFFFFD800  }
.LBB2_8:
0x19: {  	s18 =	sadd.s32 $0x1, s18  }
0x1a: {  	p1 =	sne.s32 s18, s9  }
.Ltmp1:
0x1b: {  	s19 =	sadd.s32 s19, s4;
	[bflag:$0x0] =	sbarrier.arrive $0xFFFF;
	(pc) =	sbr.rel @!p1 .LBB2_9-.Ltmp1, $4  }
0x1c: {  	[hbm:s19], [sflag:s14] =	dma.local [spmem:s15], $0x2800  }
0x1d: {  	_ =	swait.ge [sflag:s13], $0x2800  }
0x1e: {  	[sflag:s13] =	ssyncset.done $0x0  }
0x1f: {  	[sflag:s13] =	ssyncadd.s32 $0xFFFFD800  }
.LBB2_1:
0x20: {  	[tilespmem:s12], [sflag:$0x1] =	stream.linear.gather [hbm4b:s5+s3], $0x2800, $0x38;
	[tilespmem:$0x16880] =	vst v63  }
0x21: {  	_ =	swait.ge [sflag:s13], $0x2800  }
0x22: {  	[sflag:s13] =	ssyncset.done $0x0  }
0x23: {  	[sflag:s13] =	ssyncadd.s32 $0xFFFFD800  }
0x24: {  	[spmem:s15], [sflag:s14] =	dma.local [hbm:s8], $0x2800  }
.Ltmp2:
0x25: {  	_ =	swait.ge [sflag:s13], $0x2800;
	(pc) =	sbr.rel @!p0 .LBB2_2-.Ltmp2, $3  }
0x26: {  	[sflag:s13] =	ssyncset.done $0x0  }
0x27: {  	[sflag:s13] =	ssyncadd.s32 $0xFFFFD800  }
0x28: {  	[bflag:$0x0] =	sbarrier.arrive $0xFFFF;
	_ =	sdelay $0x1  }
0x29: {  	s19 =	sadd.s32 $0x0, s11  }
0x2a: {  	[tilespmem:s16], [sflag:$0x1] =	stream.linear.gather [hbm4b:s19+s3], $0x50, $0x38;
	[tilespmem:$0x16880] =	vst v63  }
0x2b: {  	_ =	swait.ge [sflag:s13], $0x50  }
0x2c: {  	[sflag:s13] =	ssyncset.done $0x0  }
0x2d: {  	[sflag:s13] =	ssyncadd.s32 $0xFFFFFFB0  }
0x2e: {  	[spmem:s2] =	stream.indirect.scatter.add.f32 [tilespmem:s12], [sflag:$0x1], $0x80, s16, s17, $0xb8;
	[tilespmem:$0x16880] =	vst v63  }
0x2f: {  	_ =	swait.ge [sflag:s13], $0x2800  }
0x30: {  	s20 =	simm.s32 $0x14;
	s19 =	simm.s32 $0xA;
	[sflag:s13] =	ssyncset.done $0x0  }
.LBB2_6:
0x31: {  	s21 =	sadd.s32 s19, s11  }
0x32: {  	[sflag:s13] =	ssyncadd.s32 $0xFFFFD800;
	s19 =	smov.u32 s20;
	s22 =	sadd.s32 $0xA, s20  }
0x33: {  	[tilespmem:s16], [sflag:$0x1] =	stream.linear.gather [hbm4b:s21+s3], $0x50, $0x38;
	[tilespmem:$0x16880] =	vst v63  }
0x34: {  	p1 =	sne.s32 s20, $0x9BA;
	_ =	swait.ge [sflag:s13], $0x50  }
.Ltmp3:
0x35: {  	[sflag:s13] =	ssyncset.done $0x0;
	(pc) =	sbr.rel @p1 .LBB2_6-.Ltmp3, $4  }
0x36: {  	[sflag:s13] =	ssyncadd.s32 $0xFFFFFFB0  }
0x37: {  	[spmem:s2] =	stream.indirect.scatter.add.f32 [tilespmem:s12], [sflag:$0x1], $0x80, s16, s17, $0xb8;
	[tilespmem:$0x16880] =	vst v63  }
0x38: {  	_ =	swait.ge [sflag:s13], $0x2800  }
0x39: {  	s20 =	smov.u32 s22;
	[sflag:s13] =	ssyncset.done $0x0  }
.Ltmp4:
0x3a: {  	_ = 	snop;
	(pc) =	sbr.rel .LBB2_7-.Ltmp4, $1  }
0x3b: {  	_ =	sdelay $0x3  }
.LBB2_2:
0x3c: {  	s19 =	sadd.s32 $0x0, s10  }
0x3d: {  	[tilespmem:s16], [sflag:$0x1] =	stream.linear.gather [hbm4b:s19+s3], $0x50, $0x38;
	[tilespmem:$0x16880] =	vst v63  }
0x3e: {  	_ =	swait.ge [sflag:s13], $0x50  }
0x3f: {  	[sflag:s13] =	ssyncset.done $0x0  }
0x40: {  	[sflag:s13] =	ssyncadd.s32 $0xFFFFFFB0  }
0x41: {  	[spmem:s2] =	stream.indirect.scatter.add.f32 [tilespmem:s12], [sflag:$0x1], $0x80, s16, s17, $0xb8;
	[tilespmem:$0x16880] =	vst v63  }
0x42: {  	_ =	swait.ge [sflag:s13], $0x2800  }
0x43: {  	s20 =	simm.s32 $0x14;
	s19 =	simm.s32 $0xA;
	[sflag:s13] =	ssyncset.done $0x0  }
.LBB2_3:
0x44: {  	s21 =	sadd.s32 s19, s10  }
0x45: {  	[sflag:s13] =	ssyncadd.s32 $0xFFFFD800;
	s19 =	smov.u32 s20;
	s22 =	sadd.s32 $0xA, s20  }
0x46: {  	[tilespmem:s16], [sflag:$0x1] =	stream.linear.gather [hbm4b:s21+s3], $0x50, $0x38;
	[tilespmem:$0x16880] =	vst v63  }
0x47: {  	p1 =	seq.s32 s20, $0x9BA;
	_ =	swait.ge [sflag:s13], $0x50  }
.Ltmp5:
0x48: {  	[sflag:s13] =	ssyncset.done $0x0;
	(pc) =	sbr.rel @!p1 .LBB2_3-.Ltmp5, $4  }
0x49: {  	[sflag:s13] =	ssyncadd.s32 $0xFFFFFFB0  }
0x4a: {  	[spmem:s2] =	stream.indirect.scatter.add.f32 [tilespmem:s12], [sflag:$0x1], $0x80, s16, s17, $0xb8;
	[tilespmem:$0x16880] =	vst v63  }
0x4b: {  	_ =	swait.ge [sflag:s13], $0x2800  }
0x4c: {  	s20 =	smov.u32 s22;
	[sflag:s13] =	ssyncset.done $0x0  }
0x4d: {  	s19 =	sadd.s32 s19, s10;
	[sflag:s13] =	ssyncadd.s32 $0xFFFFD800  }
0x4e: {  	[tilespmem:s16], [sflag:$0x1] =	stream.linear.gather [hbm4b:s19+s3], $0x50, $0x38;
	[tilespmem:$0x16880] =	vst v63  }
0x4f: {  	_ =	swait.ge [sflag:s13], $0x50  }
0x50: {  	[sflag:s13] =	ssyncset.done $0x0  }
.Ltmp6:
0x51: {  	[sflag:s13] =	ssyncadd.s32 $0xFFFFFFB0;
	(pc) =	sbr.rel .LBB2_8-.Ltmp6, $4  }
0x52: {  	[spmem:s2] =	stream.indirect.scatter.add.f32 [tilespmem:s12], [sflag:$0x1], $0x80, s16, s17, $0xb8;
	[tilespmem:$0x16880] =	vst v63  }
0x53: {  	_ =	swait.ge [sflag:s13], $0x2800  }
0x54: {  	[sflag:s13] =	ssyncset.done $0x0  }
0x55: {  	s19 =	smov.u32 s6;
	[sflag:s13] =	ssyncadd.s32 $0xFFFFD800  }
.LBB2_9:
0x56: {  	_ =	sfence.sel $0x180000  }
0x57: {  	[bflag:$0x0] =	sbarrier.arrive $0xFFFF  }
0x58: {  	p0 =	sne.s32 s1, $0x0;
	_ =	strace $0x9000004A  }
0x59: {  	s0 =	sadd.s32 @!p0 $0x100000, s0;
	[bflag:$0x2] =	sbarrier.arrive $0xFFFF  }
0x5a: {  	[sflag:s0] =	ssyncadd.tile.s32 @!p0 $0x1;
	_ =	shalt  }
.Lfunc_end2:
_tile_overlayer_lowered:
.L_overlay_start_2:
0x5b: {  	(tag) =	ssettag $0x2  }
0x5c: {  	s0 =	rddreg [dreg:$0x0];
	s2 =	stileid.u32  }
0x5d: {  	s1 =	rddreg [dreg:$0x1];
	p0 =	sne.s32 s2, $0x0  }
0x5e: {  	s3 =	rddreg [dreg:$0x2];
	[bflag:$0x3] =	sbarrier.arrive $0xFFFF;
	s2 =	simm.s32 @!p0 $0x1C01  }
0x5f: {  	[timem:s3], [sflag:s2] =	dma.local @!p0 [hbm:s0], s1  }
0x60: {  	s0 =	simm.s32 @!p0 $0x1  }
0x61: {  	_ =	swait.ge @!p0 [sflag:s0], s1  }
0x62: {  	s1 =	ssub.s32 @!p0 $0x0, s1;
	[sflag:s0] =	ssyncset.done @!p0 $0x0  }
0x63: {  	[sflag:s0] =	ssyncadd.s32 @!p0 s1  }
0x64: {  	[bflag:$0x3] =	sbarrier.arrive $0xFFFF  }
0x65: {  	_ =	shalt  }

// kernel: kernel.15.cloned.1.call-start
scs
__scs_entry_jumppad:
0x0: {  	(pc) =	sbr.rel $0x88, $3  }
0x1: {  	(tag) =	ssettag $0x0;
	lr =	simm.s32 $0x1  }
0x2: {  	[smem:$0x3F86] =	sst lr;
	_ =	strace $0xD0000000  }
0x3: {  	_ = 	snop  }
0x4: {  	_ = 	snop  }
0x5: {  	_ = 	snop  }
0x6: {  	_ = 	snop  }
0x7: {  	_ = 	snop  }
__scs_overlays_trampoline_lowered:
0x8: {  	[smem:$0x3F95] =	sst s0  }
0x9: {  	[smem:$0x3F96] =	sst s1  }
0xa: {  	[smem:$0x3F97] =	sst s2  }
0xb: {  	[smem:$0x3F98] =	sst s3  }
0xc: {  	[smem:$0x3F99] =	sst s4  }
0xd: {  	[smem:$0x3F9A] =	sst s5  }
0xe: {  	[smem:$0x3F9B] =	sst s6  }
0xf: {  	[smem:$0x3F9C] =	sst s7  }
0x10: {  	[smem:$0x3F9D] =	sst s8  }
0x11: {  	[smem:$0x3F9E] =	sst s9;
	s0 =	simm.s32 @!p0 $0x0  }
0x12: {  	s1 =	sld [smem:$0x3F84];
	s0 =	simm.s32 @p0 $0x1  }
0x13: {  	[smem:$0x3F9F] =	sst s0;
	s0 =	simm.s32 @!p1 $0x0  }
0x14: {  	s2 =	sld [smem:$0x3F83];
	s0 =	simm.s32 @p1 $0x1  }
0x15: {  	[smem:$0x3FA0] =	sst s0;
	s0 =	simm.s32 @!p2 $0x0  }
0x16: {  	s3 =	sld [smem:$0x3FDB];
	s0 =	simm.s32 @p2 $0x1  }
0x17: {  	s4 =	simm.s32 $0x1BF5;
	[smem:$0x3FA2] =	sst s0  }
0x18: {  	s0 =	sld [smem:$0x3F85];
	_ =	swait.ge [sflag:s4], $0x0  }
0x19: {  	s7 =	sld [smem:$0x3F86]  }
0x1a: {  	s8 =	sadd.s32 $0xFFFFE003, lr  }
0x1b: {  	s9 =	sadd.s32 $0xFFFFFEF7, lr;
	s5 =	simm.s32 $0xFFFFFFFF;
	p2 =	slt.u32 s8, $0xFFFFF086  }
0x1c: {  	p1 =	slt.u32 s9, $0xF7A;
	s5 =	simm.s32 @!p2 $0x0  }
0x1d: {  	s5 =	simm.s32 @p1 $0x1;
	p0 =	seq.s32 s7, s2  }
0x1e: {  	s7 =	smul.u32 @!p0 $0xF7A, s2;
	p2 =	seq.s32 @!p0 s5, $0x0  }
0x1f: {  	s9 =	smul.u32 $0xF7A, s1;
	s8 =	simm.s32 @!p0 $0x1BF5;
	p2 =	por !p2, p0  }
0x20: {  	[sflag:s8] =	ssyncset.s32 @!p0 $0xFFFFF086;
	s6 =	sadd.s32 @!p0 s3, s7;
	s7 =	simm.s32 @!p0 $0x108  }
0x21: {  	s3 =	sadd.s32 s3, s9;
	s6 =	sadd.s32 @!p0 $0x88, s6;
	s7 =	simm.s32 @p2 $0x1082  }
0x22: {  	[simem:s7], [sflag:s8] =	dma.local @!p0 [hbm:s6], $0xF7A  }
0x23: {  	s9 =	sor.u32 $0xD0000000, s2;
	s6 =	simm.s32 $0x108;
	_ =	swait.ge @!p0 [sflag:s8], $0x0  }
0x24: {  	s3 =	sadd.s32 $0x88, s3;
	s6 =	simm.s32 @!p1 $0x1082;
	[sflag:s4] =	ssyncset.s32 $0xFFFFF086  }
0x25: {  	[simem:s6], [sflag:s4] =	dma.local [hbm:s3], $0xF7A  }
0x26: {  	[smem:$0x3F86] =	sst s1;
	(tag) =	ssettag s2;
	_ =	strace s9  }
0x27: {  	s1 =	sld [smem:$0x3F96]  }
0x28: {  	s2 =	sld [smem:$0x3F97]  }
0x29: {  	s4 =	sld [smem:$0x3F99]  }
0x2a: {  	p0 =	seq.s32 s5, $0x0;
	s5 =	sld [smem:$0x3F9A]  }
0x2b: {  	s6 =	sld [smem:$0x3F9B]  }
0x2c: {  	s7 =	sld [smem:$0x3F9C]  }
0x2d: {  	s3 =	simm.s32 $0x108;
	s8 =	sld [smem:$0x3F9D]  }
0x2e: {  	s3 =	simm.s32 @!p0 $0x1082;
	s9 =	sld [smem:$0x3F9E]  }
0x2f: {  	lr =	sadd.s32 s0, s3;
	s0 =	sld [smem:$0x3F95]  }
0x30: {  	s3 =	sld [smem:$0x3F98]  }
0x31: {  	[smem:$0x3FA1] =	sst s10  }
0x32: {  	s10 =	sld [smem:$0x3F9F];
	_ =	sdelay $0x3  }
0x33: {  	p0 =	seq.s32 s10, $0x1;
	s10 =	sld [smem:$0x3FA1];
	_ =	sdelay $0x3  }
0x34: {  	[smem:$0x3FA1] =	sst s10  }
0x35: {  	s10 =	sld [smem:$0x3FA0];
	_ =	sdelay $0x3  }
0x36: {  	p1 =	seq.s32 s10, $0x1;
	s10 =	sld [smem:$0x3FA1];
	_ =	sdelay $0x3  }
0x37: {  	[smem:$0x3FA1] =	sst s10  }
0x38: {  	s10 =	sld [smem:$0x3FA2]  }
0x39: {  	_ = 	snop;
	(pc) =	sbr.ind lr, $3  }
0x3a: {  	_ = 	snop  }
0x3b: {  	_ = 	snop  }
0x3c: {  	p2 =	seq.s32 s10, $0x1;
	s10 =	sld [smem:$0x3FA1]  }
0x3d: {  	_ =	shalt  }
0x3e: {  	_ =	shalt  }
0x3f: {  	_ =	shalt  }
0x40: {  	_ =	shalt  }
0x41: {  	_ =	shalt  }
0x42: {  	_ =	shalt  }
0x43: {  	_ =	shalt  }
0x44: {  	_ =	shalt  }
0x45: {  	_ =	shalt  }
0x46: {  	_ =	shalt  }
0x47: {  	_ =	shalt  }
0x48: {  	_ =	shalt  }
0x49: {  	_ =	shalt  }
0x4a: {  	_ =	shalt  }
0x4b: {  	_ =	shalt  }
0x4c: {  	_ =	shalt  }
0x4d: {  	_ =	shalt  }
0x4e: {  	_ =	shalt  }
0x4f: {  	_ =	shalt  }
0x50: {  	_ =	shalt  }
0x51: {  	_ =	shalt  }
0x52: {  	_ =	shalt  }
0x53: {  	_ =	shalt  }
0x54: {  	_ =	shalt  }
0x55: {  	_ =	shalt  }
0x56: {  	_ =	shalt  }
0x57: {  	_ =	shalt  }
0x58: {  	_ =	shalt  }
0x59: {  	_ =	shalt  }
0x5a: {  	_ =	shalt  }
0x5b: {  	_ =	shalt  }
0x5c: {  	_ =	shalt  }
0x5d: {  	_ =	shalt  }
0x5e: {  	_ =	shalt  }
0x5f: {  	_ =	shalt  }
0x60: {  	_ =	shalt  }
0x61: {  	_ =	shalt  }
0x62: {  	_ =	shalt  }
0x63: {  	_ =	shalt  }
0x64: {  	_ =	shalt  }
0x65: {  	_ =	shalt  }
0x66: {  	_ =	shalt  }
0x67: {  	_ =	shalt  }
0x68: {  	_ =	shalt  }
0x69: {  	_ =	shalt  }
0x6a: {  	_ =	shalt  }
0x6b: {  	_ =	shalt  }
0x6c: {  	_ =	shalt  }
0x6d: {  	_ =	shalt  }
0x6e: {  	_ =	shalt  }
0x6f: {  	_ =	shalt  }
0x70: {  	_ =	shalt  }
0x71: {  	_ =	shalt  }
0x72: {  	_ =	shalt  }
0x73: {  	_ =	shalt  }
0x74: {  	_ =	shalt  }
0x75: {  	_ =	shalt  }
0x76: {  	_ =	shalt  }
0x77: {  	_ =	shalt  }
0x78: {  	_ =	shalt  }
0x79: {  	_ =	shalt  }
0x7a: {  	_ =	shalt  }
0x7b: {  	_ =	shalt  }
0x7c: {  	_ =	shalt  }
0x7d: {  	_ =	shalt  }
0x7e: {  	_ =	shalt  }
0x7f: {  	_ =	shalt  }
0x80: {  	_ =	shalt  }
0x81: {  	_ =	shalt  }
0x82: {  	_ =	shalt  }
0x83: {  	_ =	shalt  }
0x84: {  	_ =	shalt  }
0x85: {  	_ =	shalt  }
0x86: {  	_ =	shalt  }
0x87: {  	_ =	shalt  }
.Lfunc_end0:
.L_simem_size_0:
called_computation.1_lowered:
.L_overlay_start_0:
0x88: {  	s2 =	sld [smem:$0x3FD9]  }
0x89: {  	s3 =	sld [smem:$0x3FFE];
	_ =	sdelay $0x1  }
0x8a: {  	s1 =	srdreg.scid  }
0x8b: {  	s0 =	sand.u32 $0x1, s1  }
0x8c: {  	s17 =	sshll.u32 s0, $0xA;
	s2 =	sadd.s32 s3, s2  }
0x8d: {  	s2 =	sadd.s32 s2, s17  }
0x8e: {  	[smem:$0x3FAD] =	sst s2  }
0x8f: {  	_ = 	snop  }
0x90: {  	s2 =	sld [smem:$0x3FC8]  }
0x91: {  	s18 =	sld [smem:$0x3FC7]  }
0x92: {  	s4 =	sld [smem:$0x3FD0];
	(tm) =	ssettm $0x1  }
0x93: {  	s5 =	sld [smem:$0x3FFB];
	_ =	sdelay $0x3  }
0x94: {  	_ =	strace s5  }
0x95: {  	s5 =	sld [smem:$0x3FFC];
	_ =	sdelay $0x3  }
0x96: {  	_ =	strace s5  }
0x97: {  	s5 =	sld [smem:$0x3FFD];
	_ =	sdelay $0x3  }
0x98: {  	_ =	strace s5  }
0x99: {  	_ =	strace $0x8FFFFFFF  }
0x9a: {  	s19 =	sld [smem:$0x3FDB];
	_ =	sdelay $0x1  }
0x9b: {  	s6 =	simm.s32 $_scs_section_size  }
0x9c: {  	s7 =	simm.s32 $_size__tile_overlayer_lowered;
	s8 =	simm.s32 $_tile_overlayer_lowered  }
0x9d: {  	s22 =	simm.s32 $0x1BFF;
	s21 =	sshll.u32 s8, $0x1;
	s5 =	sadd.s32 s6, s19  }
0x9e: {  	s9 =	simm.s32 $0x0;
	s20 =	sshll.u32 s7, $0x1;
	s7 =	sadd.s32 s21, s5  }
0x9f: {  	[timem:s9], [sflag:s22] =	dma.local [hbm:s7], s20  }
0xa0: {  	_ =	swait.ge [sflag:s22], s20  }
0xa1: {  	s6 =	ssub.s32 $0x0, s20;
	[sflag:s22] =	ssyncset.done $0x0  }
0xa2: {  	[sflag:s22] =	ssyncadd.s32 s6;
	_ =	sdelay $0x1  }
0xa3: {  	s23 =	simm.s32 $0x1B8B  }
0xa4: {  	_ =	swait.ge [sflag:s23], $0x1  }
0xa5: {  	[sflag:s23] =	ssyncset.done $0x0  }
0xa6: {  	s25 =	simm.s32 $0x1B8E;
	s24 =	sld [smem:$0x3FFE];
	[sflag:s23] =	ssyncadd.s32 $0xFFFFFFFF  }
0xa7: {  	s26 =	simm.s32 $execute0_lowered;
	[smem:$0x3FD2] =	sst s25  }
0xa8: {  	s7 =	sshll.u32 s26, $0x1;
	_ =	strace $0x80000046;
	[dreg:$0x1] =	wrdreg $0xFFFFFFFF  }
0xa9: {  	s28 =	simm.s32 $_size_execute0_lowered;
	s5 =	sadd.s32 s5, s7;
	[dreg:$0x0] =	wrdreg $0x0  }
0xaa: {  	s7 =	sshll.u32 s28, $0x1;
	[dreg:$0x2] =	wrdreg s5  }
0xab: {  	[dreg:$0x3] =	wrdreg s7  }
0xac: {  	[dreg:$0x4] =	wrdreg $0xC0  }
0xad: {  	_ =	task [dreg:s9], $0x5FFFF  }
0xae: {  	[dreg:$0x1] =	wrdreg $0xFFFFFFFF  }
0xaf: {  	[dreg:$0x0] =	wrdreg $0x60  }
0xb0: {  	[dreg:$0x2] =	wrdreg s4  }
0xb1: {  	[dreg:$0x3] =	wrdreg s2  }
0xb2: {  	[dreg:$0x4] =	wrdreg s18  }
0xb3: {  	[dreg:$0x5] =	wrdreg s24  }
0xb4: {  	[dreg:$0x6] =	wrdreg $0xA  }
0xb5: {  	_ =	task.clear_ibuf [dreg:s9], $0x7FFFF;
	_ =	strace $0x90000046  }
0xb6: {  	s29 =	simm.s32 $0xA;
	_ =	strace $0x80000048  }
0xb7: {  	_ =	swait.ge [sflag:s29], $0x1  }
0xb8: {  	[sflag:s29] =	ssyncadd.s32 $0xFFFFFFFF  }
0xb9: {  	_ =	strace $0x90000048  }
0xba: {  	_ =	sfence  }
0xbb: {  	s30 =	sld [smem:$0x0];
	_ =	sdelay $0x2  }
0xbc: {  	s31 =	sshll.u32 s1, $0xD;
	s1 =	sshrl.u32 s1, $0x2  }
0xbd: {  	s3 =	sand.u32 $0x4000, s31;
	s1 =	sadd.s32 s1, s30  }
0xbe: {  	s0 =	sor.u32 s3, s0;
	s1 =	sshll.u32 s1, $0x11  }
0xbf: {  	s0 =	sor.u32 s1, s0  }
0xc0: {  	s0 =	sadd.s32 $0x8F2B, s0  }
0xc1: {  	[sflag:s0] =	ssyncadd.remote.s32 $0x1  }
0xc2: {  	_ =	sfence.sel $0xFFFF  }
0xc3: {  	[dreg:$0x0] =	wrdreg $0xFFFFFFFF;
	(pc) =	sbr.abs _section_cstart, $3  }
0xc4: {  	[dreg:$0x1] =	wrdreg $0xFFFFFFFF  }
0xc5: {  	_ =	task.clear_ibuf [dreg:s9], $0x2FFFF;
	_ =	strace $0x9FFFFFFF  }
0xc6: {  	(tm) =	ssettm $0x7FFFFFFF  }
0xc7: {  	_ =	shalt  }
tec
execute0_lowered:
.L_overlay_start_1:
0x0: {  	(tag) =	ssettag $0x1  }
0x1: {  	s1 =	rddreg [dreg:$0x0]  }
0x2: {  	s8 =	rddreg [dreg:$0x1]  }
0x3: {  	s7 =	rddreg [dreg:$0x2]  }
0x4: {  	s4 =	rddreg [dreg:$0x3]  }
0x5: {  	s0 =	rddreg [dreg:$0x4]  }
0x6: {  	s2 =	stileid.u32;
	s6 =	srdreg.scid;
	s3 =	simm.s32 $0x0  }
0x7: {  	s13 =	simm.s32 $0x2900;
	s14 =	simm.s32 $0x1;
	s5 =	smul.u32 $0x4E200, s2  }
0x8: {  	s15 =	simm.s32 $0x2;
	s6 =	sand.u32 $0x1, s6;
	s9 =	smul.u32 $0x4E20, s2  }
0x9: {  	s16 =	simm.s32 $0x0;
	s10 =	ssub.s32 $0x2, s6;
	s11 =	smul.u32 $0x2710, s6  }
0xa: {  	[smem:$0x7FF] =	sst s3;
	s6 =	smul.u32 $0x27100, s6;
	s12 =	sshrl.u32 s10, $0x1  }
0xb: {  	_ =	strace $0x80000047;
	s5 =	sadd.s32 s5, s4;
	s31 =	ssub.s32 s10, s12  }
0xc: {  	s9 =	sadd.s32 s11, s9;
	s6 =	sadd.s32 s6, s5;
	s10 =	simm.s32 $0x80  }
0xd: {  	s11 =	simm.s32 $0x50;
	s12 =	simm.s32 $0x100;
	s4 =	smax.u32 s31, $0x1  }
0xe: {  	s9 =	sshrl.u32 s9, $0x3;
	s5 =	sadd.s32 $0xC200, s6;
	s6 =	sadd.s32 $0x4EE200, s6  }
0xf: {  	s7 =	sadd.s32 s9, s7;
	s8 =	sadd.s32 s9, s8;
	s9 =	simm.s32 $0x3  }
.LBB2_1:
0x10: {  	s17 =	sadd.s32 $0x0, s8  }
0x11: {  	[tilespmem:s3], [sflag:$0x3] =	stream.linear.gather [hbm4b:s17+s3], $0x50, $0x38;
	[tilespmem:$0x5100] =	vst v63  }
0x12: {  	_ =	swait.ge [sflag:s9], $0x50  }
0x13: {  	[sflag:s9] =	ssyncset.done $0x0  }
0x14: {  	s31 =	sadd.s32 $0x0, s7;
	[sflag:s9] =	ssyncadd.s32 $0xFFFFFFB0  }
0x15: {  	[tilespmem:s10], [sflag:$0x3] =	stream.linear.gather [hbm4b:s31+s3], $0x50, $0x38;
	[tilespmem:$0x5100] =	vst v63  }
0x16: {  	_ =	swait.ge [sflag:s9], $0x50  }
0x17: {  	[sflag:s9] =	ssyncset.done $0x0  }
0x18: {  	[sflag:s9] =	ssyncadd.s32 $0xFFFFFFB0  }
0x19: {  	[tilespmem:s12], [sflag:$0x1] =	stream.indirect.gather [hbm4b:s1+s11], $0x80, s3, s11, $0xb8;
	[tilespmem:$0x5100] =	vst v63  }
0x1a: {  	_ = 	snop  }
0x1b: {  	[tilespmem:s13], [sflag:$0x2] =	stream.indirect.gather [hbm4b:s1+s11], $0x80, s10, s11, $0xb8;
	[tilespmem:$0x5100] =	vst v63  }
0x1c: {  	_ =	swait.ge [sflag:s14], $0x2800  }
0x1d: {  	[sflag:s14] =	ssyncset.done $0x0  }
0x1e: {  	[sflag:s14] =	ssyncadd.s32 $0xFFFFD800  }
0x1f: {  	_ =	swait.ge [sflag:s15], $0x2800  }
0x20: {  	[sflag:s15] =	ssyncset.done $0x0  }
0x21: {  	[sflag:s15] =	ssyncadd.s32 $0xFFFFD800  }
0x22: {  	[hbm4b:s5+s3] =	stream.linear.scatter [tilespmem:s12], [sflag:$0x3], $0x2800, $0x38;
	[tilespmem:$0x5100] =	vst v63  }
0x23: {  	_ =	swait.ge [sflag:s9], $0x2800  }
0x24: {  	[sflag:s9] =	ssyncset.done $0x0  }
0x25: {  	[sflag:s9] =	ssyncadd.s32 $0xFFFFD800  }
0x26: {  	[hbm4b:s6+s3] =	stream.linear.scatter [tilespmem:s13], [sflag:$0x3], $0x2800, $0x38;
	[tilespmem:$0x5100] =	vst v63  }
0x27: {  	s19 =	simm.s32 $0xA;
	s20 =	simm.s32 $0x14;
	_ =	swait.ge [sflag:s9], $0x2800  }
0x28: {  	s18 =	sadd.s32 $0x500, s5;
	s17 =	sadd.s32 $0x500, s6;
	[sflag:s9] =	ssyncset.done $0x0  }
.LBB2_2:
0x29: {  	s21 =	sadd.s32 s19, s8  }
0x2a: {  	[sflag:s9] =	ssyncadd.s32 $0xFFFFD800;
	s22 =	smov.u32 s20;
	s23 =	sadd.s32 $0xA, s20  }
0x2b: {  	[tilespmem:s3], [sflag:$0x3] =	stream.linear.gather [hbm4b:s21+s3], $0x50, $0x38;
	[tilespmem:$0x5100] =	vst v63  }
0x2c: {  	p0 =	sne.s32 s20, $0x4D8;
	_ =	swait.ge [sflag:s9], $0x50  }
0x2d: {  	[sflag:s9] =	ssyncset.done $0x0  }
0x2e: {  	s20 =	sadd.s32 s19, s7;
	s19 =	smov.u32 s22;
	[sflag:s9] =	ssyncadd.s32 $0xFFFFFFB0  }
0x2f: {  	[tilespmem:s10], [sflag:$0x3] =	stream.linear.gather [hbm4b:s20+s3], $0x50, $0x38;
	[tilespmem:$0x5100] =	vst v63  }
0x30: {  	_ =	swait.ge [sflag:s9], $0x50  }
0x31: {  	[sflag:s9] =	ssyncset.done $0x0  }
0x32: {  	[sflag:s9] =	ssyncadd.s32 $0xFFFFFFB0  }
0x33: {  	[tilespmem:s12], [sflag:$0x1] =	stream.indirect.gather [hbm4b:s1+s11], $0x80, s3, s11, $0xb8;
	[tilespmem:$0x5100] =	vst v63  }
0x34: {  	_ = 	snop  }
0x35: {  	[tilespmem:s13], [sflag:$0x2] =	stream.indirect.gather [hbm4b:s1+s11], $0x80, s10, s11, $0xb8;
	[tilespmem:$0x5100] =	vst v63  }
0x36: {  	_ =	swait.ge [sflag:s14], $0x2800  }
0x37: {  	[sflag:s14] =	ssyncset.done $0x0  }
0x38: {  	[sflag:s14] =	ssyncadd.s32 $0xFFFFD800  }
0x39: {  	_ =	swait.ge [sflag:s15], $0x2800  }
0x3a: {  	[sflag:s15] =	ssyncset.done $0x0  }
0x3b: {  	[sflag:s15] =	ssyncadd.s32 $0xFFFFD800  }
0x3c: {  	[hbm4b:s18+s3] =	stream.linear.scatter [tilespmem:s12], [sflag:$0x3], $0x2800, $0x38;
	[tilespmem:$0x5100] =	vst v63  }
0x3d: {  	_ =	swait.ge [sflag:s9], $0x2800  }
.Ltmp0:
0x3e: {  	[sflag:s9] =	ssyncset.done $0x0;
	(pc) =	sbr.rel @p0 .LBB2_2-.Ltmp0, $4  }
0x3f: {  	[sflag:s9] =	ssyncadd.s32 $0xFFFFD800  }
0x40: {  	[hbm4b:s17+s3] =	stream.linear.scatter [tilespmem:s13], [sflag:$0x3], $0x2800, $0x38;
	[tilespmem:$0x5100] =	vst v63  }
0x41: {  	s20 =	smov.u32 s23;
	_ =	swait.ge [sflag:s9], $0x2800  }
0x42: {  	s18 =	sadd.s32 $0x500, s18;
	s17 =	sadd.s32 $0x500, s17;
	[sflag:s9] =	ssyncset.done $0x0  }
0x43: {  	s20 =	sadd.s32 s19, s8;
	[sflag:s9] =	ssyncadd.s32 $0xFFFFD800  }
0x44: {  	[tilespmem:s3], [sflag:$0x3] =	stream.linear.gather [hbm4b:s20+s3], $0x50, $0x38;
	[tilespmem:$0x5100] =	vst v63  }
0x45: {  	_ =	swait.ge [sflag:s9], $0x50  }
0x46: {  	[sflag:s9] =	ssyncset.done $0x0  }
0x47: {  	s31 =	sadd.s32 s19, s7;
	[sflag:s9] =	ssyncadd.s32 $0xFFFFFFB0  }
0x48: {  	[tilespmem:s10], [sflag:$0x3] =	stream.linear.gather [hbm4b:s31+s3], $0x50, $0x38;
	[tilespmem:$0x5100] =	vst v63  }
0x49: {  	_ =	swait.ge [sflag:s9], $0x50  }
0x4a: {  	[sflag:s9] =	ssyncset.done $0x0  }
0x4b: {  	[sflag:s9] =	ssyncadd.s32 $0xFFFFFFB0  }
0x4c: {  	[tilespmem:s12], [sflag:$0x1] =	stream.indirect.gather [hbm4b:s1+s11], $0x80, s3, s11, $0xb8;
	[tilespmem:$0x5100] =	vst v63  }
0x4d: {  	_ = 	snop  }
0x4e: {  	[tilespmem:s13], [sflag:$0x2] =	stream.indirect.gather [hbm4b:s1+s11], $0x80, s10, s11, $0xb8;
	[tilespmem:$0x5100] =	vst v63  }
0x4f: {  	_ =	swait.ge [sflag:s14], $0x2800  }
0x50: {  	[sflag:s14] =	ssyncset.done $0x0  }
0x51: {  	[sflag:s14] =	ssyncadd.s32 $0xFFFFD800  }
0x52: {  	_ =	swait.ge [sflag:s15], $0x2800  }
0x53: {  	[sflag:s15] =	ssyncset.done $0x0  }
0x54: {  	[sflag:s15] =	ssyncadd.s32 $0xFFFFD800  }
0x55: {  	[hbm4b:s18+s3] =	stream.linear.scatter [tilespmem:s12], [sflag:$0x3], $0x2800, $0x38;
	[tilespmem:$0x5100] =	vst v63  }
0x56: {  	s16 =	sadd.s32 $0x1, s16;
	_ =	swait.ge [sflag:s9], $0x2800  }
0x57: {  	p0 =	sne.s32 s16, s4;
	[sflag:s9] =	ssyncset.done $0x0  }
.Ltmp1:
0x58: {  	[sflag:s9] =	ssyncadd.s32 $0xFFFFD800;
	(pc) =	sbr.rel @p0 .LBB2_1-.Ltmp1, $4  }
0x59: {  	[hbm4b:s17+s3] =	stream.linear.scatter [tilespmem:s13], [sflag:$0x3], $0x2800, $0x38;
	[tilespmem:$0x5100] =	vst v63  }
0x5a: {  	_ =	swait.ge [sflag:s9], $0x2800  }
0x5b: {  	[sflag:s9] =	ssyncset.done $0x0  }
0x5c: {  	[sflag:s9] =	ssyncadd.s32 $0xFFFFD800  }
0x5d: {  	_ =	sfence.sel $0x180000  }
0x5e: {  	[bflag:$0x0] =	sbarrier.arrive $0xFFFF  }
0x5f: {  	p0 =	sne.s32 s2, $0x0;
	_ =	strace $0x90000047  }
0x60: {  	s0 =	sadd.s32 @!p0 $0x100000, s0;
	[bflag:$0x2] =	sbarrier.arrive $0xFFFF  }
0x61: {  	[sflag:s0] =	ssyncadd.tile.s32 @!p0 $0x1;
	_ =	shalt  }
.Lfunc_end2:
_tile_overlayer_lowered:
.L_overlay_start_2:
0x62: {  	(tag) =	ssettag $0x2  }
0x63: {  	s0 =	rddreg [dreg:$0x0];
	s2 =	stileid.u32  }
0x64: {  	s1 =	rddreg [dreg:$0x1];
	p0 =	sne.s32 s2, $0x0  }
0x65: {  	s3 =	rddreg [dreg:$0x2];
	[bflag:$0x3] =	sbarrier.arrive $0xFFFF;
	s2 =	simm.s32 @!p0 $0x1C03  }
0x66: {  	[timem:s3], [sflag:s2] =	dma.local @!p0 [hbm:s0], s1  }
0x67: {  	s0 =	simm.s32 @!p0 $0x3  }
0x68: {  	_ =	swait.ge @!p0 [sflag:s0], s1  }
0x69: {  	s1 =	ssub.s32 @!p0 $0x0, s1;
	[sflag:s0] =	ssyncset.done @!p0 $0x0  }
0x6a: {  	[sflag:s0] =	ssyncadd.s32 @!p0 s1  }
0x6b: {  	[bflag:$0x3] =	sbarrier.arrive $0xFFFF  }
0x6c: {  	_ =	shalt  }

// kernel: kernel.18.cloned.1.call-start
scs
__scs_entry_jumppad:
0x0: {  	(pc) =	sbr.rel $0x88, $3  }
0x1: {  	(tag) =	ssettag $0x0;
	lr =	simm.s32 $0x1  }
0x2: {  	[smem:$0x3F86] =	sst lr;
	_ =	strace $0xD0000000  }
0x3: {  	_ = 	snop  }
0x4: {  	_ = 	snop  }
0x5: {  	_ = 	snop  }
0x6: {  	_ = 	snop  }
0x7: {  	_ = 	snop  }
__scs_overlays_trampoline_lowered:
0x8: {  	[smem:$0x3F95] =	sst s0  }
0x9: {  	[smem:$0x3F96] =	sst s1  }
0xa: {  	[smem:$0x3F97] =	sst s2  }
0xb: {  	[smem:$0x3F98] =	sst s3  }
0xc: {  	[smem:$0x3F99] =	sst s4  }
0xd: {  	[smem:$0x3F9A] =	sst s5  }
0xe: {  	[smem:$0x3F9B] =	sst s6  }
0xf: {  	[smem:$0x3F9C] =	sst s7  }
0x10: {  	[smem:$0x3F9D] =	sst s8  }
0x11: {  	[smem:$0x3F9E] =	sst s9;
	s0 =	simm.s32 @!p0 $0x0  }
0x12: {  	s1 =	sld [smem:$0x3F84];
	s0 =	simm.s32 @p0 $0x1  }
0x13: {  	[smem:$0x3F9F] =	sst s0;
	s0 =	simm.s32 @!p1 $0x0  }
0x14: {  	s2 =	sld [smem:$0x3F83];
	s0 =	simm.s32 @p1 $0x1  }
0x15: {  	[smem:$0x3FA0] =	sst s0;
	s0 =	simm.s32 @!p2 $0x0  }
0x16: {  	s3 =	sld [smem:$0x3FDB];
	s0 =	simm.s32 @p2 $0x1  }
0x17: {  	s4 =	simm.s32 $0x1BF5;
	[smem:$0x3FA2] =	sst s0  }
0x18: {  	s0 =	sld [smem:$0x3F85];
	_ =	swait.ge [sflag:s4], $0x0  }
0x19: {  	s7 =	sld [smem:$0x3F86]  }
0x1a: {  	s8 =	sadd.s32 $0xFFFFE003, lr  }
0x1b: {  	s9 =	sadd.s32 $0xFFFFFEF7, lr;
	s5 =	simm.s32 $0xFFFFFFFF;
	p2 =	slt.u32 s8, $0xFFFFF086  }
0x1c: {  	p1 =	slt.u32 s9, $0xF7A;
	s5 =	simm.s32 @!p2 $0x0  }
0x1d: {  	s5 =	simm.s32 @p1 $0x1;
	p0 =	seq.s32 s7, s2  }
0x1e: {  	s7 =	smul.u32 @!p0 $0xF7A, s2;
	p2 =	seq.s32 @!p0 s5, $0x0  }
0x1f: {  	s9 =	smul.u32 $0xF7A, s1;
	s8 =	simm.s32 @!p0 $0x1BF5;
	p2 =	por !p2, p0  }
0x20: {  	[sflag:s8] =	ssyncset.s32 @!p0 $0xFFFFF086;
	s6 =	sadd.s32 @!p0 s3, s7;
	s7 =	simm.s32 @!p0 $0x108  }
0x21: {  	s3 =	sadd.s32 s3, s9;
	s6 =	sadd.s32 @!p0 $0x88, s6;
	s7 =	simm.s32 @p2 $0x1082  }
0x22: {  	[simem:s7], [sflag:s8] =	dma.local @!p0 [hbm:s6], $0xF7A  }
0x23: {  	s9 =	sor.u32 $0xD0000000, s2;
	s6 =	simm.s32 $0x108;
	_ =	swait.ge @!p0 [sflag:s8], $0x0  }
0x24: {  	s3 =	sadd.s32 $0x88, s3;
	s6 =	simm.s32 @!p1 $0x1082;
	[sflag:s4] =	ssyncset.s32 $0xFFFFF086  }
0x25: {  	[simem:s6], [sflag:s4] =	dma.local [hbm:s3], $0xF7A  }
0x26: {  	[smem:$0x3F86] =	sst s1;
	(tag) =	ssettag s2;
	_ =	strace s9  }
0x27: {  	s1 =	sld [smem:$0x3F96]  }
0x28: {  	s2 =	sld [smem:$0x3F97]  }
0x29: {  	s4 =	sld [smem:$0x3F99]  }
0x2a: {  	p0 =	seq.s32 s5, $0x0;
	s5 =	sld [smem:$0x3F9A]  }
0x2b: {  	s6 =	sld [smem:$0x3F9B]  }
0x2c: {  	s7 =	sld [smem:$0x3F9C]  }
0x2d: {  	s3 =	simm.s32 $0x108;
	s8 =	sld [smem:$0x3F9D]  }
0x2e: {  	s3 =	simm.s32 @!p0 $0x1082;
	s9 =	sld [smem:$0x3F9E]  }
0x2f: {  	lr =	sadd.s32 s0, s3;
	s0 =	sld [smem:$0x3F95]  }
0x30: {  	s3 =	sld [smem:$0x3F98]  }
0x31: {  	[smem:$0x3FA1] =	sst s10  }
0x32: {  	s10 =	sld [smem:$0x3F9F];
	_ =	sdelay $0x3  }
0x33: {  	p0 =	seq.s32 s10, $0x1;
	s10 =	sld [smem:$0x3FA1];
	_ =	sdelay $0x3  }
0x34: {  	[smem:$0x3FA1] =	sst s10  }
0x35: {  	s10 =	sld [smem:$0x3FA0];
	_ =	sdelay $0x3  }
0x36: {  	p1 =	seq.s32 s10, $0x1;
	s10 =	sld [smem:$0x3FA1];
	_ =	sdelay $0x3  }
0x37: {  	[smem:$0x3FA1] =	sst s10  }
0x38: {  	s10 =	sld [smem:$0x3FA2]  }
0x39: {  	_ = 	snop;
	(pc) =	sbr.ind lr, $3  }
0x3a: {  	_ = 	snop  }
0x3b: {  	_ = 	snop  }
0x3c: {  	p2 =	seq.s32 s10, $0x1;
	s10 =	sld [smem:$0x3FA1]  }
0x3d: {  	_ =	shalt  }
0x3e: {  	_ =	shalt  }
0x3f: {  	_ =	shalt  }
0x40: {  	_ =	shalt  }
0x41: {  	_ =	shalt  }
0x42: {  	_ =	shalt  }
0x43: {  	_ =	shalt  }
0x44: {  	_ =	shalt  }
0x45: {  	_ =	shalt  }
0x46: {  	_ =	shalt  }
0x47: {  	_ =	shalt  }
0x48: {  	_ =	shalt  }
0x49: {  	_ =	shalt  }
0x4a: {  	_ =	shalt  }
0x4b: {  	_ =	shalt  }
0x4c: {  	_ =	shalt  }
0x4d: {  	_ =	shalt  }
0x4e: {  	_ =	shalt  }
0x4f: {  	_ =	shalt  }
0x50: {  	_ =	shalt  }
0x51: {  	_ =	shalt  }
0x52: {  	_ =	shalt  }
0x53: {  	_ =	shalt  }
0x54: {  	_ =	shalt  }
0x55: {  	_ =	shalt  }
0x56: {  	_ =	shalt  }
0x57: {  	_ =	shalt  }
0x58: {  	_ =	shalt  }
0x59: {  	_ =	shalt  }
0x5a: {  	_ =	shalt  }
0x5b: {  	_ =	shalt  }
0x5c: {  	_ =	shalt  }
0x5d: {  	_ =	shalt  }
0x5e: {  	_ =	shalt  }
0x5f: {  	_ =	shalt  }
0x60: {  	_ =	shalt  }
0x61: {  	_ =	shalt  }
0x62: {  	_ =	shalt  }
0x63: {  	_ =	shalt  }
0x64: {  	_ =	shalt  }
0x65: {  	_ =	shalt  }
0x66: {  	_ =	shalt  }
0x67: {  	_ =	shalt  }
0x68: {  	_ =	shalt  }
0x69: {  	_ =	shalt  }
0x6a: {  	_ =	shalt  }
0x6b: {  	_ =	shalt  }
0x6c: {  	_ =	shalt  }
0x6d: {  	_ =	shalt  }
0x6e: {  	_ =	shalt  }
0x6f: {  	_ =	shalt  }
0x70: {  	_ =	shalt  }
0x71: {  	_ =	shalt  }
0x72: {  	_ =	shalt  }
0x73: {  	_ =	shalt  }
0x74: {  	_ =	shalt  }
0x75: {  	_ =	shalt  }
0x76: {  	_ =	shalt  }
0x77: {  	_ =	shalt  }
0x78: {  	_ =	shalt  }
0x79: {  	_ =	shalt  }
0x7a: {  	_ =	shalt  }
0x7b: {  	_ =	shalt  }
0x7c: {  	_ =	shalt  }
0x7d: {  	_ =	shalt  }
0x7e: {  	_ =	shalt  }
0x7f: {  	_ =	shalt  }
0x80: {  	_ =	shalt  }
0x81: {  	_ =	shalt  }
0x82: {  	_ =	shalt  }
0x83: {  	_ =	shalt  }
0x84: {  	_ =	shalt  }
0x85: {  	_ =	shalt  }
0x86: {  	_ =	shalt  }
0x87: {  	_ =	shalt  }
.Lfunc_end0:
.L_simem_size_0:
called_computation.2_lowered:
.L_overlay_start_0:
0x88: {  	s2 =	sld [smem:$0x3FD9]  }
0x89: {  	s3 =	sld [smem:$0x3FFE];
	_ =	sdelay $0x1  }
0x8a: {  	s1 =	srdreg.scid  }
0x8b: {  	s0 =	sand.u32 $0x1, s1  }
0x8c: {  	s17 =	sshll.u32 s0, $0xA;
	s2 =	sadd.s32 s3, s2  }
0x8d: {  	s2 =	sadd.s32 s2, s17  }
0x8e: {  	[smem:$0x3FAD] =	sst s2  }
0x8f: {  	_ = 	snop  }
0x90: {  	s18 =	sld [smem:$0x3FC8]  }
0x91: {  	s4 =	sld [smem:$0x3FC7];
	(tm) =	ssettm $0x1  }
0x92: {  	s19 =	sld [smem:$0x3FFB];
	_ =	sdelay $0x3  }
0x93: {  	_ =	strace s19  }
0x94: {  	s2 =	sld [smem:$0x3FFC];
	_ =	sdelay $0x3  }
0x95: {  	_ =	strace s2  }
0x96: {  	s2 =	sld [smem:$0x3FFD];
	_ =	sdelay $0x3  }
0x97: {  	_ =	strace s2  }
0x98: {  	_ =	strace $0x8FFFFFFF  }
0x99: {  	s20 =	sld [smem:$0x3FDB];
	_ =	sdelay $0x1  }
0x9a: {  	s5 =	simm.s32 $_scs_section_size  }
0x9b: {  	s6 =	simm.s32 $_size__tile_overlayer_lowered;
	s7 =	simm.s32 $_tile_overlayer_lowered  }
0x9c: {  	s8 =	simm.s32 $0x1BFF;
	s21 =	sshll.u32 s7, $0x1;
	s5 =	sadd.s32 s5, s20  }
0x9d: {  	s22 =	simm.s32 $0x0;
	s6 =	sshll.u32 s6, $0x1;
	s7 =	sadd.s32 s21, s5  }
0x9e: {  	[timem:s22], [sflag:s8] =	dma.local [hbm:s7], s6  }
0x9f: {  	_ =	swait.ge [sflag:s8], s6  }
0xa0: {  	s6 =	ssub.s32 $0x0, s6;
	[sflag:s8] =	ssyncset.done $0x0  }
0xa1: {  	[sflag:s8] =	ssyncadd.s32 s6;
	_ =	sdelay $0x1  }
0xa2: {  	s23 =	simm.s32 $0x1B8B  }
0xa3: {  	_ =	swait.ge [sflag:s23], $0x1  }
0xa4: {  	[sflag:s23] =	ssyncset.done $0x0  }
0xa5: {  	[sflag:s23] =	ssyncadd.s32 $0xFFFFFFFF  }
0xa6: {  	s6 =	sld [smem:$0x0]  }
0xa7: {  	s7 =	sand.u32 $0xFFFFFFFE, s1  }
0xa8: {  	p0 =	sne.s32 s1, s7  }
0xa9: {  	s7 =	sshll.u32 @p0 s7, $0xE  }
0xaa: {  	s7 =	sadd.s32 @p0 $0x11B8D, s7;
	s8 =	sshll.u32 @p0 s6, $0x11  }
0xab: {  	s7 =	sor.u32 @p0 s8, s7  }
0xac: {  	[sflag:s7] =	ssyncadd.remote.s32 @p0 $0x1;
	_ =	sdelay $0x1  }
0xad: {  	s7 =	simm.s32 @p0 $0x1B8D  }
0xae: {  	_ =	swait.eq @p0 [sflag:s7], $0x1  }
0xaf: {  	[sflag:s7] =	ssyncadd.s32 @p0 $0xFFFFFFFF  }
0xb0: {  	s8 =	sshll.u32 @!p0 s1, $0xE  }
0xb1: {  	s8 =	sor.u32 @!p0 $0x4000, s8;
	s7 =	simm.s32 @!p0 $0x1B8D  }
0xb2: {  	s6 =	sshll.u32 @!p0 s6, $0x11;
	s8 =	sadd.s32 @!p0 $0x11B8D, s8;
	_ =	swait.eq @!p0 [sflag:s7], $0x1  }
0xb3: {  	s6 =	sor.u32 @!p0 s6, s8;
	[sflag:s7] =	ssyncadd.s32 @!p0 $0xFFFFFFFF  }
0xb4: {  	s25 =	simm.s32 $0x1B8E;
	s24 =	sld [smem:$0x3FFE];
	[sflag:s6] =	ssyncadd.remote.s32 @!p0 $0x1  }
0xb5: {  	s26 =	simm.s32 $execute0_lowered;
	[smem:$0x3FD2] =	sst s25  }
0xb6: {  	s7 =	sshll.u32 s26, $0x1;
	_ =	strace $0x8000004C;
	[dreg:$0x1] =	wrdreg $0xFFFFFFFF  }
0xb7: {  	s28 =	simm.s32 $_size_execute0_lowered;
	s5 =	sadd.s32 s5, s7;
	[dreg:$0x0] =	wrdreg $0x0  }
0xb8: {  	s7 =	sshll.u32 s28, $0x1;
	[dreg:$0x2] =	wrdreg s5  }
0xb9: {  	[dreg:$0x3] =	wrdreg s7  }
0xba: {  	[dreg:$0x4] =	wrdreg $0xC0  }
0xbb: {  	_ =	task [dreg:s22], $0x5FFFF  }
0xbc: {  	[dreg:$0x1] =	wrdreg $0xFFFFFFFF  }
0xbd: {  	[dreg:$0x0] =	wrdreg $0x60  }
0xbe: {  	[dreg:$0x2] =	wrdreg s24  }
0xbf: {  	[dreg:$0x3] =	wrdreg s18  }
0xc0: {  	[dreg:$0x4] =	wrdreg s4  }
0xc1: {  	[dreg:$0x5] =	wrdreg $0x0  }
0xc2: {  	[dreg:$0x6] =	wrdreg $0xA  }
0xc3: {  	_ =	task.clear_ibuf [dreg:s22], $0x7FFFF;
	_ =	strace $0x9000004C  }
0xc4: {  	s29 =	simm.s32 $0xA;
	_ =	strace $0x8000004E  }
0xc5: {  	_ =	swait.ge [sflag:s29], $0x1  }
0xc6: {  	[sflag:s29] =	ssyncadd.s32 $0xFFFFFFFF  }
0xc7: {  	_ =	strace $0x9000004E  }
0xc8: {  	_ =	sfence  }
0xc9: {  	s30 =	sld [smem:$0x0];
	_ =	sdelay $0x2  }
0xca: {  	s31 =	sshll.u32 s1, $0xD;
	s1 =	sshrl.u32 s1, $0x2  }
0xcb: {  	s4 =	sand.u32 $0x4000, s31;
	s1 =	sadd.s32 s1, s30  }
0xcc: {  	s0 =	sor.u32 s4, s0;
	s1 =	sshll.u32 s1, $0x11  }
0xcd: {  	s0 =	sor.u32 s1, s0  }
0xce: {  	s0 =	sadd.s32 $0x8F2B, s0  }
0xcf: {  	[sflag:s0] =	ssyncadd.remote.s32 $0x1  }
0xd0: {  	_ =	sfence.sel $0xFFFF  }
0xd1: {  	[dreg:$0x0] =	wrdreg $0xFFFFFFFF;
	(pc) =	sbr.abs _section_cstart, $3  }
0xd2: {  	[dreg:$0x1] =	wrdreg $0xFFFFFFFF  }
0xd3: {  	_ =	task.clear_ibuf [dreg:s22], $0x2FFFF;
	_ =	strace $0x9FFFFFFF  }
0xd4: {  	(tm) =	ssettm $0x7FFFFFFF  }
0xd5: {  	_ =	shalt  }
tec
execute0_lowered:
.L_overlay_start_1:
0x0: {  	(tag) =	ssettag $0x1  }
0x1: {  	s6 =	rddreg [dreg:$0x0]  }
0x2: {  	s11 =	rddreg [dreg:$0x1]  }
0x3: {  	s13 =	rddreg [dreg:$0x2]  }
0x4: {  	s2 =	rddreg [dreg:$0x3]  }
0x5: {  	s0 =	rddreg [dreg:$0x4];
	s3 =	simm.s32 $0x0;
	s1 =	stileid.u32  }
0x6: {  	s7 =	srdreg.scid;
	s16 =	simm.s32 $0x14000;
	s5 =	smul.u32 $0x4E200, s1  }
0x7: {  	s17 =	simm.s32 $0x14080;
	s18 =	simm.s32 $0x50;
	s4 =	smul.u32 $0x2800, s1  }
0x8: {  	s19 =	simm.s32 $0x0;
	[smem:$0x7FF] =	sst s3;
	s29 =	smul.u32 $0x50000, s1  }
0x9: {  	s9 =	sand.u32 $0x1, s7;
	s15 =	sshll.u32 s1, $0x6;
	s31 =	smul.u32 $0x9C4, s1  }
0xa: {  	_ =	strace $0x8000004D;
	s10 =	ssub.s32 $0x2, s9;
	p0 =	seq.s32 s9, $0x1  }
0xb: {  	s12 =	sadd.s32 s5, s6;
	s8 =	sadd.s32 s4, s6;
	s5 =	sadd.s32 $0xC200, s6  }
.Ltmp0:
0xc: {  	s6 =	sadd.s32 $0x34200, s6;
	s14 =	sshrl.u32 s10, $0x1;
	(pc) =	sbr.rel .LBB2_1-.Ltmp0, $4  }
0xd: {  	s7 =	sshrl.u32 s29, $0x2;
	s11 =	sadd.s32 s31, s11;
	s13 =	sadd.s32 s31, s13  }
0xe: {  	s10 =	ssub.s32 s10, s14;
	s30 =	sadd.s32 s7, s2;
	s7 =	sadd.s32 $0x9D0800, s8  }
0xf: {  	s8 =	sor.u32 $0x1C01, s15;
	s15 =	simm.s32 $0x1;
	s9 =	smax.u32 s10, $0x1  }
0x10: {  	s10 =	sadd.s32 $0xA4CA00, s12;
	s12 =	sadd.s32 $0xF2EA00, s12;
	s14 =	sshrl.u32 s30, $0x3  }
.LBB2_7:
0x11: {  	s21 =	sadd.s32 s21, s13;
	[sflag:s15] =	ssyncadd.s32 $0xFFFFD800  }
0x12: {  	[tilespmem:s16], [sflag:$0x1] =	stream.linear.gather [hbm4b:s21+s3], $0x50, $0x38;
	[tilespmem:$0x16880] =	vst v63  }
0x13: {  	_ =	swait.ge [sflag:s15], $0x50  }
0x14: {  	[sflag:s15] =	ssyncset.done $0x0  }
0x15: {  	[sflag:s15] =	ssyncadd.s32 $0xFFFFFFB0  }
0x16: {  	[tilespmem:s17], [sflag:$0x1] =	stream.linear.gather [hbm4b:s20+s3], $0x2800, $0x38;
	[tilespmem:$0x16880] =	vst v63  }
0x17: {  	_ =	swait.ge [sflag:s15], $0x2800  }
0x18: {  	[sflag:s15] =	ssyncset.done $0x0  }
0x19: {  	[sflag:s15] =	ssyncadd.s32 $0xFFFFD800  }
0x1a: {  	[spmem:s2] =	stream.indirect.scatter.add.f32 [tilespmem:s17], [sflag:$0x1], $0x80, s16, s18, $0xb8;
	[tilespmem:$0x16880] =	vst v63  }
0x1b: {  	_ =	swait.ge [sflag:s15], $0x2800  }
0x1c: {  	[sflag:s15] =	ssyncset.done $0x0  }
0x1d: {  	s20 =	smov.u32 s6;
	[sflag:s15] =	ssyncadd.s32 $0xFFFFD800  }
.LBB2_8:
0x1e: {  	s19 =	sadd.s32 $0x1, s19  }
0x1f: {  	p1 =	sne.s32 s19, s9  }
.Ltmp1:
0x20: {  	s20 =	sadd.s32 s20, s4;
	[bflag:$0x0] =	sbarrier.arrive $0xFFFF;
	(pc) =	sbr.rel @!p1 .LBB2_9-.Ltmp1, $4  }
0x21: {  	[hbm:s20], [sflag:s8] =	dma.local [spmem:s14], $0x2800  }
0x22: {  	_ =	swait.ge [sflag:s15], $0x2800  }
0x23: {  	[sflag:s15] =	ssyncset.done $0x0  }
0x24: {  	[sflag:s15] =	ssyncadd.s32 $0xFFFFD800  }
.LBB2_1:
0x25: {  	[spmem:s14], [sflag:s8] =	dma.local [hbm:s7], $0x2800  }
.Ltmp2:
0x26: {  	_ =	swait.ge [sflag:s15], $0x2800;
	(pc) =	sbr.rel @!p0 .LBB2_2-.Ltmp2, $3  }
0x27: {  	[sflag:s15] =	ssyncset.done $0x0  }
0x28: {  	[sflag:s15] =	ssyncadd.s32 $0xFFFFD800  }
0x29: {  	[bflag:$0x0] =	sbarrier.arrive $0xFFFF;
	_ =	sdelay $0x1  }
0x2a: {  	s20 =	sadd.s32 $0x0, s13  }
0x2b: {  	[tilespmem:s16], [sflag:$0x1] =	stream.linear.gather [hbm4b:s20+s3], $0x50, $0x38;
	[tilespmem:$0x16880] =	vst v63  }
0x2c: {  	_ =	swait.ge [sflag:s15], $0x50  }
0x2d: {  	[sflag:s15] =	ssyncset.done $0x0  }
0x2e: {  	[sflag:s15] =	ssyncadd.s32 $0xFFFFFFB0  }
0x2f: {  	[tilespmem:s17], [sflag:$0x1] =	stream.linear.gather [hbm4b:s12+s3], $0x2800, $0x38;
	[tilespmem:$0x16880] =	vst v63  }
0x30: {  	_ =	swait.ge [sflag:s15], $0x2800  }
0x31: {  	[sflag:s15] =	ssyncset.done $0x0  }
0x32: {  	[sflag:s15] =	ssyncadd.s32 $0xFFFFD800  }
0x33: {  	[spmem:s2] =	stream.indirect.scatter.add.f32 [tilespmem:s17], [sflag:$0x1], $0x80, s16, s18, $0xb8;
	[tilespmem:$0x16880] =	vst v63  }
0x34: {  	s21 =	simm.s32 $0xA;
	_ =	swait.ge [sflag:s15], $0x2800  }
0x35: {  	s22 =	simm.s32 $0x14;
	s20 =	sadd.s32 $0x500, s12;
	[sflag:s15] =	ssyncset.done $0x0  }
.LBB2_6:
0x36: {  	s23 =	sadd.s32 s21, s13  }
0x37: {  	[sflag:s15] =	ssyncadd.s32 $0xFFFFD800;
	s21 =	smov.u32 s22;
	s24 =	sadd.s32 $0xA, s22  }
0x38: {  	[tilespmem:s16], [sflag:$0x1] =	stream.linear.gather [hbm4b:s23+s3], $0x50, $0x38;
	[tilespmem:$0x16880] =	vst v63  }
0x39: {  	p1 =	sne.s32 s22, $0x9BA;
	_ =	swait.ge [sflag:s15], $0x50  }
0x3a: {  	[sflag:s15] =	ssyncset.done $0x0  }
0x3b: {  	[sflag:s15] =	ssyncadd.s32 $0xFFFFFFB0  }
0x3c: {  	[tilespmem:s17], [sflag:$0x1] =	stream.linear.gather [hbm4b:s20+s3], $0x2800, $0x38;
	[tilespmem:$0x16880] =	vst v63  }
0x3d: {  	_ =	swait.ge [sflag:s15], $0x2800  }
.Ltmp3:
0x3e: {  	[sflag:s15] =	ssyncset.done $0x0;
	(pc) =	sbr.rel @p1 .LBB2_6-.Ltmp3, $4  }
0x3f: {  	[sflag:s15] =	ssyncadd.s32 $0xFFFFD800  }
0x40: {  	[spmem:s2] =	stream.indirect.scatter.add.f32 [tilespmem:s17], [sflag:$0x1], $0x80, s16, s18, $0xb8;
	[tilespmem:$0x16880] =	vst v63  }
0x41: {  	_ =	swait.ge [sflag:s15], $0x2800  }
0x42: {  	s22 =	smov.u32 s24;
	s20 =	sadd.s32 $0x500, s20;
	[sflag:s15] =	ssyncset.done $0x0  }
.Ltmp4:
0x43: {  	_ = 	snop;
	(pc) =	sbr.rel .LBB2_7-.Ltmp4, $1  }
0x44: {  	_ =	sdelay $0x3  }
.LBB2_2:
0x45: {  	s20 =	sadd.s32 $0x0, s11  }
0x46: {  	[tilespmem:s16], [sflag:$0x1] =	stream.linear.gather [hbm4b:s20+s3], $0x50, $0x38;
	[tilespmem:$0x16880] =	vst v63  }
0x47: {  	_ =	swait.ge [sflag:s15], $0x50  }
0x48: {  	[sflag:s15] =	ssyncset.done $0x0  }
0x49: {  	[sflag:s15] =	ssyncadd.s32 $0xFFFFFFB0  }
0x4a: {  	[tilespmem:s17], [sflag:$0x1] =	stream.linear.gather [hbm4b:s10+s3], $0x2800, $0x38;
	[tilespmem:$0x16880] =	vst v63  }
0x4b: {  	_ =	swait.ge [sflag:s15], $0x2800  }
0x4c: {  	[sflag:s15] =	ssyncset.done $0x0  }
0x4d: {  	[sflag:s15] =	ssyncadd.s32 $0xFFFFD800  }
0x4e: {  	[spmem:s2] =	stream.indirect.scatter.add.f32 [tilespmem:s17], [sflag:$0x1], $0x80, s16, s18, $0xb8;
	[tilespmem:$0x16880] =	vst v63  }
0x4f: {  	s21 =	simm.s32 $0xA;
	_ =	swait.ge [sflag:s15], $0x2800  }
0x50: {  	s22 =	simm.s32 $0x14;
	s20 =	sadd.s32 $0x500, s10;
	[sflag:s15] =	ssyncset.done $0x0  }
.LBB2_3:
0x51: {  	s23 =	sadd.s32 s21, s11  }
0x52: {  	[sflag:s15] =	ssyncadd.s32 $0xFFFFD800;
	s21 =	smov.u32 s22;
	s24 =	sadd.s32 $0xA, s22  }
0x53: {  	[tilespmem:s16], [sflag:$0x1] =	stream.linear.gather [hbm4b:s23+s3], $0x50, $0x38;
	[tilespmem:$0x16880] =	vst v63  }
0x54: {  	p1 =	seq.s32 s22, $0x9BA;
	_ =	swait.ge [sflag:s15], $0x50  }
0x55: {  	[sflag:s15] =	ssyncset.done $0x0  }
0x56: {  	[sflag:s15] =	ssyncadd.s32 $0xFFFFFFB0  }
0x57: {  	[tilespmem:s17], [sflag:$0x1] =	stream.linear.gather [hbm4b:s20+s3], $0x2800, $0x38;
	[tilespmem:$0x16880] =	vst v63  }
0x58: {  	_ =	swait.ge [sflag:s15], $0x2800  }
.Ltmp5:
0x59: {  	[sflag:s15] =	ssyncset.done $0x0;
	(pc) =	sbr.rel @!p1 .LBB2_3-.Ltmp5, $4  }
0x5a: {  	[sflag:s15] =	ssyncadd.s32 $0xFFFFD800  }
0x5b: {  	[spmem:s2] =	stream.indirect.scatter.add.f32 [tilespmem:s17], [sflag:$0x1], $0x80, s16, s18, $0xb8;
	[tilespmem:$0x16880] =	vst v63  }
0x5c: {  	_ =	swait.ge [sflag:s15], $0x2800  }
0x5d: {  	s22 =	smov.u32 s24;
	s20 =	sadd.s32 $0x500, s20;
	[sflag:s15] =	ssyncset.done $0x0  }
0x5e: {  	s21 =	sadd.s32 s21, s11;
	[sflag:s15] =	ssyncadd.s32 $0xFFFFD800  }
0x5f: {  	[tilespmem:s16], [sflag:$0x1] =	stream.linear.gather [hbm4b:s21+s3], $0x50, $0x38;
	[tilespmem:$0x16880] =	vst v63  }
0x60: {  	_ =	swait.ge [sflag:s15], $0x50  }
0x61: {  	[sflag:s15] =	ssyncset.done $0x0  }
0x62: {  	[sflag:s15] =	ssyncadd.s32 $0xFFFFFFB0  }
0x63: {  	[tilespmem:s17], [sflag:$0x1] =	stream.linear.gather [hbm4b:s20+s3], $0x2800, $0x38;
	[tilespmem:$0x16880] =	vst v63  }
0x64: {  	_ =	swait.ge [sflag:s15], $0x2800  }
0x65: {  	[sflag:s15] =	ssyncset.done $0x0  }
.Ltmp6:
0x66: {  	[sflag:s15] =	ssyncadd.s32 $0xFFFFD800;
	(pc) =	sbr.rel .LBB2_8-.Ltmp6, $4  }
0x67: {  	[spmem:s2] =	stream.indirect.scatter.add.f32 [tilespmem:s17], [sflag:$0x1], $0x80, s16, s18, $0xb8;
	[tilespmem:$0x16880] =	vst v63  }
0x68: {  	_ =	swait.ge [sflag:s15], $0x2800  }
0x69: {  	[sflag:s15] =	ssyncset.done $0x0  }
0x6a: {  	s20 =	smov.u32 s5;
	[sflag:s15] =	ssyncadd.s32 $0xFFFFD800  }
.LBB2_9:
0x6b: {  	_ =	sfence.sel $0x180000  }
0x6c: {  	[bflag:$0x0] =	sbarrier.arrive $0xFFFF  }
0x6d: {  	p0 =	sne.s32 s1, $0x0;
	_ =	strace $0x9000004D  }
0x6e: {  	s0 =	sadd.s32 @!p0 $0x100000, s0;
	[bflag:$0x2] =	sbarrier.arrive $0xFFFF  }
0x6f: {  	[sflag:s0] =	ssyncadd.tile.s32 @!p0 $0x1;
	_ =	shalt  }
.Lfunc_end2:
_tile_overlayer_lowered:
.L_overlay_start_2:
0x70: {  	(tag) =	ssettag $0x2  }
0x71: {  	s0 =	rddreg [dreg:$0x0];
	s2 =	stileid.u32  }
0x72: {  	s1 =	rddreg [dreg:$0x1];
	p0 =	sne.s32 s2, $0x0  }
0x73: {  	s3 =	rddreg [dreg:$0x2];
	[bflag:$0x3] =	sbarrier.arrive $0xFFFF;
	s2 =	simm.s32 @!p0 $0x1C01  }
0x74: {  	[timem:s3], [sflag:s2] =	dma.local @!p0 [hbm:s0], s1  }
0x75: {  	s0 =	simm.s32 @!p0 $0x1  }
0x76: {  	_ =	swait.ge @!p0 [sflag:s0], s1  }
0x77: {  	s1 =	ssub.s32 @!p0 $0x0, s1;
	[sflag:s0] =	ssyncset.done @!p0 $0x0  }
0x78: {  	[sflag:s0] =	ssyncadd.s32 @!p0 s1  }
0x79: {  	[bflag:$0x3] =	sbarrier.arrive $0xFFFF  }
0x7a: {  	_ =	shalt  }

// kernel: kernel.21.cloned.1.call-start
scs
__scs_entry_jumppad:
0x0: {  	(pc) =	sbr.rel $0x88, $3  }
0x1: {  	(tag) =	ssettag $0x0;
	lr =	simm.s32 $0x1  }
0x2: {  	[smem:$0x3F86] =	sst lr;
	_ =	strace $0xD0000000  }
0x3: {  	_ = 	snop  }
0x4: {  	_ = 	snop  }
0x5: {  	_ = 	snop  }
0x6: {  	_ = 	snop  }
0x7: {  	_ = 	snop  }
__scs_overlays_trampoline_lowered:
0x8: {  	[smem:$0x3F95] =	sst s0  }
0x9: {  	[smem:$0x3F96] =	sst s1  }
0xa: {  	[smem:$0x3F97] =	sst s2  }
0xb: {  	[smem:$0x3F98] =	sst s3  }
0xc: {  	[smem:$0x3F99] =	sst s4  }
0xd: {  	[smem:$0x3F9A] =	sst s5  }
0xe: {  	[smem:$0x3F9B] =	sst s6  }
0xf: {  	[smem:$0x3F9C] =	sst s7  }
0x10: {  	[smem:$0x3F9D] =	sst s8  }
0x11: {  	[smem:$0x3F9E] =	sst s9;
	s0 =	simm.s32 @!p0 $0x0  }
0x12: {  	s1 =	sld [smem:$0x3F84];
	s0 =	simm.s32 @p0 $0x1  }
0x13: {  	[smem:$0x3F9F] =	sst s0;
	s0 =	simm.s32 @!p1 $0x0  }
0x14: {  	s2 =	sld [smem:$0x3F83];
	s0 =	simm.s32 @p1 $0x1  }
0x15: {  	[smem:$0x3FA0] =	sst s0;
	s0 =	simm.s32 @!p2 $0x0  }
0x16: {  	s3 =	sld [smem:$0x3FDB];
	s0 =	simm.s32 @p2 $0x1  }
0x17: {  	s4 =	simm.s32 $0x1BF5;
	[smem:$0x3FA2] =	sst s0  }
0x18: {  	s0 =	sld [smem:$0x3F85];
	_ =	swait.ge [sflag:s4], $0x0  }
0x19: {  	s7 =	sld [smem:$0x3F86]  }
0x1a: {  	s8 =	sadd.s32 $0xFFFFE003, lr  }
0x1b: {  	s9 =	sadd.s32 $0xFFFFFEF7, lr;
	s5 =	simm.s32 $0xFFFFFFFF;
	p2 =	slt.u32 s8, $0xFFFFF086  }
0x1c: {  	p1 =	slt.u32 s9, $0xF7A;
	s5 =	simm.s32 @!p2 $0x0  }
0x1d: {  	s5 =	simm.s32 @p1 $0x1;
	p0 =	seq.s32 s7, s2  }
0x1e: {  	s7 =	smul.u32 @!p0 $0xF7A, s2;
	p2 =	seq.s32 @!p0 s5, $0x0  }
0x1f: {  	s9 =	smul.u32 $0xF7A, s1;
	s8 =	simm.s32 @!p0 $0x1BF5;
	p2 =	por !p2, p0  }
0x20: {  	[sflag:s8] =	ssyncset.s32 @!p0 $0xFFFFF086;
	s6 =	sadd.s32 @!p0 s3, s7;
	s7 =	simm.s32 @!p0 $0x108  }
0x21: {  	s3 =	sadd.s32 s3, s9;
	s6 =	sadd.s32 @!p0 $0x88, s6;
	s7 =	simm.s32 @p2 $0x1082  }
0x22: {  	[simem:s7], [sflag:s8] =	dma.local @!p0 [hbm:s6], $0xF7A  }
0x23: {  	s9 =	sor.u32 $0xD0000000, s2;
	s6 =	simm.s32 $0x108;
	_ =	swait.ge @!p0 [sflag:s8], $0x0  }
0x24: {  	s3 =	sadd.s32 $0x88, s3;
	s6 =	simm.s32 @!p1 $0x1082;
	[sflag:s4] =	ssyncset.s32 $0xFFFFF086  }
0x25: {  	[simem:s6], [sflag:s4] =	dma.local [hbm:s3], $0xF7A  }
0x26: {  	[smem:$0x3F86] =	sst s1;
	(tag) =	ssettag s2;
	_ =	strace s9  }
0x27: {  	s1 =	sld [smem:$0x3F96]  }
0x28: {  	s2 =	sld [smem:$0x3F97]  }
0x29: {  	s4 =	sld [smem:$0x3F99]  }
0x2a: {  	p0 =	seq.s32 s5, $0x0;
	s5 =	sld [smem:$0x3F9A]  }
0x2b: {  	s6 =	sld [smem:$0x3F9B]  }
0x2c: {  	s7 =	sld [smem:$0x3F9C]  }
0x2d: {  	s3 =	simm.s32 $0x108;
	s8 =	sld [smem:$0x3F9D]  }
0x2e: {  	s3 =	simm.s32 @!p0 $0x1082;
	s9 =	sld [smem:$0x3F9E]  }
0x2f: {  	lr =	sadd.s32 s0, s3;
	s0 =	sld [smem:$0x3F95]  }
0x30: {  	s3 =	sld [smem:$0x3F98]  }
0x31: {  	[smem:$0x3FA1] =	sst s10  }
0x32: {  	s10 =	sld [smem:$0x3F9F];
	_ =	sdelay $0x3  }
0x33: {  	p0 =	seq.s32 s10, $0x1;
	s10 =	sld [smem:$0x3FA1];
	_ =	sdelay $0x3  }
0x34: {  	[smem:$0x3FA1] =	sst s10  }
0x35: {  	s10 =	sld [smem:$0x3FA0];
	_ =	sdelay $0x3  }
0x36: {  	p1 =	seq.s32 s10, $0x1;
	s10 =	sld [smem:$0x3FA1];
	_ =	sdelay $0x3  }
0x37: {  	[smem:$0x3FA1] =	sst s10  }
0x38: {  	s10 =	sld [smem:$0x3FA2]  }
0x39: {  	_ = 	snop;
	(pc) =	sbr.ind lr, $3  }
0x3a: {  	_ = 	snop  }
0x3b: {  	_ = 	snop  }
0x3c: {  	p2 =	seq.s32 s10, $0x1;
	s10 =	sld [smem:$0x3FA1]  }
0x3d: {  	_ =	shalt  }
0x3e: {  	_ =	shalt  }
0x3f: {  	_ =	shalt  }
0x40: {  	_ =	shalt  }
0x41: {  	_ =	shalt  }
0x42: {  	_ =	shalt  }
0x43: {  	_ =	shalt  }
0x44: {  	_ =	shalt  }
0x45: {  	_ =	shalt  }
0x46: {  	_ =	shalt  }
0x47: {  	_ =	shalt  }
0x48: {  	_ =	shalt  }
0x49: {  	_ =	shalt  }
0x4a: {  	_ =	shalt  }
0x4b: {  	_ =	shalt  }
0x4c: {  	_ =	shalt  }
0x4d: {  	_ =	shalt  }
0x4e: {  	_ =	shalt  }
0x4f: {  	_ =	shalt  }
0x50: {  	_ =	shalt  }
0x51: {  	_ =	shalt  }
0x52: {  	_ =	shalt  }
0x53: {  	_ =	shalt  }
0x54: {  	_ =	shalt  }
0x55: {  	_ =	shalt  }
0x56: {  	_ =	shalt  }
0x57: {  	_ =	shalt  }
0x58: {  	_ =	shalt  }
0x59: {  	_ =	shalt  }
0x5a: {  	_ =	shalt  }
0x5b: {  	_ =	shalt  }
0x5c: {  	_ =	shalt  }
0x5d: {  	_ =	shalt  }
0x5e: {  	_ =	shalt  }
0x5f: {  	_ =	shalt  }
0x60: {  	_ =	shalt  }
0x61: {  	_ =	shalt  }
0x62: {  	_ =	shalt  }
0x63: {  	_ =	shalt  }
0x64: {  	_ =	shalt  }
0x65: {  	_ =	shalt  }
0x66: {  	_ =	shalt  }
0x67: {  	_ =	shalt  }
0x68: {  	_ =	shalt  }
0x69: {  	_ =	shalt  }
0x6a: {  	_ =	shalt  }
0x6b: {  	_ =	shalt  }
0x6c: {  	_ =	shalt  }
0x6d: {  	_ =	shalt  }
0x6e: {  	_ =	shalt  }
0x6f: {  	_ =	shalt  }
0x70: {  	_ =	shalt  }
0x71: {  	_ =	shalt  }
0x72: {  	_ =	shalt  }
0x73: {  	_ =	shalt  }
0x74: {  	_ =	shalt  }
0x75: {  	_ =	shalt  }
0x76: {  	_ =	shalt  }
0x77: {  	_ =	shalt  }
0x78: {  	_ =	shalt  }
0x79: {  	_ =	shalt  }
0x7a: {  	_ =	shalt  }
0x7b: {  	_ =	shalt  }
0x7c: {  	_ =	shalt  }
0x7d: {  	_ =	shalt  }
0x7e: {  	_ =	shalt  }
0x7f: {  	_ =	shalt  }
0x80: {  	_ =	shalt  }
0x81: {  	_ =	shalt  }
0x82: {  	_ =	shalt  }
0x83: {  	_ =	shalt  }
0x84: {  	_ =	shalt  }
0x85: {  	_ =	shalt  }
0x86: {  	_ =	shalt  }
0x87: {  	_ =	shalt  }
.Lfunc_end0:
.L_simem_size_0:
called_computation.3_lowered:
.L_overlay_start_0:
0x88: {  	s2 =	sld [smem:$0x3FD9]  }
0x89: {  	s3 =	sld [smem:$0x3FFE];
	_ =	sdelay $0x1  }
0x8a: {  	s1 =	srdreg.scid  }
0x8b: {  	s0 =	sand.u32 $0x1, s1  }
0x8c: {  	s17 =	sshll.u32 s0, $0xA;
	s2 =	sadd.s32 s3, s2  }
0x8d: {  	s2 =	sadd.s32 s2, s17  }
0x8e: {  	[smem:$0x3FAD] =	sst s2  }
0x8f: {  	_ = 	snop  }
0x90: {  	s2 =	sld [smem:$0x3FC8]  }
0x91: {  	s18 =	sld [smem:$0x3FC7]  }
0x92: {  	s4 =	sld [smem:$0x3FD0];
	(tm) =	ssettm $0x1  }
0x93: {  	s5 =	sld [smem:$0x3FFB];
	_ =	sdelay $0x3  }
0x94: {  	_ =	strace s5  }
0x95: {  	s5 =	sld [smem:$0x3FFC];
	_ =	sdelay $0x3  }
0x96: {  	_ =	strace s5  }
0x97: {  	s5 =	sld [smem:$0x3FFD];
	_ =	sdelay $0x3  }
0x98: {  	_ =	strace s5  }
0x99: {  	_ =	strace $0x8FFFFFFF  }
0x9a: {  	s19 =	sld [smem:$0x3FDB];
	_ =	sdelay $0x1  }
0x9b: {  	s6 =	simm.s32 $_scs_section_size  }
0x9c: {  	s7 =	simm.s32 $_size__tile_overlayer_lowered;
	s8 =	simm.s32 $_tile_overlayer_lowered  }
0x9d: {  	s22 =	simm.s32 $0x1BFF;
	s21 =	sshll.u32 s8, $0x1;
	s5 =	sadd.s32 s6, s19  }
0x9e: {  	s9 =	simm.s32 $0x0;
	s20 =	sshll.u32 s7, $0x1;
	s7 =	sadd.s32 s21, s5  }
0x9f: {  	[timem:s9], [sflag:s22] =	dma.local [hbm:s7], s20  }
0xa0: {  	_ =	swait.ge [sflag:s22], s20  }
0xa1: {  	s6 =	ssub.s32 $0x0, s20;
	[sflag:s22] =	ssyncset.done $0x0  }
0xa2: {  	[sflag:s22] =	ssyncadd.s32 s6;
	_ =	sdelay $0x1  }
0xa3: {  	s23 =	simm.s32 $0x1B8B  }
0xa4: {  	_ =	swait.ge [sflag:s23], $0x1  }
0xa5: {  	[sflag:s23] =	ssyncset.done $0x0  }
0xa6: {  	s25 =	simm.s32 $0x1B8E;
	s24 =	sld [smem:$0x3FFE];
	[sflag:s23] =	ssyncadd.s32 $0xFFFFFFFF  }
0xa7: {  	s26 =	simm.s32 $execute0_lowered;
	[smem:$0x3FD2] =	sst s25  }
0xa8: {  	s7 =	sshll.u32 s26, $0x1;
	_ =	strace $0x8000004F;
	[dreg:$0x1] =	wrdreg $0xFFFFFFFF  }
0xa9: {  	s28 =	simm.s32 $_size_execute0_lowered;
	s5 =	sadd.s32 s5, s7;
	[dreg:$0x0] =	wrdreg $0x0  }
0xaa: {  	s7 =	sshll.u32 s28, $0x1;
	[dreg:$0x2] =	wrdreg s5  }
0xab: {  	[dreg:$0x3] =	wrdreg s7  }
0xac: {  	[dreg:$0x4] =	wrdreg $0xC0  }
0xad: {  	_ =	task [dreg:s9], $0x5FFFF  }
0xae: {  	[dreg:$0x1] =	wrdreg $0xFFFFFFFF  }
0xaf: {  	[dreg:$0x0] =	wrdreg $0x60  }
0xb0: {  	[dreg:$0x2] =	wrdreg s4  }
0xb1: {  	[dreg:$0x3] =	wrdreg s2  }
0xb2: {  	[dreg:$0x4] =	wrdreg s18  }
0xb3: {  	[dreg:$0x5] =	wrdreg s24  }
0xb4: {  	[dreg:$0x6] =	wrdreg $0x9  }
0xb5: {  	_ =	task.clear_ibuf [dreg:s9], $0x7FFFF;
	_ =	strace $0x9000004F  }
0xb6: {  	s29 =	simm.s32 $0x9;
	_ =	strace $0x80000051  }
0xb7: {  	_ =	swait.ge [sflag:s29], $0x1  }
0xb8: {  	[sflag:s29] =	ssyncadd.s32 $0xFFFFFFFF  }
0xb9: {  	_ =	strace $0x90000051  }
0xba: {  	_ =	sfence  }
0xbb: {  	s30 =	sld [smem:$0x0];
	_ =	sdelay $0x2  }
0xbc: {  	s31 =	sshll.u32 s1, $0xD;
	s1 =	sshrl.u32 s1, $0x2  }
0xbd: {  	s3 =	sand.u32 $0x4000, s31;
	s1 =	sadd.s32 s1, s30  }
0xbe: {  	s0 =	sor.u32 s3, s0;
	s1 =	sshll.u32 s1, $0x11  }
0xbf: {  	s0 =	sor.u32 s1, s0  }
0xc0: {  	s0 =	sadd.s32 $0x8F2B, s0  }
0xc1: {  	[sflag:s0] =	ssyncadd.remote.s32 $0x1  }
0xc2: {  	_ =	sfence.sel $0xFFFF  }
0xc3: {  	[dreg:$0x0] =	wrdreg $0xFFFFFFFF;
	(pc) =	sbr.abs _section_cstart, $3  }
0xc4: {  	[dreg:$0x1] =	wrdreg $0xFFFFFFFF  }
0xc5: {  	_ =	task.clear_ibuf [dreg:s9], $0x2FFFF;
	_ =	strace $0x9FFFFFFF  }
0xc6: {  	(tm) =	ssettm $0x7FFFFFFF  }
0xc7: {  	_ =	shalt  }
tec
execute0_lowered:
.L_overlay_start_1:
0x0: {  	(tag) =	ssettag $0x1  }
0x1: {  	s1 =	rddreg [dreg:$0x0]  }
0x2: {  	s8 =	rddreg [dreg:$0x1]  }
0x3: {  	s7 =	rddreg [dreg:$0x2]  }
0x4: {  	s4 =	rddreg [dreg:$0x3]  }
0x5: {  	s0 =	rddreg [dreg:$0x4]  }
0x6: {  	s2 =	stileid.u32;
	s6 =	srdreg.scid;
	s3 =	simm.s32 $0x0  }
0x7: {  	s13 =	simm.s32 $0x2900;
	s14 =	simm.s32 $0x1;
	s5 =	smul.u32 $0x4E200, s2  }
0x8: {  	s15 =	simm.s32 $0x2;
	s6 =	sand.u32 $0x1, s6;
	s9 =	smul.u32 $0x4E20, s2  }
0x9: {  	s16 =	simm.s32 $0x0;
	s10 =	ssub.s32 $0x2, s6;
	s11 =	smul.u32 $0x2710, s6  }
0xa: {  	[smem:$0x7FF] =	sst s3;
	s6 =	smul.u32 $0x27100, s6;
	s12 =	sshrl.u32 s10, $0x1  }
0xb: {  	_ =	strace $0x80000050;
	s5 =	sadd.s32 s5, s4;
	s31 =	ssub.s32 s10, s12  }
0xc: {  	s9 =	sadd.s32 s11, s9;
	s6 =	sadd.s32 s6, s5;
	s10 =	simm.s32 $0x80  }
0xd: {  	s11 =	simm.s32 $0x50;
	s12 =	simm.s32 $0x100;
	s4 =	smax.u32 s31, $0x1  }
0xe: {  	s9 =	sshrl.u32 s9, $0x3;
	s5 =	sadd.s32 $0xD4800, s6;
	s6 =	sadd.s32 $0xA4CA00, s6  }
0xf: {  	s7 =	sadd.s32 s9, s7;
	s8 =	sadd.s32 s9, s8;
	s9 =	simm.s32 $0x3  }
.LBB2_1:
0x10: {  	s17 =	sadd.s32 $0x0, s8  }
0x11: {  	[tilespmem:s3], [sflag:$0x3] =	stream.linear.gather [hbm4b:s17+s3], $0x50, $0x38;
	[tilespmem:$0x5100] =	vst v63  }
0x12: {  	_ =	swait.ge [sflag:s9], $0x50  }
0x13: {  	[sflag:s9] =	ssyncset.done $0x0  }
0x14: {  	s31 =	sadd.s32 $0x0, s7;
	[sflag:s9] =	ssyncadd.s32 $0xFFFFFFB0  }
0x15: {  	[tilespmem:s10], [sflag:$0x3] =	stream.linear.gather [hbm4b:s31+s3], $0x50, $0x38;
	[tilespmem:$0x5100] =	vst v63  }
0x16: {  	_ =	swait.ge [sflag:s9], $0x50  }
0x17: {  	[sflag:s9] =	ssyncset.done $0x0  }
0x18: {  	[sflag:s9] =	ssyncadd.s32 $0xFFFFFFB0  }
0x19: {  	[tilespmem:s12], [sflag:$0x1] =	stream.indirect.gather [hbm4b:s1+s11], $0x80, s3, s11, $0xb8;
	[tilespmem:$0x5100] =	vst v63  }
0x1a: {  	_ = 	snop  }
0x1b: {  	[tilespmem:s13], [sflag:$0x2] =	stream.indirect.gather [hbm4b:s1+s11], $0x80, s10, s11, $0xb8;
	[tilespmem:$0x5100] =	vst v63  }
0x1c: {  	_ =	swait.ge [sflag:s14], $0x2800  }
0x1d: {  	[sflag:s14] =	ssyncset.done $0x0  }
0x1e: {  	[sflag:s14] =	ssyncadd.s32 $0xFFFFD800  }
0x1f: {  	_ =	swait.ge [sflag:s15], $0x2800  }
0x20: {  	[sflag:s15] =	ssyncset.done $0x0  }
0x21: {  	[sflag:s15] =	ssyncadd.s32 $0xFFFFD800  }
0x22: {  	[hbm4b:s5+s3] =	stream.linear.scatter [tilespmem:s12], [sflag:$0x3], $0x2800, $0x38;
	[tilespmem:$0x5100] =	vst v63  }
0x23: {  	_ =	swait.ge [sflag:s9], $0x2800  }
0x24: {  	[sflag:s9] =	ssyncset.done $0x0  }
0x25: {  	[sflag:s9] =	ssyncadd.s32 $0xFFFFD800  }
0x26: {  	[hbm4b:s6+s3] =	stream.linear.scatter [tilespmem:s13], [sflag:$0x3], $0x2800, $0x38;
	[tilespmem:$0x5100] =	vst v63  }
0x27: {  	s19 =	simm.s32 $0xA;
	s20 =	simm.s32 $0x14;
	_ =	swait.ge [sflag:s9], $0x2800  }
0x28: {  	s18 =	sadd.s32 $0x500, s5;
	s17 =	sadd.s32 $0x500, s6;
	[sflag:s9] =	ssyncset.done $0x0  }
.LBB2_2:
0x29: {  	s21 =	sadd.s32 s19, s8  }
0x2a: {  	[sflag:s9] =	ssyncadd.s32 $0xFFFFD800;
	s22 =	smov.u32 s20;
	s23 =	sadd.s32 $0xA, s20  }
0x2b: {  	[tilespmem:s3], [sflag:$0x3] =	stream.linear.gather [hbm4b:s21+s3], $0x50, $0x38;
	[tilespmem:$0x5100] =	vst v63  }
0x2c: {  	p0 =	sne.s32 s20, $0x4D8;
	_ =	swait.ge [sflag:s9], $0x50  }
0x2d: {  	[sflag:s9] =	ssyncset.done $0x0  }
0x2e: {  	s20 =	sadd.s32 s19, s7;
	s19 =	smov.u32 s22;
	[sflag:s9] =	ssyncadd.s32 $0xFFFFFFB0  }
0x2f: {  	[tilespmem:s10], [sflag:$0x3] =	stream.linear.gather [hbm4b:s20+s3], $0x50, $0x38;
	[tilespmem:$0x5100] =	vst v63  }
0x30: {  	_ =	swait.ge [sflag:s9], $0x50  }
0x31: {  	[sflag:s9] =	ssyncset.done $0x0  }
0x32: {  	[sflag:s9] =	ssyncadd.s32 $0xFFFFFFB0  }
0x33: {  	[tilespmem:s12], [sflag:$0x1] =	stream.indirect.gather [hbm4b:s1+s11], $0x80, s3, s11, $0xb8;
	[tilespmem:$0x5100] =	vst v63  }
0x34: {  	_ = 	snop  }
0x35: {  	[tilespmem:s13], [sflag:$0x2] =	stream.indirect.gather [hbm4b:s1+s11], $0x80, s10, s11, $0xb8;
	[tilespmem:$0x5100] =	vst v63  }
0x36: {  	_ =	swait.ge [sflag:s14], $0x2800  }
0x37: {  	[sflag:s14] =	ssyncset.done $0x0  }
0x38: {  	[sflag:s14] =	ssyncadd.s32 $0xFFFFD800  }
0x39: {  	_ =	swait.ge [sflag:s15], $0x2800  }
0x3a: {  	[sflag:s15] =	ssyncset.done $0x0  }
0x3b: {  	[sflag:s15] =	ssyncadd.s32 $0xFFFFD800  }
0x3c: {  	[hbm4b:s18+s3] =	stream.linear.scatter [tilespmem:s12], [sflag:$0x3], $0x2800, $0x38;
	[tilespmem:$0x5100] =	vst v63  }
0x3d: {  	_ =	swait.ge [sflag:s9], $0x2800  }
.Ltmp0:
0x3e: {  	[sflag:s9] =	ssyncset.done $0x0;
	(pc) =	sbr.rel @p0 .LBB2_2-.Ltmp0, $4  }
0x3f: {  	[sflag:s9] =	ssyncadd.s32 $0xFFFFD800  }
0x40: {  	[hbm4b:s17+s3] =	stream.linear.scatter [tilespmem:s13], [sflag:$0x3], $0x2800, $0x38;
	[tilespmem:$0x5100] =	vst v63  }
0x41: {  	s20 =	smov.u32 s23;
	_ =	swait.ge [sflag:s9], $0x2800  }
0x42: {  	s18 =	sadd.s32 $0x500, s18;
	s17 =	sadd.s32 $0x500, s17;
	[sflag:s9] =	ssyncset.done $0x0  }
0x43: {  	s20 =	sadd.s32 s19, s8;
	[sflag:s9] =	ssyncadd.s32 $0xFFFFD800  }
0x44: {  	[tilespmem:s3], [sflag:$0x3] =	stream.linear.gather [hbm4b:s20+s3], $0x50, $0x38;
	[tilespmem:$0x5100] =	vst v63  }
0x45: {  	_ =	swait.ge [sflag:s9], $0x50  }
0x46: {  	[sflag:s9] =	ssyncset.done $0x0  }
0x47: {  	s31 =	sadd.s32 s19, s7;
	[sflag:s9] =	ssyncadd.s32 $0xFFFFFFB0  }
0x48: {  	[tilespmem:s10], [sflag:$0x3] =	stream.linear.gather [hbm4b:s31+s3], $0x50, $0x38;
	[tilespmem:$0x5100] =	vst v63  }
0x49: {  	_ =	swait.ge [sflag:s9], $0x50  }
0x4a: {  	[sflag:s9] =	ssyncset.done $0x0  }
0x4b: {  	[sflag:s9] =	ssyncadd.s32 $0xFFFFFFB0  }
0x4c: {  	[tilespmem:s12], [sflag:$0x1] =	stream.indirect.gather [hbm4b:s1+s11], $0x80, s3, s11, $0xb8;
	[tilespmem:$0x5100] =	vst v63  }
0x4d: {  	_ = 	snop  }
0x4e: {  	[tilespmem:s13], [sflag:$0x2] =	stream.indirect.gather [hbm4b:s1+s11], $0x80, s10, s11, $0xb8;
	[tilespmem:$0x5100] =	vst v63  }
0x4f: {  	_ =	swait.ge [sflag:s14], $0x2800  }
0x50: {  	[sflag:s14] =	ssyncset.done $0x0  }
0x51: {  	[sflag:s14] =	ssyncadd.s32 $0xFFFFD800  }
0x52: {  	_ =	swait.ge [sflag:s15], $0x2800  }
0x53: {  	[sflag:s15] =	ssyncset.done $0x0  }
0x54: {  	[sflag:s15] =	ssyncadd.s32 $0xFFFFD800  }
0x55: {  	[hbm4b:s18+s3] =	stream.linear.scatter [tilespmem:s12], [sflag:$0x3], $0x2800, $0x38;
	[tilespmem:$0x5100] =	vst v63  }
0x56: {  	s16 =	sadd.s32 $0x1, s16;
	_ =	swait.ge [sflag:s9], $0x2800  }
0x57: {  	p0 =	sne.s32 s16, s4;
	[sflag:s9] =	ssyncset.done $0x0  }
.Ltmp1:
0x58: {  	[sflag:s9] =	ssyncadd.s32 $0xFFFFD800;
	(pc) =	sbr.rel @p0 .LBB2_1-.Ltmp1, $4  }
0x59: {  	[hbm4b:s17+s3] =	stream.linear.scatter [tilespmem:s13], [sflag:$0x3], $0x2800, $0x38;
	[tilespmem:$0x5100] =	vst v63  }
0x5a: {  	_ =	swait.ge [sflag:s9], $0x2800  }
0x5b: {  	[sflag:s9] =	ssyncset.done $0x0  }
0x5c: {  	[sflag:s9] =	ssyncadd.s32 $0xFFFFD800  }
0x5d: {  	_ =	sfence.sel $0x180000  }
0x5e: {  	[bflag:$0x0] =	sbarrier.arrive $0xFFFF  }
0x5f: {  	p0 =	sne.s32 s2, $0x0;
	_ =	strace $0x90000050  }
0x60: {  	s0 =	sadd.s32 @!p0 $0x100000, s0;
	[bflag:$0x2] =	sbarrier.arrive $0xFFFF  }
0x61: {  	[sflag:s0] =	ssyncadd.tile.s32 @!p0 $0x1;
	_ =	shalt  }
.Lfunc_end2:
_tile_overlayer_lowered:
.L_overlay_start_2:
0x62: {  	(tag) =	ssettag $0x2  }
0x63: {  	s0 =	rddreg [dreg:$0x0];
	s2 =	stileid.u32  }
0x64: {  	s1 =	rddreg [dreg:$0x1];
	p0 =	sne.s32 s2, $0x0  }
0x65: {  	s3 =	rddreg [dreg:$0x2];
	[bflag:$0x3] =	sbarrier.arrive $0xFFFF;
	s2 =	simm.s32 @!p0 $0x1C03  }
0x66: {  	[timem:s3], [sflag:s2] =	dma.local @!p0 [hbm:s0], s1  }
0x67: {  	s0 =	simm.s32 @!p0 $0x3  }
0x68: {  	_ =	swait.ge @!p0 [sflag:s0], s1  }
0x69: {  	s1 =	ssub.s32 @!p0 $0x0, s1;
	[sflag:s0] =	ssyncset.done @!p0 $0x0  }
0x6a: {  	[sflag:s0] =	ssyncadd.s32 @!p0 s1  }
0x6b: {  	[bflag:$0x3] =	sbarrier.arrive $0xFFFF  }
0x6c: {  	_ =	shalt  }

// kernel: kernel.24.cloned.1.call-start
scs
__scs_entry_jumppad:
0x0: {  	(pc) =	sbr.rel $0x88, $3  }
0x1: {  	(tag) =	ssettag $0x0;
	lr =	simm.s32 $0x1  }
0x2: {  	[smem:$0x3F86] =	sst lr;
	_ =	strace $0xD0000000  }
0x3: {  	_ = 	snop  }
0x4: {  	_ = 	snop  }
0x5: {  	_ = 	snop  }
0x6: {  	_ = 	snop  }
0x7: {  	_ = 	snop  }
__scs_overlays_trampoline_lowered:
0x8: {  	[smem:$0x3F95] =	sst s0  }
0x9: {  	[smem:$0x3F96] =	sst s1  }
0xa: {  	[smem:$0x3F97] =	sst s2  }
0xb: {  	[smem:$0x3F98] =	sst s3  }
0xc: {  	[smem:$0x3F99] =	sst s4  }
0xd: {  	[smem:$0x3F9A] =	sst s5  }
0xe: {  	[smem:$0x3F9B] =	sst s6  }
0xf: {  	[smem:$0x3F9C] =	sst s7  }
0x10: {  	[smem:$0x3F9D] =	sst s8  }
0x11: {  	[smem:$0x3F9E] =	sst s9;
	s0 =	simm.s32 @!p0 $0x0  }
0x12: {  	s1 =	sld [smem:$0x3F84];
	s0 =	simm.s32 @p0 $0x1  }
0x13: {  	[smem:$0x3F9F] =	sst s0;
	s0 =	simm.s32 @!p1 $0x0  }
0x14: {  	s2 =	sld [smem:$0x3F83];
	s0 =	simm.s32 @p1 $0x1  }
0x15: {  	[smem:$0x3FA0] =	sst s0;
	s0 =	simm.s32 @!p2 $0x0  }
0x16: {  	s3 =	sld [smem:$0x3FDB];
	s0 =	simm.s32 @p2 $0x1  }
0x17: {  	s4 =	simm.s32 $0x1BF5;
	[smem:$0x3FA2] =	sst s0  }
0x18: {  	s0 =	sld [smem:$0x3F85];
	_ =	swait.ge [sflag:s4], $0x0  }
0x19: {  	s7 =	sld [smem:$0x3F86]  }
0x1a: {  	s8 =	sadd.s32 $0xFFFFE003, lr  }
0x1b: {  	s9 =	sadd.s32 $0xFFFFFEF7, lr;
	s5 =	simm.s32 $0xFFFFFFFF;
	p2 =	slt.u32 s8, $0xFFFFF086  }
0x1c: {  	p1 =	slt.u32 s9, $0xF7A;
	s5 =	simm.s32 @!p2 $0x0  }
0x1d: {  	s5 =	simm.s32 @p1 $0x1;
	p0 =	seq.s32 s7, s2  }
0x1e: {  	s7 =	smul.u32 @!p0 $0xF7A, s2;
	p2 =	seq.s32 @!p0 s5, $0x0  }
0x1f: {  	s9 =	smul.u32 $0xF7A, s1;
	s8 =	simm.s32 @!p0 $0x1BF5;
	p2 =	por !p2, p0  }
0x20: {  	[sflag:s8] =	ssyncset.s32 @!p0 $0xFFFFF086;
	s6 =	sadd.s32 @!p0 s3, s7;
	s7 =	simm.s32 @!p0 $0x108  }
0x21: {  	s3 =	sadd.s32 s3, s9;
	s6 =	sadd.s32 @!p0 $0x88, s6;
	s7 =	simm.s32 @p2 $0x1082  }
0x22: {  	[simem:s7], [sflag:s8] =	dma.local @!p0 [hbm:s6], $0xF7A  }
0x23: {  	s9 =	sor.u32 $0xD0000000, s2;
	s6 =	simm.s32 $0x108;
	_ =	swait.ge @!p0 [sflag:s8], $0x0  }
0x24: {  	s3 =	sadd.s32 $0x88, s3;
	s6 =	simm.s32 @!p1 $0x1082;
	[sflag:s4] =	ssyncset.s32 $0xFFFFF086  }
0x25: {  	[simem:s6], [sflag:s4] =	dma.local [hbm:s3], $0xF7A  }
0x26: {  	[smem:$0x3F86] =	sst s1;
	(tag) =	ssettag s2;
	_ =	strace s9  }
0x27: {  	s1 =	sld [smem:$0x3F96]  }
0x28: {  	s2 =	sld [smem:$0x3F97]  }
0x29: {  	s4 =	sld [smem:$0x3F99]  }
0x2a: {  	p0 =	seq.s32 s5, $0x0;
	s5 =	sld [smem:$0x3F9A]  }
0x2b: {  	s6 =	sld [smem:$0x3F9B]  }
0x2c: {  	s7 =	sld [smem:$0x3F9C]  }
0x2d: {  	s3 =	simm.s32 $0x108;
	s8 =	sld [smem:$0x3F9D]  }
0x2e: {  	s3 =	simm.s32 @!p0 $0x1082;
	s9 =	sld [smem:$0x3F9E]  }
0x2f: {  	lr =	sadd.s32 s0, s3;
	s0 =	sld [smem:$0x3F95]  }
0x30: {  	s3 =	sld [smem:$0x3F98]  }
0x31: {  	[smem:$0x3FA1] =	sst s10  }
0x32: {  	s10 =	sld [smem:$0x3F9F];
	_ =	sdelay $0x3  }
0x33: {  	p0 =	seq.s32 s10, $0x1;
	s10 =	sld [smem:$0x3FA1];
	_ =	sdelay $0x3  }
0x34: {  	[smem:$0x3FA1] =	sst s10  }
0x35: {  	s10 =	sld [smem:$0x3FA0];
	_ =	sdelay $0x3  }
0x36: {  	p1 =	seq.s32 s10, $0x1;
	s10 =	sld [smem:$0x3FA1];
	_ =	sdelay $0x3  }
0x37: {  	[smem:$0x3FA1] =	sst s10  }
0x38: {  	s10 =	sld [smem:$0x3FA2]  }
0x39: {  	_ = 	snop;
	(pc) =	sbr.ind lr, $3  }
0x3a: {  	_ = 	snop  }
0x3b: {  	_ = 	snop  }
0x3c: {  	p2 =	seq.s32 s10, $0x1;
	s10 =	sld [smem:$0x3FA1]  }
0x3d: {  	_ =	shalt  }
0x3e: {  	_ =	shalt  }
0x3f: {  	_ =	shalt  }
0x40: {  	_ =	shalt  }
0x41: {  	_ =	shalt  }
0x42: {  	_ =	shalt  }
0x43: {  	_ =	shalt  }
0x44: {  	_ =	shalt  }
0x45: {  	_ =	shalt  }
0x46: {  	_ =	shalt  }
0x47: {  	_ =	shalt  }
0x48: {  	_ =	shalt  }
0x49: {  	_ =	shalt  }
0x4a: {  	_ =	shalt  }
0x4b: {  	_ =	shalt  }
0x4c: {  	_ =	shalt  }
0x4d: {  	_ =	shalt  }
0x4e: {  	_ =	shalt  }
0x4f: {  	_ =	shalt  }
0x50: {  	_ =	shalt  }
0x51: {  	_ =	shalt  }
0x52: {  	_ =	shalt  }
0x53: {  	_ =	shalt  }
0x54: {  	_ =	shalt  }
0x55: {  	_ =	shalt  }
0x56: {  	_ =	shalt  }
0x57: {  	_ =	shalt  }
0x58: {  	_ =	shalt  }
0x59: {  	_ =	shalt  }
0x5a: {  	_ =	shalt  }
0x5b: {  	_ =	shalt  }
0x5c: {  	_ =	shalt  }
0x5d: {  	_ =	shalt  }
0x5e: {  	_ =	shalt  }
0x5f: {  	_ =	shalt  }
0x60: {  	_ =	shalt  }
0x61: {  	_ =	shalt  }
0x62: {  	_ =	shalt  }
0x63: {  	_ =	shalt  }
0x64: {  	_ =	shalt  }
0x65: {  	_ =	shalt  }
0x66: {  	_ =	shalt  }
0x67: {  	_ =	shalt  }
0x68: {  	_ =	shalt  }
0x69: {  	_ =	shalt  }
0x6a: {  	_ =	shalt  }
0x6b: {  	_ =	shalt  }
0x6c: {  	_ =	shalt  }
0x6d: {  	_ =	shalt  }
0x6e: {  	_ =	shalt  }
0x6f: {  	_ =	shalt  }
0x70: {  	_ =	shalt  }
0x71: {  	_ =	shalt  }
0x72: {  	_ =	shalt  }
0x73: {  	_ =	shalt  }
0x74: {  	_ =	shalt  }
0x75: {  	_ =	shalt  }
0x76: {  	_ =	shalt  }
0x77: {  	_ =	shalt  }
0x78: {  	_ =	shalt  }
0x79: {  	_ =	shalt  }
0x7a: {  	_ =	shalt  }
0x7b: {  	_ =	shalt  }
0x7c: {  	_ =	shalt  }
0x7d: {  	_ =	shalt  }
0x7e: {  	_ =	shalt  }
0x7f: {  	_ =	shalt  }
0x80: {  	_ =	shalt  }
0x81: {  	_ =	shalt  }
0x82: {  	_ =	shalt  }
0x83: {  	_ =	shalt  }
0x84: {  	_ =	shalt  }
0x85: {  	_ =	shalt  }
0x86: {  	_ =	shalt  }
0x87: {  	_ =	shalt  }
.Lfunc_end0:
.L_simem_size_0:
called_computation.4_lowered:
.L_overlay_start_0:
0x88: {  	s2 =	sld [smem:$0x3FD9]  }
0x89: {  	s3 =	sld [smem:$0x3FFE];
	_ =	sdelay $0x1  }
0x8a: {  	s1 =	srdreg.scid  }
0x8b: {  	s0 =	sand.u32 $0x1, s1  }
0x8c: {  	s17 =	sshll.u32 s0, $0xA;
	s2 =	sadd.s32 s3, s2  }
0x8d: {  	s2 =	sadd.s32 s2, s17  }
0x8e: {  	[smem:$0x3FAD] =	sst s2  }
0x8f: {  	_ = 	snop  }
0x90: {  	s2 =	sld [smem:$0x3FC8]  }
0x91: {  	s18 =	sld [smem:$0x3FC7];
	(tm) =	ssettm $0x1  }
0x92: {  	s4 =	sld [smem:$0x3FFB];
	_ =	sdelay $0x3  }
0x93: {  	_ =	strace s4  }
0x94: {  	s4 =	sld [smem:$0x3FFC];
	_ =	sdelay $0x3  }
0x95: {  	_ =	strace s4  }
0x96: {  	s4 =	sld [smem:$0x3FFD];
	_ =	sdelay $0x3  }
0x97: {  	_ =	strace s4  }
0x98: {  	_ =	strace $0x8FFFFFFF  }
0x99: {  	s19 =	sld [smem:$0x3FDB];
	_ =	sdelay $0x1  }
0x9a: {  	s5 =	simm.s32 $_scs_section_size  }
0x9b: {  	s6 =	simm.s32 $_size__tile_overlayer_lowered;
	s7 =	simm.s32 $_tile_overlayer_lowered  }
0x9c: {  	s22 =	simm.s32 $0x1BFF;
	s21 =	sshll.u32 s7, $0x1;
	s4 =	sadd.s32 s5, s19  }
0x9d: {  	s8 =	simm.s32 $0x0;
	s20 =	sshll.u32 s6, $0x1;
	s6 =	sadd.s32 s21, s4  }
0x9e: {  	[timem:s8], [sflag:s22] =	dma.local [hbm:s6], s20  }
0x9f: {  	_ =	swait.ge [sflag:s22], s20  }
0xa0: {  	s5 =	ssub.s32 $0x0, s20;
	[sflag:s22] =	ssyncset.done $0x0  }
0xa1: {  	[sflag:s22] =	ssyncadd.s32 s5;
	_ =	sdelay $0x1  }
0xa2: {  	s23 =	simm.s32 $0x1B8B  }
0xa3: {  	_ =	swait.ge [sflag:s23], $0x1  }
0xa4: {  	[sflag:s23] =	ssyncset.done $0x0  }
0xa5: {  	s25 =	simm.s32 $0x1B8E;
	s24 =	sld [smem:$0x3FFE];
	[sflag:s23] =	ssyncadd.s32 $0xFFFFFFFF  }
0xa6: {  	s26 =	simm.s32 $execute0_lowered;
	[smem:$0x3FD2] =	sst s25  }
0xa7: {  	s6 =	sshll.u32 s26, $0x1;
	_ =	strace $0x80000052;
	[dreg:$0x1] =	wrdreg $0xFFFFFFFF  }
0xa8: {  	s28 =	simm.s32 $_size_execute0_lowered;
	s4 =	sadd.s32 s4, s6;
	[dreg:$0x0] =	wrdreg $0x0  }
0xa9: {  	s6 =	sshll.u32 s28, $0x1;
	[dreg:$0x2] =	wrdreg s4  }
0xaa: {  	[dreg:$0x3] =	wrdreg s6  }
0xab: {  	[dreg:$0x4] =	wrdreg $0xC0  }
0xac: {  	_ =	task [dreg:s8], $0x5FFFF  }
0xad: {  	[dreg:$0x1] =	wrdreg $0xFFFFFFFF  }
0xae: {  	[dreg:$0x0] =	wrdreg $0x60  }
0xaf: {  	[dreg:$0x2] =	wrdreg s24  }
0xb0: {  	[dreg:$0x3] =	wrdreg s2  }
0xb1: {  	[dreg:$0x4] =	wrdreg s18  }
0xb2: {  	[dreg:$0x5] =	wrdreg $0x0  }
0xb3: {  	[dreg:$0x6] =	wrdreg $0x9  }
0xb4: {  	_ =	task.clear_ibuf [dreg:s8], $0x7FFFF;
	_ =	strace $0x90000052  }
0xb5: {  	s29 =	simm.s32 $0x9;
	_ =	strace $0x80000054  }
0xb6: {  	_ =	swait.ge [sflag:s29], $0x1  }
0xb7: {  	[sflag:s29] =	ssyncadd.s32 $0xFFFFFFFF  }
0xb8: {  	_ =	strace $0x90000054  }
0xb9: {  	_ =	sfence  }
0xba: {  	s30 =	sld [smem:$0x0];
	_ =	sdelay $0x2  }
0xbb: {  	s31 =	sshll.u32 s1, $0xD;
	s1 =	sshrl.u32 s1, $0x2  }
0xbc: {  	s3 =	sand.u32 $0x4000, s31;
	s1 =	sadd.s32 s1, s30  }
0xbd: {  	s0 =	sor.u32 s3, s0;
	s1 =	sshll.u32 s1, $0x11  }
0xbe: {  	s0 =	sor.u32 s1, s0  }
0xbf: {  	s0 =	sadd.s32 $0x8F2B, s0  }
0xc0: {  	[sflag:s0] =	ssyncadd.remote.s32 $0x1  }
0xc1: {  	_ =	sfence.sel $0xFFFF  }
0xc2: {  	[dreg:$0x0] =	wrdreg $0xFFFFFFFF;
	(pc) =	sbr.abs _section_cstart, $3  }
0xc3: {  	[dreg:$0x1] =	wrdreg $0xFFFFFFFF  }
0xc4: {  	_ =	task.clear_ibuf [dreg:s8], $0x2FFFF;
	_ =	strace $0x9FFFFFFF  }
0xc5: {  	(tm) =	ssettm $0x7FFFFFFF  }
tec
execute0_lowered:
.L_overlay_start_1:
0x0: {  	(tag) =	ssettag $0x1  }
0x1: {  	s6 =	rddreg [dreg:$0x0]  }
0x2: {  	s11 =	rddreg [dreg:$0x1]  }
0x3: {  	s13 =	rddreg [dreg:$0x2]  }
0x4: {  	s2 =	rddreg [dreg:$0x3]  }
0x5: {  	s0 =	rddreg [dreg:$0x4];
	s3 =	simm.s32 $0x0;
	s1 =	stileid.u32  }
0x6: {  	s7 =	srdreg.scid;
	s16 =	simm.s32 $0x14000;
	s5 =	smul.u32 $0x4E200, s1  }
0x7: {  	s17 =	simm.s32 $0x14080;
	s18 =	simm.s32 $0x50;
	s4 =	smul.u32 $0x2800, s1  }
0x8: {  	s19 =	simm.s32 $0x0;
	[smem:$0x7FF] =	sst s3;
	s29 =	smul.u32 $0x50000, s1  }
0x9: {  	s9 =	sand.u32 $0x1, s7;
	s15 =	sshll.u32 s1, $0x6;
	s31 =	smul.u32 $0x9C4, s1  }
0xa: {  	_ =	strace $0x80000053;
	s10 =	ssub.s32 $0x2, s9;
	p0 =	seq.s32 s9, $0x1  }
0xb: {  	s12 =	sadd.s32 s5, s6;
	s8 =	sadd.s32 s4, s6;
	s5 =	sadd.s32 $0xC200, s6  }
.Ltmp0:
0xc: {  	s6 =	sadd.s32 $0x34200, s6;
	s14 =	sshrl.u32 s10, $0x1;
	(pc) =	sbr.rel .LBB2_1-.Ltmp0, $4  }
0xd: {  	s7 =	sshrl.u32 s29, $0x2;
	s11 =	sadd.s32 s31, s11;
	s13 =	sadd.s32 s31, s13  }
0xe: {  	s10 =	ssub.s32 s10, s14;
	s30 =	sadd.s32 s7, s2;
	s7 =	sadd.s32 $0x9D0800, s8  }
0xf: {  	s8 =	sor.u32 $0x1C01, s15;
	s15 =	simm.s32 $0x1;
	s9 =	smax.u32 s10, $0x1  }
0x10: {  	s10 =	sadd.s32 $0xF2EA00, s12;
	s12 =	sadd.s32 $0x1410A00, s12;
	s14 =	sshrl.u32 s30, $0x3  }
.LBB2_7:
0x11: {  	s21 =	sadd.s32 s21, s13;
	[sflag:s15] =	ssyncadd.s32 $0xFFFFD800  }
0x12: {  	[tilespmem:s16], [sflag:$0x1] =	stream.linear.gather [hbm4b:s21+s3], $0x50, $0x38;
	[tilespmem:$0x16880] =	vst v63  }
0x13: {  	_ =	swait.ge [sflag:s15], $0x50  }
0x14: {  	[sflag:s15] =	ssyncset.done $0x0  }
0x15: {  	[sflag:s15] =	ssyncadd.s32 $0xFFFFFFB0  }
0x16: {  	[tilespmem:s17], [sflag:$0x1] =	stream.linear.gather [hbm4b:s20+s3], $0x2800, $0x38;
	[tilespmem:$0x16880] =	vst v63  }
0x17: {  	_ =	swait.ge [sflag:s15], $0x2800  }
0x18: {  	[sflag:s15] =	ssyncset.done $0x0  }
0x19: {  	[sflag:s15] =	ssyncadd.s32 $0xFFFFD800  }
0x1a: {  	[spmem:s2] =	stream.indirect.scatter.add.f32 [tilespmem:s17], [sflag:$0x1], $0x80, s16, s18, $0xb8;
	[tilespmem:$0x16880] =	vst v63  }
0x1b: {  	_ =	swait.ge [sflag:s15], $0x2800  }
0x1c: {  	[sflag:s15] =	ssyncset.done $0x0  }
0x1d: {  	s20 =	smov.u32 s6;
	[sflag:s15] =	ssyncadd.s32 $0xFFFFD800  }
.LBB2_8:
0x1e: {  	s19 =	sadd.s32 $0x1, s19  }
0x1f: {  	p1 =	sne.s32 s19, s9  }
.Ltmp1:
0x20: {  	s20 =	sadd.s32 s20, s4;
	[bflag:$0x0] =	sbarrier.arrive $0xFFFF;
	(pc) =	sbr.rel @!p1 .LBB2_9-.Ltmp1, $4  }
0x21: {  	[hbm:s20], [sflag:s8] =	dma.local [spmem:s14], $0x2800  }
0x22: {  	_ =	swait.ge [sflag:s15], $0x2800  }
0x23: {  	[sflag:s15] =	ssyncset.done $0x0  }
0x24: {  	[sflag:s15] =	ssyncadd.s32 $0xFFFFD800  }
.LBB2_1:
0x25: {  	[spmem:s14], [sflag:s8] =	dma.local [hbm:s7], $0x2800  }
.Ltmp2:
0x26: {  	_ =	swait.ge [sflag:s15], $0x2800;
	(pc) =	sbr.rel @!p0 .LBB2_2-.Ltmp2, $3  }
0x27: {  	[sflag:s15] =	ssyncset.done $0x0  }
0x28: {  	[sflag:s15] =	ssyncadd.s32 $0xFFFFD800  }
0x29: {  	[bflag:$0x0] =	sbarrier.arrive $0xFFFF;
	_ =	sdelay $0x1  }
0x2a: {  	s20 =	sadd.s32 $0x0, s13  }
0x2b: {  	[tilespmem:s16], [sflag:$0x1] =	stream.linear.gather [hbm4b:s20+s3], $0x50, $0x38;
	[tilespmem:$0x16880] =	vst v63  }
0x2c: {  	_ =	swait.ge [sflag:s15], $0x50  }
0x2d: {  	[sflag:s15] =	ssyncset.done $0x0  }
0x2e: {  	[sflag:s15] =	ssyncadd.s32 $0xFFFFFFB0  }
0x2f: {  	[tilespmem:s17], [sflag:$0x1] =	stream.linear.gather [hbm4b:s12+s3], $0x2800, $0x38;
	[tilespmem:$0x16880] =	vst v63  }
0x30: {  	_ =	swait.ge [sflag:s15], $0x2800  }
0x31: {  	[sflag:s15] =	ssyncset.done $0x0  }
0x32: {  	[sflag:s15] =	ssyncadd.s32 $0xFFFFD800  }
0x33: {  	[spmem:s2] =	stream.indirect.scatter.add.f32 [tilespmem:s17], [sflag:$0x1], $0x80, s16, s18, $0xb8;
	[tilespmem:$0x16880] =	vst v63  }
0x34: {  	s21 =	simm.s32 $0xA;
	_ =	swait.ge [sflag:s15], $0x2800  }
0x35: {  	s22 =	simm.s32 $0x14;
	s20 =	sadd.s32 $0x500, s12;
	[sflag:s15] =	ssyncset.done $0x0  }
.LBB2_6:
0x36: {  	s23 =	sadd.s32 s21, s13  }
0x37: {  	[sflag:s15] =	ssyncadd.s32 $0xFFFFD800;
	s21 =	smov.u32 s22;
	s24 =	sadd.s32 $0xA, s22  }
0x38: {  	[tilespmem:s16], [sflag:$0x1] =	stream.linear.gather [hbm4b:s23+s3], $0x50, $0x38;
	[tilespmem:$0x16880] =	vst v63  }
0x39: {  	p1 =	sne.s32 s22, $0x9BA;
	_ =	swait.ge [sflag:s15], $0x50  }
0x3a: {  	[sflag:s15] =	ssyncset.done $0x0  }
0x3b: {  	[sflag:s15] =	ssyncadd.s32 $0xFFFFFFB0  }
0x3c: {  	[tilespmem:s17], [sflag:$0x1] =	stream.linear.gather [hbm4b:s20+s3], $0x2800, $0x38;
	[tilespmem:$0x16880] =	vst v63  }
0x3d: {  	_ =	swait.ge [sflag:s15], $0x2800  }
.Ltmp3:
0x3e: {  	[sflag:s15] =	ssyncset.done $0x0;
	(pc) =	sbr.rel @p1 .LBB2_6-.Ltmp3, $4  }
0x3f: {  	[sflag:s15] =	ssyncadd.s32 $0xFFFFD800  }
0x40: {  	[spmem:s2] =	stream.indirect.scatter.add.f32 [tilespmem:s17], [sflag:$0x1], $0x80, s16, s18, $0xb8;
	[tilespmem:$0x16880] =	vst v63  }
0x41: {  	_ =	swait.ge [sflag:s15], $0x2800  }
0x42: {  	s22 =	smov.u32 s24;
	s20 =	sadd.s32 $0x500, s20;
	[sflag:s15] =	ssyncset.done $0x0  }
.Ltmp4:
0x43: {  	_ = 	snop;
	(pc) =	sbr.rel .LBB2_7-.Ltmp4, $1  }
0x44: {  	_ =	sdelay $0x3  }
.LBB2_2:
0x45: {  	s20 =	sadd.s32 $0x0, s11  }
0x46: {  	[tilespmem:s16], [sflag:$0x1] =	stream.linear.gather [hbm4b:s20+s3], $0x50, $0x38;
	[tilespmem:$0x16880] =	vst v63  }
0x47: {  	_ =	swait.ge [sflag:s15], $0x50  }
0x48: {  	[sflag:s15] =	ssyncset.done $0x0  }
0x49: {  	[sflag:s15] =	ssyncadd.s32 $0xFFFFFFB0  }
0x4a: {  	[tilespmem:s17], [sflag:$0x1] =	stream.linear.gather [hbm4b:s10+s3], $0x2800, $0x38;
	[tilespmem:$0x16880] =	vst v63  }
0x4b: {  	_ =	swait.ge [sflag:s15], $0x2800  }
0x4c: {  	[sflag:s15] =	ssyncset.done $0x0  }
0x4d: {  	[sflag:s15] =	ssyncadd.s32 $0xFFFFD800  }
0x4e: {  	[spmem:s2] =	stream.indirect.scatter.add.f32 [tilespmem:s17], [sflag:$0x1], $0x80, s16, s18, $0xb8;
	[tilespmem:$0x16880] =	vst v63  }
0x4f: {  	s21 =	simm.s32 $0xA;
	_ =	swait.ge [sflag:s15], $0x2800  }
0x50: {  	s22 =	simm.s32 $0x14;
	s20 =	sadd.s32 $0x500, s10;
	[sflag:s15] =	ssyncset.done $0x0  }
.LBB2_3:
0x51: {  	s23 =	sadd.s32 s21, s11  }
0x52: {  	[sflag:s15] =	ssyncadd.s32 $0xFFFFD800;
	s21 =	smov.u32 s22;
	s24 =	sadd.s32 $0xA, s22  }
0x53: {  	[tilespmem:s16], [sflag:$0x1] =	stream.linear.gather [hbm4b:s23+s3], $0x50, $0x38;
	[tilespmem:$0x16880] =	vst v63  }
0x54: {  	p1 =	seq.s32 s22, $0x9BA;
	_ =	swait.ge [sflag:s15], $0x50  }
0x55: {  	[sflag:s15] =	ssyncset.done $0x0  }
0x56: {  	[sflag:s15] =	ssyncadd.s32 $0xFFFFFFB0  }
0x57: {  	[tilespmem:s17], [sflag:$0x1] =	stream.linear.gather [hbm4b:s20+s3], $0x2800, $0x38;
	[tilespmem:$0x16880] =	vst v63  }
0x58: {  	_ =	swait.ge [sflag:s15], $0x2800  }
.Ltmp5:
0x59: {  	[sflag:s15] =	ssyncset.done $0x0;
	(pc) =	sbr.rel @!p1 .LBB2_3-.Ltmp5, $4  }
0x5a: {  	[sflag:s15] =	ssyncadd.s32 $0xFFFFD800  }
0x5b: {  	[spmem:s2] =	stream.indirect.scatter.add.f32 [tilespmem:s17], [sflag:$0x1], $0x80, s16, s18, $0xb8;
	[tilespmem:$0x16880] =	vst v63  }
0x5c: {  	_ =	swait.ge [sflag:s15], $0x2800  }
0x5d: {  	s22 =	smov.u32 s24;
	s20 =	sadd.s32 $0x500, s20;
	[sflag:s15] =	ssyncset.done $0x0  }
0x5e: {  	s21 =	sadd.s32 s21, s11;
	[sflag:s15] =	ssyncadd.s32 $0xFFFFD800  }
0x5f: {  	[tilespmem:s16], [sflag:$0x1] =	stream.linear.gather [hbm4b:s21+s3], $0x50, $0x38;
	[tilespmem:$0x16880] =	vst v63  }
0x60: {  	_ =	swait.ge [sflag:s15], $0x50  }
0x61: {  	[sflag:s15] =	ssyncset.done $0x0  }
0x62: {  	[sflag:s15] =	ssyncadd.s32 $0xFFFFFFB0  }
0x63: {  	[tilespmem:s17], [sflag:$0x1] =	stream.linear.gather [hbm4b:s20+s3], $0x2800, $0x38;
	[tilespmem:$0x16880] =	vst v63  }
0x64: {  	_ =	swait.ge [sflag:s15], $0x2800  }
0x65: {  	[sflag:s15] =	ssyncset.done $0x0  }
.Ltmp6:
0x66: {  	[sflag:s15] =	ssyncadd.s32 $0xFFFFD800;
	(pc) =	sbr.rel .LBB2_8-.Ltmp6, $4  }
0x67: {  	[spmem:s2] =	stream.indirect.scatter.add.f32 [tilespmem:s17], [sflag:$0x1], $0x80, s16, s18, $0xb8;
	[tilespmem:$0x16880] =	vst v63  }
0x68: {  	_ =	swait.ge [sflag:s15], $0x2800  }
0x69: {  	[sflag:s15] =	ssyncset.done $0x0  }
0x6a: {  	s20 =	smov.u32 s5;
	[sflag:s15] =	ssyncadd.s32 $0xFFFFD800  }
.LBB2_9:
0x6b: {  	_ =	sfence.sel $0x180000  }
0x6c: {  	[bflag:$0x0] =	sbarrier.arrive $0xFFFF  }
0x6d: {  	p0 =	sne.s32 s1, $0x0;
	_ =	strace $0x90000053  }
0x6e: {  	s0 =	sadd.s32 @!p0 $0x100000, s0;
	[bflag:$0x2] =	sbarrier.arrive $0xFFFF  }
0x6f: {  	[sflag:s0] =	ssyncadd.tile.s32 @!p0 $0x1;
	_ =	shalt  }
.Lfunc_end2:
_tile_overlayer_lowered:
.L_overlay_start_2:
0x70: {  	(tag) =	ssettag $0x2  }
0x71: {  	s0 =	rddreg [dreg:$0x0];
	s2 =	stileid.u32  }
0x72: {  	s1 =	rddreg [dreg:$0x1];
	p0 =	sne.s32 s2, $0x0  }
0x73: {  	s3 =	rddreg [dreg:$0x2];
	[bflag:$0x3] =	sbarrier.arrive $0xFFFF;
	s2 =	simm.s32 @!p0 $0x1C01  }
0x74: {  	[timem:s3], [sflag:s2] =	dma.local @!p0 [hbm:s0], s1  }
0x75: {  	s0 =	simm.s32 @!p0 $0x1  }
0x76: {  	_ =	swait.ge @!p0 [sflag:s0], s1  }
0x77: {  	s1 =	ssub.s32 @!p0 $0x0, s1;
	[sflag:s0] =	ssyncset.done @!p0 $0x0  }
0x78: {  	[sflag:s0] =	ssyncadd.s32 @!p0 s1  }
0x79: {  	[bflag:$0x3] =	sbarrier.arrive $0xFFFF  }
0x7a: {  	_ =	shalt  }

</sc_bundles>
